<compile_context>
chip_gen: v7x
topology: tpu7x:2x2x1
jax: 0.10.2.dev20260603
libtpu: 0.0.44.dev20260713+nightly
codegen_flags: <defaults>
</compile_context>

<pallas_src>
import functools

import jax
import jax.numpy as jnp
from jax import lax
from jax.experimental import pallas as pl
from jax.experimental.pallas import tpu as pltpu
from jax.experimental.pallas import tpu_sc as plsc

L = 16
NC = 2
NS = 16
NW = NC * NS
CH = 128

def _mesh():
  return plsc.VectorSubcoreMesh(core_axis_name="c", subcore_axis_name="s")


def _zero_vmem_2d(ref, rows, cols):
  def row_body(r, _):
    for k in range(cols // L):
      ref[r, pl.ds(k * L, L)] = jnp.zeros((L,), jnp.float32)
    return ()
  lax.fori_loop(0, rows, row_body, ())


def _make_deg_kernel(n_pad, nch, nproc):
  rpt = n_pad // NS

  @functools.partial(
      pl.kernel,
      mesh=_mesh(),
      out_type=jax.ShapeDtypeStruct((NC * n_pad,), jnp.float32),
      scratch_types=[
          pltpu.VMEM((nch, CH), jnp.int32),
          pltpu.VMEM((CH,), jnp.float32),
          pltpu.VMEM((rpt,), jnp.float32),
          pltpu.VMEM_SHARED((n_pad,), jnp.float32),
          pltpu.SemaphoreType.DMA,
      ],
  )
  def deg_kernel(dst_hbm, out_hbm, dst_v, ones_v, zero_v, acc, sem):
    c = lax.axis_index("c")
    s = lax.axis_index("s")
    wid = s * NC + c
    pltpu.sync_copy(dst_hbm.at[pl.ds(wid * nch, nch)], dst_v)
    for k in range(CH // L):
      ones_v[pl.ds(k * L, L)] = jnp.ones((L,), jnp.float32)
    def zbody(i, _):
      zero_v[pl.ds(i * L, L)] = jnp.zeros((L,), jnp.float32)
      return ()
    lax.fori_loop(0, rpt // L, zbody, ())
    pltpu.sync_copy(zero_v, acc.at[pl.ds(s * rpt, rpt)])
    plsc.subcore_barrier()

    def body(j, _):
      pltpu.async_copy(ones_v, acc.at[dst_v.at[j]], sem, add=True)
      return ()
    lax.fori_loop(0, nproc, body, ())
    def drain(j, _):
      pltpu.make_async_copy(ones_v, acc.at[dst_v.at[j]], sem).wait()
      return ()
    lax.fori_loop(0, nproc, drain, ())

    plsc.subcore_barrier()
    pltpu.sync_copy(acc.at[pl.ds(s * rpt, rpt)],
                    out_hbm.at[pl.ds(c * n_pad + s * rpt, rpt)])

  return deg_kernel


def _make_agg_kernel(n_pad, d, nch, nproc):
  rpt = n_pad // NS

  @functools.partial(
      pl.kernel,
      mesh=_mesh(),
      out_type=jax.ShapeDtypeStruct((NC, n_pad, d), jnp.float32),
      scratch_types=[
          pltpu.VMEM((CH, d), jnp.float32),
          pltpu.VMEM((CH, d), jnp.float32),
          pltpu.VMEM((((nproc // 2 + 7) // 8) * 8, CH), jnp.int32),
          pltpu.VMEM((((nproc // 2 + 7) // 8) * 8, CH), jnp.int32),
          pltpu.VMEM_SHARED((n_pad, d), jnp.float32),
          pltpu.SemaphoreType.DMA,
          pltpu.SemaphoreType.DMA,
      ],
  )
  def agg_kernel(g_hbm, src_hbm, dst_hbm, out_hbm,
                 buf0, buf1, sidx_v, didx_v, acc, gs0, gs1):
    HH = CH // 2
    c = lax.axis_index("c")
    s = lax.axis_index("s")
    wid = s * NC + c
    base = wid * nch
    nph0 = ((nproc // 2 + 7) // 8) * 8
    procs = (nph0, nproc - nph0)
    stages = (nph0, ((nproc - nph0 + 7) // 8) * 8)
    bufs = (buf0, buf1)
    gsems = (gs0, gs1)

    _zero_vmem_2d(buf0, CH, d)
    for k in range(rpt // CH):
      pltpu.sync_copy(buf0, acc.at[pl.ds(s * rpt + k * CH, CH)])

    for p in range(2):
      nph = procs[p]
      nst = stages[p]
      poff = base + p * procs[0]
      pltpu.sync_copy(src_hbm.at[pl.ds(poff, nst)],
                      sidx_v.at[pl.ds(0, nst)])
      pltpu.sync_copy(dst_hbm.at[pl.ds(poff, nst)],
                      didx_v.at[pl.ds(0, nst)])
      def start_gather(j, t):
        pltpu.async_copy(g_hbm.at[sidx_v.at[j, pl.ds(0, HH)]],
                         bufs[t].at[pl.ds(0, HH)], gsems[t])
        pltpu.async_copy(g_hbm.at[sidx_v.at[j, pl.ds(HH, HH)]],
                         bufs[t].at[pl.ds(HH, HH)], gsems[t])

      def wait_gather(j, t):
        pltpu.make_async_copy(g_hbm.at[sidx_v.at[j]], bufs[t],
                              gsems[t]).wait()

      start_gather(0, 0)
      start_gather(1, 1)
      if p == 0:
        plsc.subcore_barrier()

      def body(i, _):
        for t in range(2):
          j = 2 * i + t
          wait_gather(j, t)
          pltpu.sync_copy(bufs[t], acc.at[didx_v.at[j]], add=True)
          start_gather(j + 2, t)
        return ()
      lax.fori_loop(0, nph // 2 - 1, body, ())

      for t in range(2):
        j = nph - 2 + t
        wait_gather(j, t)
        pltpu.sync_copy(bufs[t], acc.at[didx_v.at[j]], add=True)

    plsc.subcore_barrier()
    pltpu.sync_copy(acc.at[pl.ds(s * rpt, rpt)],
                    out_hbm.at[c].at[pl.ds(s * rpt, rpt)])

  return agg_kernel



_BM = 1024


def _dinv_scale_body(degp_ref, x_ref, w_ref, db_ref, g_ref):
  nb = _BM // 128
  deg = degp_ref[0] + degp_ref[1]
  dv = lax.rsqrt(jnp.maximum(deg, 1e-12))
  sel = (lax.broadcasted_iota(jnp.int32, (_BM, nb), 0) // 128
         == lax.broadcasted_iota(jnp.int32, (_BM, nb), 1))
  rep = jnp.dot(sel.astype(jnp.float32), dv,
                preferred_element_type=jnp.float32)
  rows = lax.broadcasted_iota(jnp.int32, (_BM, 128), 0)
  cols = lax.broadcasted_iota(jnp.int32, (_BM, 128), 1)
  picked = jnp.where(cols == rows % 128, rep, 0.0)
  dvb = jnp.broadcast_to(jnp.sum(picked, axis=1, keepdims=True),
                         (_BM, 128))
  db_ref[...] = dvb
  h = jnp.dot(x_ref[...], w_ref[...], preferred_element_type=jnp.float32)
  g_ref[...] = h * dvb


def _mid_body(p_ref, db_ref, w_ref, b_ref, o_ref):
  dvb = db_ref[...]
  z = jnp.maximum((p_ref[0] + p_ref[1]) * dvb + b_ref[...], 0.0)
  o_ref[...] = jnp.dot(z, w_ref[...],
                       preferred_element_type=jnp.float32) * dvb


def _final_body(p_ref, db_ref, b_ref, o_ref):
  o_ref[...] = (p_ref[0] + p_ref[1]) * db_ref[...] + b_ref[...]


def _row_spec(d):
  return pl.BlockSpec((_BM, d), lambda i: (i, 0))


def _pair_spec(d):
  return pl.BlockSpec((NC, _BM, d), lambda i: (0, i, 0))


def _full_spec(shape):
  return pl.BlockSpec(shape, lambda i: tuple(0 for _ in shape))


def kernel(x, edge_index, W1, b1, W2, b2):
  n, d = x.shape
  e = edge_index.shape[1]
  assert d == 128

  n_pad = ((n + 2047) // 2048) * 2048
  e2 = e + n
  nproc = (((e2 + NW * CH - 1) // (NW * CH) + 1) // 2) * 2
  nch = ((nproc + 7) // 8) * 8
  e_proc = nproc * NW * CH
  grid = n_pad // _BM

  x_pad = jnp.concatenate([x, jnp.zeros((n_pad - n, d), jnp.float32)], axis=0)
  loop = jnp.arange(n, dtype=jnp.int32)
  n_extra = n_pad - n
  pad_src = jnp.arange(e_proc - e2, dtype=jnp.int32) % n
  pad_dst = n + (jnp.arange(e_proc - e2, dtype=jnp.int32) % n_extra)

  def tile_major(arr3):
    fill = jnp.zeros((NW, nch - nproc, CH), jnp.int32)
    return jnp.concatenate([arr3, fill], axis=1).reshape(NW * nch, CH)

  src2 = tile_major(
      jnp.concatenate([edge_index[0], loop, pad_src]).reshape(NW, nproc, CH))
  dst2 = tile_major(
      jnp.concatenate([edge_index[1], loop, pad_dst]).reshape(NW, nproc, CH))
  b1r = b1.reshape(1, d)
  b2r = b2.reshape(1, d)

  deg_kernel = _make_deg_kernel(n_pad, nch, nproc)
  agg_kernel = _make_agg_kernel(n_pad, d, nch, nproc)

  degp = deg_kernel(dst2)

  dinvb, g1 = pl.pallas_call(
      _dinv_scale_body,
      grid=(grid,),
      in_specs=[pl.BlockSpec((NC, _BM // 128, 128), lambda i: (0, i, 0)),
                _row_spec(d), _full_spec((d, d))],
      out_specs=[_row_spec(d), _row_spec(d)],
      out_shape=[jax.ShapeDtypeStruct((n_pad, d), jnp.float32),
                 jax.ShapeDtypeStruct((n_pad, d), jnp.float32)],
  )(degp.reshape(NC, n_pad // 128, 128), x_pad, W1)

  p1 = agg_kernel(g1, src2, dst2)

  g2 = pl.pallas_call(
      _mid_body,
      grid=(grid,),
      in_specs=[_pair_spec(d), _row_spec(d), _full_spec((d, d)),
                _full_spec((1, d))],
      out_specs=_row_spec(d),
      out_shape=jax.ShapeDtypeStruct((n_pad, d), jnp.float32),
  )(p1, dinvb, W2, b1r)

  p2 = agg_kernel(g2, src2, dst2)

  bmf = 1000
  assert n % bmf == 0 and bmf % 8 == 0
  out = pl.pallas_call(
      _final_body,
      grid=(n // bmf,),
      in_specs=[pl.BlockSpec((NC, bmf, d), lambda i: (0, i, 0)),
                pl.BlockSpec((bmf, d), lambda i: (i, 0)),
                _full_spec((1, d))],
      out_specs=pl.BlockSpec((bmf, d), lambda i: (i, 0)),
      out_shape=jax.ShapeDtypeStruct((n, d), jnp.float32),
  )(p2, dinvb, b2r)

  return out

# --- scband reference (transcript-rebuilt; emitter-appended) ---
"""Pipeline reference for scband-base-gcn-14267881357922 (READ-ONLY COPY).

The authoritative reference and input builder live on the scoring server;
editing this copy changes nothing except your own understanding.
"""

import jax, jax.numpy as jnp
import numpy as np

N = 10000
E = 320000
D = 128


def setup_inputs(seed: int = 0) -> dict:
    key = jax.random.key(seed)
    k1, k2, k3, k4, k5, k6 = jax.random.split(key, 6)
    x = jax.random.normal(k1, (N, D), dtype=jnp.float32)
    edge_index = jax.random.randint(k2, (2, E), 0, N, dtype=jnp.int32)
    s = 1.0 / np.sqrt(D)
    W1 = jax.random.normal(k3, (D, D), dtype=jnp.float32) * s
    b1 = jnp.zeros((D,), dtype=jnp.float32)
    W2 = jax.random.normal(k4, (D, D), dtype=jnp.float32) * s
    b2 = jnp.zeros((D,), dtype=jnp.float32)
    return {"x": x, "edge_index": edge_index, "W1": W1, "b1": b1, "W2": W2, "b2": b2}


def _gcn_conv(x, W, b, src, dst, num_nodes):
    # GCNConv: linear transform, add self-loops, symmetric deg normalization, scatter-add aggregate
    h = x @ W
    loop = jnp.arange(num_nodes, dtype=src.dtype)
    src2 = jnp.concatenate([src, loop])
    dst2 = jnp.concatenate([dst, loop])
    ones = jnp.ones(src2.shape[0], dtype=h.dtype)
    deg = jax.ops.segment_sum(ones, dst2, num_segments=num_nodes)
    dinv = jnp.where(deg > 0, jax.lax.rsqrt(jnp.maximum(deg, 1e-12)), 0.0)
    norm = dinv[src2] * dinv[dst2]
    msg = h[src2] * norm[:, None]
    out = jax.ops.segment_sum(msg, dst2, num_segments=num_nodes)
    return out + b


def reference(x, edge_index, W1, b1, W2, b2):
    # BaseGCN.forward: conv0 -> (relu -> dropout -> conv)* -> projection_head (Identity)
    # dropout is identity in eval mode
    src = edge_index[0]
    dst = edge_index[1]
    h = _gcn_conv(x, W1, b1, src, dst, N)
    h = jax.nn.relu(h)
    h = _gcn_conv(h, W2, b2, src, dst, N)
    return h

if __name__ == "__main__":
    import jax
    _d = setup_inputs()
    print(jax.jit(kernel)(*tuple(_d.values())))

</pallas_src>

<mosaic_0001>
#map = affine_map<(d0, d1) -> (0, 0)>
#map1 = affine_map<(d0, d1) -> (0, 0, 0)>
module attributes {stable_mosaic.version = 14 : i64} {
  func.func @agg_kernel(%arg0: i32, %arg1: i32, %arg2: memref<10240x128xf32, #tpu.memory_space<hbm>>, %arg3: memref<2816x128xi32, #tpu.memory_space<hbm>>, %arg4: memref<2816x128xi32, #tpu.memory_space<hbm>>, %arg5: memref<2x10240x128xf32, #tpu.memory_space<hbm>>, %arg6: memref<128x128xf32, #tpu.memory_space<vmem>>, %arg7: memref<128x128xf32, #tpu.memory_space<vmem>>, %arg8: memref<48x128xi32, #tpu.memory_space<vmem>>, %arg9: memref<48x128xi32, #tpu.memory_space<vmem>>, %arg10: memref<10240x128xf32, #tpu.memory_space<vmem_shared>>, %arg11: memref<!tpu.dma_semaphore, #tpu.memory_space<semaphore_mem>>, %arg12: memref<!tpu.dma_semaphore, #tpu.memory_space<semaphore_mem>>) attributes {dimension_semantics = [#tpu.dimension_semantics<core_parallel>, #tpu.dimension_semantics<subcore_parallel>], iteration_bounds = array<i64: 2, 16>, scalar_prefetch = 0 : i64, scratch_operands = 7 : i64, tpu.core_type = #tpu.core_type<sc_vector_subcore>, window_params = [{transform_indices = #map}, {transform_indices = #map}, {transform_indices = #map}, {transform_indices = #map1}]} {
    %mul3A = arith.constant 2 : i32
    %mul3A_0 = arith.muli %arg1, %mul3A : i32
    %add3A = arith.addi %mul3A_0, %arg0 : i32
    %mul3A_1 = arith.constant 88 : i32
    %mul3A_2 = arith.muli %add3A, %mul3A_1 : i32
    %scan3A = arith.constant 0 : i32
    %scan3A_3 = arith.constant 128 : i32
    %scan3A_4 = arith.addi %scan3A, %scan3A_3 : i32
    %scan3A_5 = arith.constant 1 : i32
    scf.for %scan3A_155 = %scan3A to %scan3A_4 step %scan3A_5  : i32 {
      %broadcast_in_dim3A = arith.constant 0.000000e+00 : f32
      %broadcast_in_dim3A_156 = vector.broadcast %broadcast_in_dim3A : f32 to vector<16xf32>
      %swap3A = arith.index_cast %scan3A_155 : i32 to index
      %swap3A_157 = arith.constant 0 : index
      %swap3A_158 = tpu.vector_load %arg6[%swap3A, %swap3A_157] {strides = array<i32>} : memref<128x128xf32, #tpu.memory_space<vmem>>, vector<1x16xf32>,
      %swap3A_159 = vector.shape_cast %swap3A_158 : vector<1x16xf32> to vector<16xf32>
      %swap3A_160 = vector.shape_cast %broadcast_in_dim3A_156 : vector<16xf32> to vector<1x16xf32>
      tpu.vector_store %arg6[%swap3A, %swap3A_157], %swap3A_160 {strides = array<i32>} : memref<128x128xf32, #tpu.memory_space<vmem>>, vector<1x16xf32>,
      %broadcast_in_dim3A_161 = arith.constant 0.000000e+00 : f32
      %broadcast_in_dim3A_162 = vector.broadcast %broadcast_in_dim3A_161 : f32 to vector<16xf32>
      %swap3A_163 = arith.index_cast %scan3A_155 : i32 to index
      %swap3A_164 = arith.constant 16 : index
      %swap3A_165 = tpu.vector_load %arg6[%swap3A_163, %swap3A_164] {strides = array<i32>} : memref<128x128xf32, #tpu.memory_space<vmem>>, vector<1x16xf32>,
      %swap3A_166 = vector.shape_cast %swap3A_165 : vector<1x16xf32> to vector<16xf32>
      %swap3A_167 = vector.shape_cast %broadcast_in_dim3A_162 : vector<16xf32> to vector<1x16xf32>
      tpu.vector_store %arg6[%swap3A_163, %swap3A_164], %swap3A_167 {strides = array<i32>} : memref<128x128xf32, #tpu.memory_space<vmem>>, vector<1x16xf32>,
      %broadcast_in_dim3A_168 = arith.constant 0.000000e+00 : f32
      %broadcast_in_dim3A_169 = vector.broadcast %broadcast_in_dim3A_168 : f32 to vector<16xf32>
      %swap3A_170 = arith.index_cast %scan3A_155 : i32 to index
      %swap3A_171 = arith.constant 32 : index
      %swap3A_172 = tpu.vector_load %arg6[%swap3A_170, %swap3A_171] {strides = array<i32>} : memref<128x128xf32, #tpu.memory_space<vmem>>, vector<1x16xf32>,
      %swap3A_173 = vector.shape_cast %swap3A_172 : vector<1x16xf32> to vector<16xf32>
      %swap3A_174 = vector.shape_cast %broadcast_in_dim3A_169 : vector<16xf32> to vector<1x16xf32>
      tpu.vector_store %arg6[%swap3A_170, %swap3A_171], %swap3A_174 {strides = array<i32>} : memref<128x128xf32, #tpu.memory_space<vmem>>, vector<1x16xf32>,
      %broadcast_in_dim3A_175 = arith.constant 0.000000e+00 : f32
      %broadcast_in_dim3A_176 = vector.broadcast %broadcast_in_dim3A_175 : f32 to vector<16xf32>
      %swap3A_177 = arith.index_cast %scan3A_155 : i32 to index
      %swap3A_178 = arith.constant 48 : index
      %swap3A_179 = tpu.vector_load %arg6[%swap3A_177, %swap3A_178] {strides = array<i32>} : memref<128x128xf32, #tpu.memory_space<vmem>>, vector<1x16xf32>,
      %swap3A_180 = vector.shape_cast %swap3A_179 : vector<1x16xf32> to vector<16xf32>
      %swap3A_181 = vector.shape_cast %broadcast_in_dim3A_176 : vector<16xf32> to vector<1x16xf32>
      tpu.vector_store %arg6[%swap3A_177, %swap3A_178], %swap3A_181 {strides = array<i32>} : memref<128x128xf32, #tpu.memory_space<vmem>>, vector<1x16xf32>,
      %broadcast_in_dim3A_182 = arith.constant 0.000000e+00 : f32
      %broadcast_in_dim3A_183 = vector.broadcast %broadcast_in_dim3A_182 : f32 to vector<16xf32>
      %swap3A_184 = arith.index_cast %scan3A_155 : i32 to index
      %swap3A_185 = arith.constant 64 : index
      %swap3A_186 = tpu.vector_load %arg6[%swap3A_184, %swap3A_185] {strides = array<i32>} : memref<128x128xf32, #tpu.memory_space<vmem>>, vector<1x16xf32>,
      %swap3A_187 = vector.shape_cast %swap3A_186 : vector<1x16xf32> to vector<16xf32>
      %swap3A_188 = vector.shape_cast %broadcast_in_dim3A_183 : vector<16xf32> to vector<1x16xf32>
      tpu.vector_store %arg6[%swap3A_184, %swap3A_185], %swap3A_188 {strides = array<i32>} : memref<128x128xf32, #tpu.memory_space<vmem>>, vector<1x16xf32>,
      %broadcast_in_dim3A_189 = arith.constant 0.000000e+00 : f32
      %broadcast_in_dim3A_190 = vector.broadcast %broadcast_in_dim3A_189 : f32 to vector<16xf32>
      %swap3A_191 = arith.index_cast %scan3A_155 : i32 to index
      %swap3A_192 = arith.constant 80 : index
      %swap3A_193 = tpu.vector_load %arg6[%swap3A_191, %swap3A_192] {strides = array<i32>} : memref<128x128xf32, #tpu.memory_space<vmem>>, vector<1x16xf32>,
      %swap3A_194 = vector.shape_cast %swap3A_193 : vector<1x16xf32> to vector<16xf32>
      %swap3A_195 = vector.shape_cast %broadcast_in_dim3A_190 : vector<16xf32> to vector<1x16xf32>
      tpu.vector_store %arg6[%swap3A_191, %swap3A_192], %swap3A_195 {strides = array<i32>} : memref<128x128xf32, #tpu.memory_space<vmem>>, vector<1x16xf32>,
      %broadcast_in_dim3A_196 = arith.constant 0.000000e+00 : f32
      %broadcast_in_dim3A_197 = vector.broadcast %broadcast_in_dim3A_196 : f32 to vector<16xf32>
      %swap3A_198 = arith.index_cast %scan3A_155 : i32 to index
      %swap3A_199 = arith.constant 96 : index
      %swap3A_200 = tpu.vector_load %arg6[%swap3A_198, %swap3A_199] {strides = array<i32>} : memref<128x128xf32, #tpu.memory_space<vmem>>, vector<1x16xf32>,
      %swap3A_201 = vector.shape_cast %swap3A_200 : vector<1x16xf32> to vector<16xf32>
      %swap3A_202 = vector.shape_cast %broadcast_in_dim3A_197 : vector<16xf32> to vector<1x16xf32>
      tpu.vector_store %arg6[%swap3A_198, %swap3A_199], %swap3A_202 {strides = array<i32>} : memref<128x128xf32, #tpu.memory_space<vmem>>, vector<1x16xf32>,
      %broadcast_in_dim3A_203 = arith.constant 0.000000e+00 : f32
      %broadcast_in_dim3A_204 = vector.broadcast %broadcast_in_dim3A_203 : f32 to vector<16xf32>
      %swap3A_205 = arith.index_cast %scan3A_155 : i32 to index
      %swap3A_206 = arith.constant 112 : index
      %swap3A_207 = tpu.vector_load %arg6[%swap3A_205, %swap3A_206] {strides = array<i32>} : memref<128x128xf32, #tpu.memory_space<vmem>>, vector<1x16xf32>,
      %swap3A_208 = vector.shape_cast %swap3A_207 : vector<1x16xf32> to vector<16xf32>
      %swap3A_209 = vector.shape_cast %broadcast_in_dim3A_204 : vector<16xf32> to vector<1x16xf32>
      tpu.vector_store %arg6[%swap3A_205, %swap3A_206], %swap3A_209 {strides = array<i32>} : memref<128x128xf32, #tpu.memory_space<vmem>>, vector<1x16xf32>,
    }
    %scan3A_6 = arith.constant 128 : i32
    %mul3A_7 = arith.constant 640 : i32
    %mul3A_8 = arith.muli %arg1, %mul3A_7 : i32
    %add3A_9 = arith.constant 0 : i32
    %add3A_10 = arith.addi %mul3A_8, %add3A_9 : i32
    "tpu.region"() ({
      %run_scoped3A_155 = tpu.sem_alloc : memref<!tpu.dma_semaphore, #tpu.memory_space<semaphore_mem>>
      %dma_start3A_156 = arith.constant 0 : i32
      %dma_start3A_157 = tpu.memref_slice %arg10[%add3A_10, %dma_start3A_156] : memref<10240x128xf32, #tpu.memory_space<vmem_shared>> -> memref<128x128xf32, #tpu.memory_space<vmem_shared>>
      %dma_start3A_158 = arith.constant 0 : i32
      %dma_start3A_159 = tpu.memref_slice %arg10[%add3A_10, %dma_start3A_158] : memref<10240x128xf32, #tpu.memory_space<vmem_shared>> -> memref<128x128xf32, #tpu.memory_space<vmem_shared>>
      tpu.enqueue_dma source(%arg6 : memref<128x128xf32, #tpu.memory_space<vmem>>) target(%dma_start3A_159 : memref<128x128xf32, #tpu.memory_space<vmem_shared>>) target_semaphore(%run_scoped3A_155 : memref<!tpu.dma_semaphore, #tpu.memory_space<semaphore_mem>>)
      %dma_wait3A_160 = arith.constant 0 : i32
      %dma_wait3A_161 = tpu.memref_slice %arg10[%add3A_10, %dma_wait3A_160] : memref<10240x128xf32, #tpu.memory_space<vmem_shared>> -> memref<128x128xf32, #tpu.memory_space<vmem_shared>>
      %dma_wait3A_162 = arith.constant 0 : i32
      %dma_wait3A_163 = tpu.memref_slice %arg10[%add3A_10, %dma_wait3A_162] : memref<10240x128xf32, #tpu.memory_space<vmem_shared>> -> memref<128x128xf32, #tpu.memory_space<vmem_shared>>
      tpu.wait_dma2 semaphore(%run_scoped3A_155 : memref<!tpu.dma_semaphore, #tpu.memory_space<semaphore_mem>>) src(%arg6 : memref<128x128xf32, #tpu.memory_space<vmem>>) dst(%dma_wait3A_163 : memref<128x128xf32, #tpu.memory_space<vmem_shared>>)
      tpu.yield
    }) : () -> ()
    %mul3A_11 = arith.constant 640 : i32
    %mul3A_12 = arith.muli %arg1, %mul3A_11 : i32
    %add3A_13 = arith.constant 128 : i32
    %add3A_14 = arith.addi %mul3A_12, %add3A_13 : i32
    "tpu.region"() ({
      %run_scoped3A_155 = tpu.sem_alloc : memref<!tpu.dma_semaphore, #tpu.memory_space<semaphore_mem>>
      %dma_start3A_156 = arith.constant 0 : i32
      %dma_start3A_157 = tpu.memref_slice %arg10[%add3A_14, %dma_start3A_156] : memref<10240x128xf32, #tpu.memory_space<vmem_shared>> -> memref<128x128xf32, #tpu.memory_space<vmem_shared>>
      %dma_start3A_158 = arith.constant 0 : i32
      %dma_start3A_159 = tpu.memref_slice %arg10[%add3A_14, %dma_start3A_158] : memref<10240x128xf32, #tpu.memory_space<vmem_shared>> -> memref<128x128xf32, #tpu.memory_space<vmem_shared>>
      tpu.enqueue_dma source(%arg6 : memref<128x128xf32, #tpu.memory_space<vmem>>) target(%dma_start3A_159 : memref<128x128xf32, #tpu.memory_space<vmem_shared>>) target_semaphore(%run_scoped3A_155 : memref<!tpu.dma_semaphore, #tpu.memory_space<semaphore_mem>>)
      %dma_wait3A_160 = arith.constant 0 : i32
      %dma_wait3A_161 = tpu.memref_slice %arg10[%add3A_14, %dma_wait3A_160] : memref<10240x128xf32, #tpu.memory_space<vmem_shared>> -> memref<128x128xf32, #tpu.memory_space<vmem_shared>>
      %dma_wait3A_162 = arith.constant 0 : i32
      %dma_wait3A_163 = tpu.memref_slice %arg10[%add3A_14, %dma_wait3A_162] : memref<10240x128xf32, #tpu.memory_space<vmem_shared>> -> memref<128x128xf32, #tpu.memory_space<vmem_shared>>
      tpu.wait_dma2 semaphore(%run_scoped3A_155 : memref<!tpu.dma_semaphore, #tpu.memory_space<semaphore_mem>>) src(%arg6 : memref<128x128xf32, #tpu.memory_space<vmem>>) dst(%dma_wait3A_163 : memref<128x128xf32, #tpu.memory_space<vmem_shared>>)
      tpu.yield
    }) : () -> ()
    %mul3A_15 = arith.constant 640 : i32
    %mul3A_16 = arith.muli %arg1, %mul3A_15 : i32
    %add3A_17 = arith.constant 256 : i32
    %add3A_18 = arith.addi %mul3A_16, %add3A_17 : i32
    "tpu.region"() ({
      %run_scoped3A_155 = tpu.sem_alloc : memref<!tpu.dma_semaphore, #tpu.memory_space<semaphore_mem>>
      %dma_start3A_156 = arith.constant 0 : i32
      %dma_start3A_157 = tpu.memref_slice %arg10[%add3A_18, %dma_start3A_156] : memref<10240x128xf32, #tpu.memory_space<vmem_shared>> -> memref<128x128xf32, #tpu.memory_space<vmem_shared>>
      %dma_start3A_158 = arith.constant 0 : i32
      %dma_start3A_159 = tpu.memref_slice %arg10[%add3A_18, %dma_start3A_158] : memref<10240x128xf32, #tpu.memory_space<vmem_shared>> -> memref<128x128xf32, #tpu.memory_space<vmem_shared>>
      tpu.enqueue_dma source(%arg6 : memref<128x128xf32, #tpu.memory_space<vmem>>) target(%dma_start3A_159 : memref<128x128xf32, #tpu.memory_space<vmem_shared>>) target_semaphore(%run_scoped3A_155 : memref<!tpu.dma_semaphore, #tpu.memory_space<semaphore_mem>>)
      %dma_wait3A_160 = arith.constant 0 : i32
      %dma_wait3A_161 = tpu.memref_slice %arg10[%add3A_18, %dma_wait3A_160] : memref<10240x128xf32, #tpu.memory_space<vmem_shared>> -> memref<128x128xf32, #tpu.memory_space<vmem_shared>>
      %dma_wait3A_162 = arith.constant 0 : i32
      %dma_wait3A_163 = tpu.memref_slice %arg10[%add3A_18, %dma_wait3A_162] : memref<10240x128xf32, #tpu.memory_space<vmem_shared>> -> memref<128x128xf32, #tpu.memory_space<vmem_shared>>
      tpu.wait_dma2 semaphore(%run_scoped3A_155 : memref<!tpu.dma_semaphore, #tpu.memory_space<semaphore_mem>>) src(%arg6 : memref<128x128xf32, #tpu.memory_space<vmem>>) dst(%dma_wait3A_163 : memref<128x128xf32, #tpu.memory_space<vmem_shared>>)
      tpu.yield
    }) : () -> ()
    %mul3A_19 = arith.constant 640 : i32
    %mul3A_20 = arith.muli %arg1, %mul3A_19 : i32
    %add3A_21 = arith.constant 384 : i32
    %add3A_22 = arith.addi %mul3A_20, %add3A_21 : i32
    "tpu.region"() ({
      %run_scoped3A_155 = tpu.sem_alloc : memref<!tpu.dma_semaphore, #tpu.memory_space<semaphore_mem>>
      %dma_start3A_156 = arith.constant 0 : i32
      %dma_start3A_157 = tpu.memref_slice %arg10[%add3A_22, %dma_start3A_156] : memref<10240x128xf32, #tpu.memory_space<vmem_shared>> -> memref<128x128xf32, #tpu.memory_space<vmem_shared>>
      %dma_start3A_158 = arith.constant 0 : i32
      %dma_start3A_159 = tpu.memref_slice %arg10[%add3A_22, %dma_start3A_158] : memref<10240x128xf32, #tpu.memory_space<vmem_shared>> -> memref<128x128xf32, #tpu.memory_space<vmem_shared>>
      tpu.enqueue_dma source(%arg6 : memref<128x128xf32, #tpu.memory_space<vmem>>) target(%dma_start3A_159 : memref<128x128xf32, #tpu.memory_space<vmem_shared>>) target_semaphore(%run_scoped3A_155 : memref<!tpu.dma_semaphore, #tpu.memory_space<semaphore_mem>>)
      %dma_wait3A_160 = arith.constant 0 : i32
      %dma_wait3A_161 = tpu.memref_slice %arg10[%add3A_22, %dma_wait3A_160] : memref<10240x128xf32, #tpu.memory_space<vmem_shared>> -> memref<128x128xf32, #tpu.memory_space<vmem_shared>>
      %dma_wait3A_162 = arith.constant 0 : i32
      %dma_wait3A_163 = tpu.memref_slice %arg10[%add3A_22, %dma_wait3A_162] : memref<10240x128xf32, #tpu.memory_space<vmem_shared>> -> memref<128x128xf32, #tpu.memory_space<vmem_shared>>
      tpu.wait_dma2 semaphore(%run_scoped3A_155 : memref<!tpu.dma_semaphore, #tpu.memory_space<semaphore_mem>>) src(%arg6 : memref<128x128xf32, #tpu.memory_space<vmem>>) dst(%dma_wait3A_163 : memref<128x128xf32, #tpu.memory_space<vmem_shared>>)
      tpu.yield
    }) : () -> ()
    %mul3A_23 = arith.constant 640 : i32
    %mul3A_24 = arith.muli %arg1, %mul3A_23 : i32
    %add3A_25 = arith.constant 512 : i32
    %add3A_26 = arith.addi %mul3A_24, %add3A_25 : i32
    "tpu.region"() ({
      %run_scoped3A_155 = tpu.sem_alloc : memref<!tpu.dma_semaphore, #tpu.memory_space<semaphore_mem>>
      %dma_start3A_156 = arith.constant 0 : i32
      %dma_start3A_157 = tpu.memref_slice %arg10[%add3A_26, %dma_start3A_156] : memref<10240x128xf32, #tpu.memory_space<vmem_shared>> -> memref<128x128xf32, #tpu.memory_space<vmem_shared>>
      %dma_start3A_158 = arith.constant 0 : i32
      %dma_start3A_159 = tpu.memref_slice %arg10[%add3A_26, %dma_start3A_158] : memref<10240x128xf32, #tpu.memory_space<vmem_shared>> -> memref<128x128xf32, #tpu.memory_space<vmem_shared>>
      tpu.enqueue_dma source(%arg6 : memref<128x128xf32, #tpu.memory_space<vmem>>) target(%dma_start3A_159 : memref<128x128xf32, #tpu.memory_space<vmem_shared>>) target_semaphore(%run_scoped3A_155 : memref<!tpu.dma_semaphore, #tpu.memory_space<semaphore_mem>>)
      %dma_wait3A_160 = arith.constant 0 : i32
      %dma_wait3A_161 = tpu.memref_slice %arg10[%add3A_26, %dma_wait3A_160] : memref<10240x128xf32, #tpu.memory_space<vmem_shared>> -> memref<128x128xf32, #tpu.memory_space<vmem_shared>>
      %dma_wait3A_162 = arith.constant 0 : i32
      %dma_wait3A_163 = tpu.memref_slice %arg10[%add3A_26, %dma_wait3A_162] : memref<10240x128xf32, #tpu.memory_space<vmem_shared>> -> memref<128x128xf32, #tpu.memory_space<vmem_shared>>
      tpu.wait_dma2 semaphore(%run_scoped3A_155 : memref<!tpu.dma_semaphore, #tpu.memory_space<semaphore_mem>>) src(%arg6 : memref<128x128xf32, #tpu.memory_space<vmem>>) dst(%dma_wait3A_163 : memref<128x128xf32, #tpu.memory_space<vmem_shared>>)
      tpu.yield
    }) : () -> ()
    %add3A_27 = arith.constant 0 : i32
    %add3A_28 = arith.addi %mul3A_2, %add3A_27 : i32
    "tpu.region"() ({
      %run_scoped3A_155 = tpu.sem_alloc : memref<!tpu.dma_semaphore, #tpu.memory_space<semaphore_mem>>
      %dma_start3A_156 = arith.constant 0 : i32
      %dma_start3A_157 = arith.constant 0 : i32
      %dma_start3A_158 = tpu.memref_slice %arg8[%dma_start3A_156, %dma_start3A_157] : memref<48x128xi32, #tpu.memory_space<vmem>> -> memref<48x128xi32, #tpu.memory_space<vmem>>
      %dma_start3A_159 = arith.constant 0 : i32
      %dma_start3A_160 = tpu.memref_slice %arg3[%add3A_28, %dma_start3A_159] : memref<2816x128xi32, #tpu.memory_space<hbm>> -> memref<48x128xi32, #tpu.memory_space<hbm>>
      %dma_start3A_161 = arith.constant 0 : i32
      %dma_start3A_162 = arith.constant 0 : i32
      %dma_start3A_163 = tpu.memref_slice %arg8[%dma_start3A_161, %dma_start3A_162] : memref<48x128xi32, #tpu.memory_space<vmem>> -> memref<48x128xi32, #tpu.memory_space<vmem>>
      %dma_start3A_164 = arith.constant 0 : i32
      %dma_start3A_165 = tpu.memref_slice %arg3[%add3A_28, %dma_start3A_164] : memref<2816x128xi32, #tpu.memory_space<hbm>> -> memref<48x128xi32, #tpu.memory_space<hbm>>
      tpu.enqueue_dma source(%dma_start3A_165 : memref<48x128xi32, #tpu.memory_space<hbm>>) target(%dma_start3A_163 : memref<48x128xi32, #tpu.memory_space<vmem>>) target_semaphore(%run_scoped3A_155 : memref<!tpu.dma_semaphore, #tpu.memory_space<semaphore_mem>>)
      %dma_wait3A_166 = arith.constant 0 : i32
      %dma_wait3A_167 = arith.constant 0 : i32
      %dma_wait3A_168 = tpu.memref_slice %arg8[%dma_wait3A_166, %dma_wait3A_167] : memref<48x128xi32, #tpu.memory_space<vmem>> -> memref<48x128xi32, #tpu.memory_space<vmem>>
      %dma_wait3A_169 = arith.constant 0 : i32
      %dma_wait3A_170 = tpu.memref_slice %arg3[%add3A_28, %dma_wait3A_169] : memref<2816x128xi32, #tpu.memory_space<hbm>> -> memref<48x128xi32, #tpu.memory_space<hbm>>
      %dma_wait3A_171 = arith.constant 0 : i32
      %dma_wait3A_172 = arith.constant 0 : i32
      %dma_wait3A_173 = tpu.memref_slice %arg8[%dma_wait3A_171, %dma_wait3A_172] : memref<48x128xi32, #tpu.memory_space<vmem>> -> memref<48x128xi32, #tpu.memory_space<vmem>>
      %dma_wait3A_174 = arith.constant 0 : i32
      %dma_wait3A_175 = tpu.memref_slice %arg3[%add3A_28, %dma_wait3A_174] : memref<2816x128xi32, #tpu.memory_space<hbm>> -> memref<48x128xi32, #tpu.memory_space<hbm>>
      tpu.wait_dma2 semaphore(%run_scoped3A_155 : memref<!tpu.dma_semaphore, #tpu.memory_space<semaphore_mem>>) src(%dma_wait3A_175 : memref<48x128xi32, #tpu.memory_space<hbm>>) dst(%dma_wait3A_173 : memref<48x128xi32, #tpu.memory_space<vmem>>)
      tpu.yield
    }) : () -> ()
    "tpu.region"() ({
      %run_scoped3A_155 = tpu.sem_alloc : memref<!tpu.dma_semaphore, #tpu.memory_space<semaphore_mem>>
      %dma_start3A_156 = arith.constant 0 : i32
      %dma_start3A_157 = arith.constant 0 : i32
      %dma_start3A_158 = tpu.memref_slice %arg9[%dma_start3A_156, %dma_start3A_157] : memref<48x128xi32, #tpu.memory_space<vmem>> -> memref<48x128xi32, #tpu.memory_space<vmem>>
      %dma_start3A_159 = arith.constant 0 : i32
      %dma_start3A_160 = tpu.memref_slice %arg4[%add3A_28, %dma_start3A_159] : memref<2816x128xi32, #tpu.memory_space<hbm>> -> memref<48x128xi32, #tpu.memory_space<hbm>>
      %dma_start3A_161 = arith.constant 0 : i32
      %dma_start3A_162 = arith.constant 0 : i32
      %dma_start3A_163 = tpu.memref_slice %arg9[%dma_start3A_161, %dma_start3A_162] : memref<48x128xi32, #tpu.memory_space<vmem>> -> memref<48x128xi32, #tpu.memory_space<vmem>>
      %dma_start3A_164 = arith.constant 0 : i32
      %dma_start3A_165 = tpu.memref_slice %arg4[%add3A_28, %dma_start3A_164] : memref<2816x128xi32, #tpu.memory_space<hbm>> -> memref<48x128xi32, #tpu.memory_space<hbm>>
      tpu.enqueue_dma source(%dma_start3A_165 : memref<48x128xi32, #tpu.memory_space<hbm>>) target(%dma_start3A_163 : memref<48x128xi32, #tpu.memory_space<vmem>>) target_semaphore(%run_scoped3A_155 : memref<!tpu.dma_semaphore, #tpu.memory_space<semaphore_mem>>)
      %dma_wait3A_166 = arith.constant 0 : i32
      %dma_wait3A_167 = arith.constant 0 : i32
      %dma_wait3A_168 = tpu.memref_slice %arg9[%dma_wait3A_166, %dma_wait3A_167] : memref<48x128xi32, #tpu.memory_space<vmem>> -> memref<48x128xi32, #tpu.memory_space<vmem>>
      %dma_wait3A_169 = arith.constant 0 : i32
      %dma_wait3A_170 = tpu.memref_slice %arg4[%add3A_28, %dma_wait3A_169] : memref<2816x128xi32, #tpu.memory_space<hbm>> -> memref<48x128xi32, #tpu.memory_space<hbm>>
      %dma_wait3A_171 = arith.constant 0 : i32
      %dma_wait3A_172 = arith.constant 0 : i32
      %dma_wait3A_173 = tpu.memref_slice %arg9[%dma_wait3A_171, %dma_wait3A_172] : memref<48x128xi32, #tpu.memory_space<vmem>> -> memref<48x128xi32, #tpu.memory_space<vmem>>
      %dma_wait3A_174 = arith.constant 0 : i32
      %dma_wait3A_175 = tpu.memref_slice %arg4[%add3A_28, %dma_wait3A_174] : memref<2816x128xi32, #tpu.memory_space<hbm>> -> memref<48x128xi32, #tpu.memory_space<hbm>>
      tpu.wait_dma2 semaphore(%run_scoped3A_155 : memref<!tpu.dma_semaphore, #tpu.memory_space<semaphore_mem>>) src(%dma_wait3A_175 : memref<48x128xi32, #tpu.memory_space<hbm>>) dst(%dma_wait3A_173 : memref<48x128xi32, #tpu.memory_space<vmem>>)
      tpu.yield
    }) : () -> ()
    %dma_start3A = arith.constant 0 : i32
    %dma_start3A_29 = arith.constant 0 : i32
    %dma_start3A_30 = arith.constant 0 : i32
    %dma_start3A_31 = tpu.memref_slice %arg6[%dma_start3A_29, %dma_start3A_30] : memref<128x128xf32, #tpu.memory_space<vmem>> -> memref<64x128xf32, #tpu.memory_space<vmem>>
    %dma_start3A_32 = arith.constant 0 : i32
    %dma_start3A_33 = tpu.memref_slice %arg8[%dma_start3A, %dma_start3A_32] : memref<48x128xi32, #tpu.memory_space<vmem>> -> memref<1x64xi32, #tpu.memory_space<vmem>>
    %dma_start3A_34 = tpu.memref_squeeze %dma_start3A_33 : memref<1x64xi32, #tpu.memory_space<vmem>> -> memref<64xi32, #tpu.memory_space<vmem>>
    %dma_start3A_35 = arith.constant 0 : i32
    %dma_start3A_36 = arith.constant 0 : i32
    %dma_start3A_37 = tpu.memref_slice %arg2[%dma_start3A_35, %dma_start3A_36] : memref<10240x128xf32, #tpu.memory_space<hbm>> -> memref<10240x128xf32, #tpu.memory_space<hbm>>
    tpu.enqueue_indirect_dma source(%dma_start3A_37 : memref<10240x128xf32, #tpu.memory_space<hbm>>) target(%dma_start3A_31 : memref<64x128xf32, #tpu.memory_space<vmem>>) offsets(%dma_start3A_34 : memref<64xi32, #tpu.memory_space<vmem>>) semaphore(%arg11 : memref<!tpu.dma_semaphore, #tpu.memory_space<semaphore_mem>>)
    %dma_start3A_38 = arith.constant 0 : i32
    %dma_start3A_39 = arith.constant 64 : i32
    %dma_start3A_40 = arith.constant 0 : i32
    %dma_start3A_41 = tpu.memref_slice %arg6[%dma_start3A_39, %dma_start3A_40] : memref<128x128xf32, #tpu.memory_space<vmem>> -> memref<64x128xf32, #tpu.memory_space<vmem>>
    %dma_start3A_42 = arith.constant 64 : i32
    %dma_start3A_43 = tpu.memref_slice %arg8[%dma_start3A_38, %dma_start3A_42] : memref<48x128xi32, #tpu.memory_space<vmem>> -> memref<1x64xi32, #tpu.memory_space<vmem>>
    %dma_start3A_44 = tpu.memref_squeeze %dma_start3A_43 : memref<1x64xi32, #tpu.memory_space<vmem>> -> memref<64xi32, #tpu.memory_space<vmem>>
    %dma_start3A_45 = arith.constant 0 : i32
    %dma_start3A_46 = arith.constant 0 : i32
    %dma_start3A_47 = tpu.memref_slice %arg2[%dma_start3A_45, %dma_start3A_46] : memref<10240x128xf32, #tpu.memory_space<hbm>> -> memref<10240x128xf32, #tpu.memory_space<hbm>>
    tpu.enqueue_indirect_dma source(%dma_start3A_47 : memref<10240x128xf32, #tpu.memory_space<hbm>>) target(%dma_start3A_41 : memref<64x128xf32, #tpu.memory_space<vmem>>) offsets(%dma_start3A_44 : memref<64xi32, #tpu.memory_space<vmem>>) semaphore(%arg11 : memref<!tpu.dma_semaphore, #tpu.memory_space<semaphore_mem>>)
    %dma_start3A_48 = arith.constant 1 : i32
    %dma_start3A_49 = arith.constant 0 : i32
    %dma_start3A_50 = arith.constant 0 : i32
    %dma_start3A_51 = tpu.memref_slice %arg7[%dma_start3A_49, %dma_start3A_50] : memref<128x128xf32, #tpu.memory_space<vmem>> -> memref<64x128xf32, #tpu.memory_space<vmem>>
    %dma_start3A_52 = arith.constant 0 : i32
    %dma_start3A_53 = tpu.memref_slice %arg8[%dma_start3A_48, %dma_start3A_52] : memref<48x128xi32, #tpu.memory_space<vmem>> -> memref<1x64xi32, #tpu.memory_space<vmem>>
    %dma_start3A_54 = tpu.memref_squeeze %dma_start3A_53 : memref<1x64xi32, #tpu.memory_space<vmem>> -> memref<64xi32, #tpu.memory_space<vmem>>
    %dma_start3A_55 = arith.constant 0 : i32
    %dma_start3A_56 = arith.constant 0 : i32
    %dma_start3A_57 = tpu.memref_slice %arg2[%dma_start3A_55, %dma_start3A_56] : memref<10240x128xf32, #tpu.memory_space<hbm>> -> memref<10240x128xf32, #tpu.memory_space<hbm>>
    tpu.enqueue_indirect_dma source(%dma_start3A_57 : memref<10240x128xf32, #tpu.memory_space<hbm>>) target(%dma_start3A_51 : memref<64x128xf32, #tpu.memory_space<vmem>>) offsets(%dma_start3A_54 : memref<64xi32, #tpu.memory_space<vmem>>) semaphore(%arg12 : memref<!tpu.dma_semaphore, #tpu.memory_space<semaphore_mem>>)
    %dma_start3A_58 = arith.constant 1 : i32
    %dma_start3A_59 = arith.constant 64 : i32
    %dma_start3A_60 = arith.constant 0 : i32
    %dma_start3A_61 = tpu.memref_slice %arg7[%dma_start3A_59, %dma_start3A_60] : memref<128x128xf32, #tpu.memory_space<vmem>> -> memref<64x128xf32, #tpu.memory_space<vmem>>
    %dma_start3A_62 = arith.constant 64 : i32
    %dma_start3A_63 = tpu.memref_slice %arg8[%dma_start3A_58, %dma_start3A_62] : memref<48x128xi32, #tpu.memory_space<vmem>> -> memref<1x64xi32, #tpu.memory_space<vmem>>
    %dma_start3A_64 = tpu.memref_squeeze %dma_start3A_63 : memref<1x64xi32, #tpu.memory_space<vmem>> -> memref<64xi32, #tpu.memory_space<vmem>>
    %dma_start3A_65 = arith.constant 0 : i32
    %dma_start3A_66 = arith.constant 0 : i32
    %dma_start3A_67 = tpu.memref_slice %arg2[%dma_start3A_65, %dma_start3A_66] : memref<10240x128xf32, #tpu.memory_space<hbm>> -> memref<10240x128xf32, #tpu.memory_space<hbm>>
    tpu.enqueue_indirect_dma source(%dma_start3A_67 : memref<10240x128xf32, #tpu.memory_space<hbm>>) target(%dma_start3A_61 : memref<64x128xf32, #tpu.memory_space<vmem>>) offsets(%dma_start3A_64 : memref<64xi32, #tpu.memory_space<vmem>>) semaphore(%arg12 : memref<!tpu.dma_semaphore, #tpu.memory_space<semaphore_mem>>)
    %barrier3A = arith.constant 0 : index
    tpu.barrier barrier_id(%barrier3A)
    %scan3A_68 = arith.constant 0 : i32
    %scan3A_69 = arith.constant 23 : i32
    %scan3A_70 = arith.addi %scan3A_68, %scan3A_69 : i32
    %scan3A_71 = arith.constant 1 : i32
    scf.for %scan3A_155 = %scan3A_68 to %scan3A_70 step %scan3A_71  : i32 {
      %mul3A_156 = arith.constant 2 : i32
      %mul3A_157 = arith.muli %mul3A_156, %scan3A_155 : i32
      %add3A_158 = arith.constant 0 : i32
      %add3A_159 = arith.addi %mul3A_157, %add3A_158 : i32
      %dma_wait3A_160 = arith.constant 0 : i32
      %dma_wait3A_161 = tpu.memref_slice %arg8[%add3A_159, %dma_wait3A_160] : memref<48x128xi32, #tpu.memory_space<vmem>> -> memref<1x128xi32, #tpu.memory_space<vmem>>
      %dma_wait3A_162 = tpu.memref_squeeze %dma_wait3A_161 : memref<1x128xi32, #tpu.memory_space<vmem>> -> memref<128xi32, #tpu.memory_space<vmem>>
      %dma_wait3A_163 = arith.constant 0 : i32
      %dma_wait3A_164 = arith.constant 0 : i32
      %dma_wait3A_165 = tpu.memref_slice %arg2[%dma_wait3A_163, %dma_wait3A_164] : memref<10240x128xf32, #tpu.memory_space<hbm>> -> memref<10240x128xf32, #tpu.memory_space<hbm>>
      tpu.wait_indirect_dma semaphore(%arg11 : memref<!tpu.dma_semaphore, #tpu.memory_space<semaphore_mem>>) src(%dma_wait3A_165 : memref<10240x128xf32, #tpu.memory_space<hbm>>) dst(%arg6 : memref<128x128xf32, #tpu.memory_space<vmem>>)
      "tpu.region"() ({
        %run_scoped3A_216 = tpu.sem_alloc : memref<!tpu.dma_semaphore, #tpu.memory_space<semaphore_mem>>
        %dma_start3A_217 = arith.constant 0 : i32
        %dma_start3A_218 = tpu.memref_slice %arg9[%add3A_159, %dma_start3A_217] : memref<48x128xi32, #tpu.memory_space<vmem>> -> memref<1x128xi32, #tpu.memory_space<vmem>>
        %dma_start3A_219 = tpu.memref_squeeze %dma_start3A_218 : memref<1x128xi32, #tpu.memory_space<vmem>> -> memref<128xi32, #tpu.memory_space<vmem>>
        %dma_start3A_220 = arith.constant 0 : i32
        %dma_start3A_221 = arith.constant 0 : i32
        %dma_start3A_222 = tpu.memref_slice %arg10[%dma_start3A_220, %dma_start3A_221] : memref<10240x128xf32, #tpu.memory_space<vmem_shared>> -> memref<10240x128xf32, #tpu.memory_space<vmem_shared>>
        tpu.enqueue_indirect_dma source(%arg6 : memref<128x128xf32, #tpu.memory_space<vmem>>) target(%dma_start3A_222 : memref<10240x128xf32, #tpu.memory_space<vmem_shared>>) offsets(%dma_start3A_219 : memref<128xi32, #tpu.memory_space<vmem>>) semaphore(%run_scoped3A_216 : memref<!tpu.dma_semaphore, #tpu.memory_space<semaphore_mem>>) {add = true}
        %dma_wait3A_223 = arith.constant 0 : i32
        %dma_wait3A_224 = tpu.memref_slice %arg9[%add3A_159, %dma_wait3A_223] : memref<48x128xi32, #tpu.memory_space<vmem>> -> memref<1x128xi32, #tpu.memory_space<vmem>>
        %dma_wait3A_225 = tpu.memref_squeeze %dma_wait3A_224 : memref<1x128xi32, #tpu.memory_space<vmem>> -> memref<128xi32, #tpu.memory_space<vmem>>
        %dma_wait3A_226 = arith.constant 0 : i32
        %dma_wait3A_227 = arith.constant 0 : i32
        %dma_wait3A_228 = tpu.memref_slice %arg10[%dma_wait3A_226, %dma_wait3A_227] : memref<10240x128xf32, #tpu.memory_space<vmem_shared>> -> memref<10240x128xf32, #tpu.memory_space<vmem_shared>>
        tpu.wait_indirect_dma semaphore(%run_scoped3A_216 : memref<!tpu.dma_semaphore, #tpu.memory_space<semaphore_mem>>) src(%arg6 : memref<128x128xf32, #tpu.memory_space<vmem>>) dst(%dma_wait3A_228 : memref<10240x128xf32, #tpu.memory_space<vmem_shared>>)
        tpu.yield
      }) : () -> ()
      %add3A_166 = arith.constant 2 : i32
      %add3A_167 = arith.addi %add3A_159, %add3A_166 : i32
      %dma_start3A_168 = arith.constant 0 : i32
      %dma_start3A_169 = arith.constant 0 : i32
      %dma_start3A_170 = tpu.memref_slice %arg6[%dma_start3A_168, %dma_start3A_169] : memref<128x128xf32, #tpu.memory_space<vmem>> -> memref<64x128xf32, #tpu.memory_space<vmem>>
      %dma_start3A_171 = arith.constant 0 : i32
      %dma_start3A_172 = tpu.memref_slice %arg8[%add3A_167, %dma_start3A_171] : memref<48x128xi32, #tpu.memory_space<vmem>> -> memref<1x64xi32, #tpu.memory_space<vmem>>
      %dma_start3A_173 = tpu.memref_squeeze %dma_start3A_172 : memref<1x64xi32, #tpu.memory_space<vmem>> -> memref<64xi32, #tpu.memory_space<vmem>>
      %dma_start3A_174 = arith.constant 0 : i32
      %dma_start3A_175 = arith.constant 0 : i32
      %dma_start3A_176 = tpu.memref_slice %arg2[%dma_start3A_174, %dma_start3A_175] : memref<10240x128xf32, #tpu.memory_space<hbm>> -> memref<10240x128xf32, #tpu.memory_space<hbm>>
      tpu.enqueue_indirect_dma source(%dma_start3A_176 : memref<10240x128xf32, #tpu.memory_space<hbm>>) target(%dma_start3A_170 : memref<64x128xf32, #tpu.memory_space<vmem>>) offsets(%dma_start3A_173 : memref<64xi32, #tpu.memory_space<vmem>>) semaphore(%arg11 : memref<!tpu.dma_semaphore, #tpu.memory_space<semaphore_mem>>)
      %dma_start3A_177 = arith.constant 64 : i32
      %dma_start3A_178 = arith.constant 0 : i32
      %dma_start3A_179 = tpu.memref_slice %arg6[%dma_start3A_177, %dma_start3A_178] : memref<128x128xf32, #tpu.memory_space<vmem>> -> memref<64x128xf32, #tpu.memory_space<vmem>>
      %dma_start3A_180 = arith.constant 64 : i32
      %dma_start3A_181 = tpu.memref_slice %arg8[%add3A_167, %dma_start3A_180] : memref<48x128xi32, #tpu.memory_space<vmem>> -> memref<1x64xi32, #tpu.memory_space<vmem>>
      %dma_start3A_182 = tpu.memref_squeeze %dma_start3A_181 : memref<1x64xi32, #tpu.memory_space<vmem>> -> memref<64xi32, #tpu.memory_space<vmem>>
      %dma_start3A_183 = arith.constant 0 : i32
      %dma_start3A_184 = arith.constant 0 : i32
      %dma_start3A_185 = tpu.memref_slice %arg2[%dma_start3A_183, %dma_start3A_184] : memref<10240x128xf32, #tpu.memory_space<hbm>> -> memref<10240x128xf32, #tpu.memory_space<hbm>>
      tpu.enqueue_indirect_dma source(%dma_start3A_185 : memref<10240x128xf32, #tpu.memory_space<hbm>>) target(%dma_start3A_179 : memref<64x128xf32, #tpu.memory_space<vmem>>) offsets(%dma_start3A_182 : memref<64xi32, #tpu.memory_space<vmem>>) semaphore(%arg11 : memref<!tpu.dma_semaphore, #tpu.memory_space<semaphore_mem>>)
      %mul3A_186 = arith.constant 2 : i32
      %mul3A_187 = arith.muli %mul3A_186, %scan3A_155 : i32
      %add3A_188 = arith.constant 1 : i32
      %add3A_189 = arith.addi %mul3A_187, %add3A_188 : i32
      %dma_wait3A_190 = arith.constant 0 : i32
      %dma_wait3A_191 = tpu.memref_slice %arg8[%add3A_189, %dma_wait3A_190] : memref<48x128xi32, #tpu.memory_space<vmem>> -> memref<1x128xi32, #tpu.memory_space<vmem>>
      %dma_wait3A_192 = tpu.memref_squeeze %dma_wait3A_191 : memref<1x128xi32, #tpu.memory_space<vmem>> -> memref<128xi32, #tpu.memory_space<vmem>>
      %dma_wait3A_193 = arith.constant 0 : i32
      %dma_wait3A_194 = arith.constant 0 : i32
      %dma_wait3A_195 = tpu.memref_slice %arg2[%dma_wait3A_193, %dma_wait3A_194] : memref<10240x128xf32, #tpu.memory_space<hbm>> -> memref<10240x128xf32, #tpu.memory_space<hbm>>
      tpu.wait_indirect_dma semaphore(%arg12 : memref<!tpu.dma_semaphore, #tpu.memory_space<semaphore_mem>>) src(%dma_wait3A_195 : memref<10240x128xf32, #tpu.memory_space<hbm>>) dst(%arg7 : memref<128x128xf32, #tpu.memory_space<vmem>>)
      "tpu.region"() ({
        %run_scoped3A_216 = tpu.sem_alloc : memref<!tpu.dma_semaphore, #tpu.memory_space<semaphore_mem>>
        %dma_start3A_217 = arith.constant 0 : i32
        %dma_start3A_218 = tpu.memref_slice %arg9[%add3A_189, %dma_start3A_217] : memref<48x128xi32, #tpu.memory_space<vmem>> -> memref<1x128xi32, #tpu.memory_space<vmem>>
        %dma_start3A_219 = tpu.memref_squeeze %dma_start3A_218 : memref<1x128xi32, #tpu.memory_space<vmem>> -> memref<128xi32, #tpu.memory_space<vmem>>
        %dma_start3A_220 = arith.constant 0 : i32
        %dma_start3A_221 = arith.constant 0 : i32
        %dma_start3A_222 = tpu.memref_slice %arg10[%dma_start3A_220, %dma_start3A_221] : memref<10240x128xf32, #tpu.memory_space<vmem_shared>> -> memref<10240x128xf32, #tpu.memory_space<vmem_shared>>
        tpu.enqueue_indirect_dma source(%arg7 : memref<128x128xf32, #tpu.memory_space<vmem>>) target(%dma_start3A_222 : memref<10240x128xf32, #tpu.memory_space<vmem_shared>>) offsets(%dma_start3A_219 : memref<128xi32, #tpu.memory_space<vmem>>) semaphore(%run_scoped3A_216 : memref<!tpu.dma_semaphore, #tpu.memory_space<semaphore_mem>>) {add = true}
        %dma_wait3A_223 = arith.constant 0 : i32
        %dma_wait3A_224 = tpu.memref_slice %arg9[%add3A_189, %dma_wait3A_223] : memref<48x128xi32, #tpu.memory_space<vmem>> -> memref<1x128xi32, #tpu.memory_space<vmem>>
        %dma_wait3A_225 = tpu.memref_squeeze %dma_wait3A_224 : memref<1x128xi32, #tpu.memory_space<vmem>> -> memref<128xi32, #tpu.memory_space<vmem>>
        %dma_wait3A_226 = arith.constant 0 : i32
        %dma_wait3A_227 = arith.constant 0 : i32
        %dma_wait3A_228 = tpu.memref_slice %arg10[%dma_wait3A_226, %dma_wait3A_227] : memref<10240x128xf32, #tpu.memory_space<vmem_shared>> -> memref<10240x128xf32, #tpu.memory_space<vmem_shared>>
        tpu.wait_indirect_dma semaphore(%run_scoped3A_216 : memref<!tpu.dma_semaphore, #tpu.memory_space<semaphore_mem>>) src(%arg7 : memref<128x128xf32, #tpu.memory_space<vmem>>) dst(%dma_wait3A_228 : memref<10240x128xf32, #tpu.memory_space<vmem_shared>>)
        tpu.yield
      }) : () -> ()
      %add3A_196 = arith.constant 2 : i32
      %add3A_197 = arith.addi %add3A_189, %add3A_196 : i32
      %dma_start3A_198 = arith.constant 0 : i32
      %dma_start3A_199 = arith.constant 0 : i32
      %dma_start3A_200 = tpu.memref_slice %arg7[%dma_start3A_198, %dma_start3A_199] : memref<128x128xf32, #tpu.memory_space<vmem>> -> memref<64x128xf32, #tpu.memory_space<vmem>>
      %dma_start3A_201 = arith.constant 0 : i32
      %dma_start3A_202 = tpu.memref_slice %arg8[%add3A_197, %dma_start3A_201] : memref<48x128xi32, #tpu.memory_space<vmem>> -> memref<1x64xi32, #tpu.memory_space<vmem>>
      %dma_start3A_203 = tpu.memref_squeeze %dma_start3A_202 : memref<1x64xi32, #tpu.memory_space<vmem>> -> memref<64xi32, #tpu.memory_space<vmem>>
      %dma_start3A_204 = arith.constant 0 : i32
      %dma_start3A_205 = arith.constant 0 : i32
      %dma_start3A_206 = tpu.memref_slice %arg2[%dma_start3A_204, %dma_start3A_205] : memref<10240x128xf32, #tpu.memory_space<hbm>> -> memref<10240x128xf32, #tpu.memory_space<hbm>>
      tpu.enqueue_indirect_dma source(%dma_start3A_206 : memref<10240x128xf32, #tpu.memory_space<hbm>>) target(%dma_start3A_200 : memref<64x128xf32, #tpu.memory_space<vmem>>) offsets(%dma_start3A_203 : memref<64xi32, #tpu.memory_space<vmem>>) semaphore(%arg12 : memref<!tpu.dma_semaphore, #tpu.memory_space<semaphore_mem>>)
      %dma_start3A_207 = arith.constant 64 : i32
      %dma_start3A_208 = arith.constant 0 : i32
      %dma_start3A_209 = tpu.memref_slice %arg7[%dma_start3A_207, %dma_start3A_208] : memref<128x128xf32, #tpu.memory_space<vmem>> -> memref<64x128xf32, #tpu.memory_space<vmem>>
      %dma_start3A_210 = arith.constant 64 : i32
      %dma_start3A_211 = tpu.memref_slice %arg8[%add3A_197, %dma_start3A_210] : memref<48x128xi32, #tpu.memory_space<vmem>> -> memref<1x64xi32, #tpu.memory_space<vmem>>
      %dma_start3A_212 = tpu.memref_squeeze %dma_start3A_211 : memref<1x64xi32, #tpu.memory_space<vmem>> -> memref<64xi32, #tpu.memory_space<vmem>>
      %dma_start3A_213 = arith.constant 0 : i32
      %dma_start3A_214 = arith.constant 0 : i32
      %dma_start3A_215 = tpu.memref_slice %arg2[%dma_start3A_213, %dma_start3A_214] : memref<10240x128xf32, #tpu.memory_space<hbm>> -> memref<10240x128xf32, #tpu.memory_space<hbm>>
      tpu.enqueue_indirect_dma source(%dma_start3A_215 : memref<10240x128xf32, #tpu.memory_space<hbm>>) target(%dma_start3A_209 : memref<64x128xf32, #tpu.memory_space<vmem>>) offsets(%dma_start3A_212 : memref<64xi32, #tpu.memory_space<vmem>>) semaphore(%arg12 : memref<!tpu.dma_semaphore, #tpu.memory_space<semaphore_mem>>)
    }
    %scan3A_72 = arith.constant 23 : i32
    %dma_wait3A = arith.constant 46 : i32
    %dma_wait3A_73 = arith.constant 0 : i32
    %dma_wait3A_74 = tpu.memref_slice %arg8[%dma_wait3A, %dma_wait3A_73] : memref<48x128xi32, #tpu.memory_space<vmem>> -> memref<1x128xi32, #tpu.memory_space<vmem>>
    %dma_wait3A_75 = tpu.memref_squeeze %dma_wait3A_74 : memref<1x128xi32, #tpu.memory_space<vmem>> -> memref<128xi32, #tpu.memory_space<vmem>>
    %dma_wait3A_76 = arith.constant 0 : i32
    %dma_wait3A_77 = arith.constant 0 : i32
    %dma_wait3A_78 = tpu.memref_slice %arg2[%dma_wait3A_76, %dma_wait3A_77] : memref<10240x128xf32, #tpu.memory_space<hbm>> -> memref<10240x128xf32, #tpu.memory_space<hbm>>
    tpu.wait_indirect_dma semaphore(%arg11 : memref<!tpu.dma_semaphore, #tpu.memory_space<semaphore_mem>>) src(%dma_wait3A_78 : memref<10240x128xf32, #tpu.memory_space<hbm>>) dst(%arg6 : memref<128x128xf32, #tpu.memory_space<vmem>>)
    %run_scoped3A = arith.constant 46 : i32
    "tpu.region"() ({
      %run_scoped3A_155 = tpu.sem_alloc : memref<!tpu.dma_semaphore, #tpu.memory_space<semaphore_mem>>
      %dma_start3A_156 = arith.constant 0 : i32
      %dma_start3A_157 = tpu.memref_slice %arg9[%run_scoped3A, %dma_start3A_156] : memref<48x128xi32, #tpu.memory_space<vmem>> -> memref<1x128xi32, #tpu.memory_space<vmem>>
      %dma_start3A_158 = tpu.memref_squeeze %dma_start3A_157 : memref<1x128xi32, #tpu.memory_space<vmem>> -> memref<128xi32, #tpu.memory_space<vmem>>
      %dma_start3A_159 = arith.constant 0 : i32
      %dma_start3A_160 = arith.constant 0 : i32
      %dma_start3A_161 = tpu.memref_slice %arg10[%dma_start3A_159, %dma_start3A_160] : memref<10240x128xf32, #tpu.memory_space<vmem_shared>> -> memref<10240x128xf32, #tpu.memory_space<vmem_shared>>
      tpu.enqueue_indirect_dma source(%arg6 : memref<128x128xf32, #tpu.memory_space<vmem>>) target(%dma_start3A_161 : memref<10240x128xf32, #tpu.memory_space<vmem_shared>>) offsets(%dma_start3A_158 : memref<128xi32, #tpu.memory_space<vmem>>) semaphore(%run_scoped3A_155 : memref<!tpu.dma_semaphore, #tpu.memory_space<semaphore_mem>>) {add = true}
      %dma_wait3A_162 = arith.constant 0 : i32
      %dma_wait3A_163 = tpu.memref_slice %arg9[%run_scoped3A, %dma_wait3A_162] : memref<48x128xi32, #tpu.memory_space<vmem>> -> memref<1x128xi32, #tpu.memory_space<vmem>>
      %dma_wait3A_164 = tpu.memref_squeeze %dma_wait3A_163 : memref<1x128xi32, #tpu.memory_space<vmem>> -> memref<128xi32, #tpu.memory_space<vmem>>
      %dma_wait3A_165 = arith.constant 0 : i32
      %dma_wait3A_166 = arith.constant 0 : i32
      %dma_wait3A_167 = tpu.memref_slice %arg10[%dma_wait3A_165, %dma_wait3A_166] : memref<10240x128xf32, #tpu.memory_space<vmem_shared>> -> memref<10240x128xf32, #tpu.memory_space<vmem_shared>>
      tpu.wait_indirect_dma semaphore(%run_scoped3A_155 : memref<!tpu.dma_semaphore, #tpu.memory_space<semaphore_mem>>) src(%arg6 : memref<128x128xf32, #tpu.memory_space<vmem>>) dst(%dma_wait3A_167 : memref<10240x128xf32, #tpu.memory_space<vmem_shared>>)
      tpu.yield
    }) : () -> ()
    %dma_wait3A_79 = arith.constant 47 : i32
    %dma_wait3A_80 = arith.constant 0 : i32
    %dma_wait3A_81 = tpu.memref_slice %arg8[%dma_wait3A_79, %dma_wait3A_80] : memref<48x128xi32, #tpu.memory_space<vmem>> -> memref<1x128xi32, #tpu.memory_space<vmem>>
    %dma_wait3A_82 = tpu.memref_squeeze %dma_wait3A_81 : memref<1x128xi32, #tpu.memory_space<vmem>> -> memref<128xi32, #tpu.memory_space<vmem>>
    %dma_wait3A_83 = arith.constant 0 : i32
    %dma_wait3A_84 = arith.constant 0 : i32
    %dma_wait3A_85 = tpu.memref_slice %arg2[%dma_wait3A_83, %dma_wait3A_84] : memref<10240x128xf32, #tpu.memory_space<hbm>> -> memref<10240x128xf32, #tpu.memory_space<hbm>>
    tpu.wait_indirect_dma semaphore(%arg12 : memref<!tpu.dma_semaphore, #tpu.memory_space<semaphore_mem>>) src(%dma_wait3A_85 : memref<10240x128xf32, #tpu.memory_space<hbm>>) dst(%arg7 : memref<128x128xf32, #tpu.memory_space<vmem>>)
    %run_scoped3A_86 = arith.constant 47 : i32
    "tpu.region"() ({
      %run_scoped3A_155 = tpu.sem_alloc : memref<!tpu.dma_semaphore, #tpu.memory_space<semaphore_mem>>
      %dma_start3A_156 = arith.constant 0 : i32
      %dma_start3A_157 = tpu.memref_slice %arg9[%run_scoped3A_86, %dma_start3A_156] : memref<48x128xi32, #tpu.memory_space<vmem>> -> memref<1x128xi32, #tpu.memory_space<vmem>>
      %dma_start3A_158 = tpu.memref_squeeze %dma_start3A_157 : memref<1x128xi32, #tpu.memory_space<vmem>> -> memref<128xi32, #tpu.memory_space<vmem>>
      %dma_start3A_159 = arith.constant 0 : i32
      %dma_start3A_160 = arith.constant 0 : i32
      %dma_start3A_161 = tpu.memref_slice %arg10[%dma_start3A_159, %dma_start3A_160] : memref<10240x128xf32, #tpu.memory_space<vmem_shared>> -> memref<10240x128xf32, #tpu.memory_space<vmem_shared>>
      tpu.enqueue_indirect_dma source(%arg7 : memref<128x128xf32, #tpu.memory_space<vmem>>) target(%dma_start3A_161 : memref<10240x128xf32, #tpu.memory_space<vmem_shared>>) offsets(%dma_start3A_158 : memref<128xi32, #tpu.memory_space<vmem>>) semaphore(%run_scoped3A_155 : memref<!tpu.dma_semaphore, #tpu.memory_space<semaphore_mem>>) {add = true}
      %dma_wait3A_162 = arith.constant 0 : i32
      %dma_wait3A_163 = tpu.memref_slice %arg9[%run_scoped3A_86, %dma_wait3A_162] : memref<48x128xi32, #tpu.memory_space<vmem>> -> memref<1x128xi32, #tpu.memory_space<vmem>>
      %dma_wait3A_164 = tpu.memref_squeeze %dma_wait3A_163 : memref<1x128xi32, #tpu.memory_space<vmem>> -> memref<128xi32, #tpu.memory_space<vmem>>
      %dma_wait3A_165 = arith.constant 0 : i32
      %dma_wait3A_166 = arith.constant 0 : i32
      %dma_wait3A_167 = tpu.memref_slice %arg10[%dma_wait3A_165, %dma_wait3A_166] : memref<10240x128xf32, #tpu.memory_space<vmem_shared>> -> memref<10240x128xf32, #tpu.memory_space<vmem_shared>>
      tpu.wait_indirect_dma semaphore(%run_scoped3A_155 : memref<!tpu.dma_semaphore, #tpu.memory_space<semaphore_mem>>) src(%arg7 : memref<128x128xf32, #tpu.memory_space<vmem>>) dst(%dma_wait3A_167 : memref<10240x128xf32, #tpu.memory_space<vmem_shared>>)
      tpu.yield
    }) : () -> ()
    %add3A_87 = arith.constant 48 : i32
    %add3A_88 = arith.addi %mul3A_2, %add3A_87 : i32
    "tpu.region"() ({
      %run_scoped3A_155 = tpu.sem_alloc : memref<!tpu.dma_semaphore, #tpu.memory_space<semaphore_mem>>
      %dma_start3A_156 = arith.constant 0 : i32
      %dma_start3A_157 = arith.constant 0 : i32
      %dma_start3A_158 = tpu.memref_slice %arg8[%dma_start3A_156, %dma_start3A_157] : memref<48x128xi32, #tpu.memory_space<vmem>> -> memref<40x128xi32, #tpu.memory_space<vmem>>
      %dma_start3A_159 = arith.constant 0 : i32
      %dma_start3A_160 = tpu.memref_slice %arg3[%add3A_88, %dma_start3A_159] : memref<2816x128xi32, #tpu.memory_space<hbm>> -> memref<40x128xi32, #tpu.memory_space<hbm>>
      %dma_start3A_161 = arith.constant 0 : i32
      %dma_start3A_162 = arith.constant 0 : i32
      %dma_start3A_163 = tpu.memref_slice %arg8[%dma_start3A_161, %dma_start3A_162] : memref<48x128xi32, #tpu.memory_space<vmem>> -> memref<40x128xi32, #tpu.memory_space<vmem>>
      %dma_start3A_164 = arith.constant 0 : i32
      %dma_start3A_165 = tpu.memref_slice %arg3[%add3A_88, %dma_start3A_164] : memref<2816x128xi32, #tpu.memory_space<hbm>> -> memref<40x128xi32, #tpu.memory_space<hbm>>
      tpu.enqueue_dma source(%dma_start3A_165 : memref<40x128xi32, #tpu.memory_space<hbm>>) target(%dma_start3A_163 : memref<40x128xi32, #tpu.memory_space<vmem>>) target_semaphore(%run_scoped3A_155 : memref<!tpu.dma_semaphore, #tpu.memory_space<semaphore_mem>>)
      %dma_wait3A_166 = arith.constant 0 : i32
      %dma_wait3A_167 = arith.constant 0 : i32
      %dma_wait3A_168 = tpu.memref_slice %arg8[%dma_wait3A_166, %dma_wait3A_167] : memref<48x128xi32, #tpu.memory_space<vmem>> -> memref<40x128xi32, #tpu.memory_space<vmem>>
      %dma_wait3A_169 = arith.constant 0 : i32
      %dma_wait3A_170 = tpu.memref_slice %arg3[%add3A_88, %dma_wait3A_169] : memref<2816x128xi32, #tpu.memory_space<hbm>> -> memref<40x128xi32, #tpu.memory_space<hbm>>
      %dma_wait3A_171 = arith.constant 0 : i32
      %dma_wait3A_172 = arith.constant 0 : i32
      %dma_wait3A_173 = tpu.memref_slice %arg8[%dma_wait3A_171, %dma_wait3A_172] : memref<48x128xi32, #tpu.memory_space<vmem>> -> memref<40x128xi32, #tpu.memory_space<vmem>>
      %dma_wait3A_174 = arith.constant 0 : i32
      %dma_wait3A_175 = tpu.memref_slice %arg3[%add3A_88, %dma_wait3A_174] : memref<2816x128xi32, #tpu.memory_space<hbm>> -> memref<40x128xi32, #tpu.memory_space<hbm>>
      tpu.wait_dma2 semaphore(%run_scoped3A_155 : memref<!tpu.dma_semaphore, #tpu.memory_space<semaphore_mem>>) src(%dma_wait3A_175 : memref<40x128xi32, #tpu.memory_space<hbm>>) dst(%dma_wait3A_173 : memref<40x128xi32, #tpu.memory_space<vmem>>)
      tpu.yield
    }) : () -> ()
    "tpu.region"() ({
      %run_scoped3A_155 = tpu.sem_alloc : memref<!tpu.dma_semaphore, #tpu.memory_space<semaphore_mem>>
      %dma_start3A_156 = arith.constant 0 : i32
      %dma_start3A_157 = arith.constant 0 : i32
      %dma_start3A_158 = tpu.memref_slice %arg9[%dma_start3A_156, %dma_start3A_157] : memref<48x128xi32, #tpu.memory_space<vmem>> -> memref<40x128xi32, #tpu.memory_space<vmem>>
      %dma_start3A_159 = arith.constant 0 : i32
      %dma_start3A_160 = tpu.memref_slice %arg4[%add3A_88, %dma_start3A_159] : memref<2816x128xi32, #tpu.memory_space<hbm>> -> memref<40x128xi32, #tpu.memory_space<hbm>>
      %dma_start3A_161 = arith.constant 0 : i32
      %dma_start3A_162 = arith.constant 0 : i32
      %dma_start3A_163 = tpu.memref_slice %arg9[%dma_start3A_161, %dma_start3A_162] : memref<48x128xi32, #tpu.memory_space<vmem>> -> memref<40x128xi32, #tpu.memory_space<vmem>>
      %dma_start3A_164 = arith.constant 0 : i32
      %dma_start3A_165 = tpu.memref_slice %arg4[%add3A_88, %dma_start3A_164] : memref<2816x128xi32, #tpu.memory_space<hbm>> -> memref<40x128xi32, #tpu.memory_space<hbm>>
      tpu.enqueue_dma source(%dma_start3A_165 : memref<40x128xi32, #tpu.memory_space<hbm>>) target(%dma_start3A_163 : memref<40x128xi32, #tpu.memory_space<vmem>>) target_semaphore(%run_scoped3A_155 : memref<!tpu.dma_semaphore, #tpu.memory_space<semaphore_mem>>)
      %dma_wait3A_166 = arith.constant 0 : i32
      %dma_wait3A_167 = arith.constant 0 : i32
      %dma_wait3A_168 = tpu.memref_slice %arg9[%dma_wait3A_166, %dma_wait3A_167] : memref<48x128xi32, #tpu.memory_space<vmem>> -> memref<40x128xi32, #tpu.memory_space<vmem>>
      %dma_wait3A_169 = arith.constant 0 : i32
      %dma_wait3A_170 = tpu.memref_slice %arg4[%add3A_88, %dma_wait3A_169] : memref<2816x128xi32, #tpu.memory_space<hbm>> -> memref<40x128xi32, #tpu.memory_space<hbm>>
      %dma_wait3A_171 = arith.constant 0 : i32
      %dma_wait3A_172 = arith.constant 0 : i32
      %dma_wait3A_173 = tpu.memref_slice %arg9[%dma_wait3A_171, %dma_wait3A_172] : memref<48x128xi32, #tpu.memory_space<vmem>> -> memref<40x128xi32, #tpu.memory_space<vmem>>
      %dma_wait3A_174 = arith.constant 0 : i32
      %dma_wait3A_175 = tpu.memref_slice %arg4[%add3A_88, %dma_wait3A_174] : memref<2816x128xi32, #tpu.memory_space<hbm>> -> memref<40x128xi32, #tpu.memory_space<hbm>>
      tpu.wait_dma2 semaphore(%run_scoped3A_155 : memref<!tpu.dma_semaphore, #tpu.memory_space<semaphore_mem>>) src(%dma_wait3A_175 : memref<40x128xi32, #tpu.memory_space<hbm>>) dst(%dma_wait3A_173 : memref<40x128xi32, #tpu.memory_space<vmem>>)
      tpu.yield
    }) : () -> ()
    %dma_start3A_89 = arith.constant 0 : i32
    %dma_start3A_90 = arith.constant 0 : i32
    %dma_start3A_91 = arith.constant 0 : i32
    %dma_start3A_92 = tpu.memref_slice %arg6[%dma_start3A_90, %dma_start3A_91] : memref<128x128xf32, #tpu.memory_space<vmem>> -> memref<64x128xf32, #tpu.memory_space<vmem>>
    %dma_start3A_93 = arith.constant 0 : i32
    %dma_start3A_94 = tpu.memref_slice %arg8[%dma_start3A_89, %dma_start3A_93] : memref<48x128xi32, #tpu.memory_space<vmem>> -> memref<1x64xi32, #tpu.memory_space<vmem>>
    %dma_start3A_95 = tpu.memref_squeeze %dma_start3A_94 : memref<1x64xi32, #tpu.memory_space<vmem>> -> memref<64xi32, #tpu.memory_space<vmem>>
    %dma_start3A_96 = arith.constant 0 : i32
    %dma_start3A_97 = arith.constant 0 : i32
    %dma_start3A_98 = tpu.memref_slice %arg2[%dma_start3A_96, %dma_start3A_97] : memref<10240x128xf32, #tpu.memory_space<hbm>> -> memref<10240x128xf32, #tpu.memory_space<hbm>>
    tpu.enqueue_indirect_dma source(%dma_start3A_98 : memref<10240x128xf32, #tpu.memory_space<hbm>>) target(%dma_start3A_92 : memref<64x128xf32, #tpu.memory_space<vmem>>) offsets(%dma_start3A_95 : memref<64xi32, #tpu.memory_space<vmem>>) semaphore(%arg11 : memref<!tpu.dma_semaphore, #tpu.memory_space<semaphore_mem>>)
    %dma_start3A_99 = arith.constant 0 : i32
    %dma_start3A_100 = arith.constant 64 : i32
    %dma_start3A_101 = arith.constant 0 : i32
    %dma_start3A_102 = tpu.memref_slice %arg6[%dma_start3A_100, %dma_start3A_101] : memref<128x128xf32, #tpu.memory_space<vmem>> -> memref<64x128xf32, #tpu.memory_space<vmem>>
    %dma_start3A_103 = arith.constant 64 : i32
    %dma_start3A_104 = tpu.memref_slice %arg8[%dma_start3A_99, %dma_start3A_103] : memref<48x128xi32, #tpu.memory_space<vmem>> -> memref<1x64xi32, #tpu.memory_space<vmem>>
    %dma_start3A_105 = tpu.memref_squeeze %dma_start3A_104 : memref<1x64xi32, #tpu.memory_space<vmem>> -> memref<64xi32, #tpu.memory_space<vmem>>
    %dma_start3A_106 = arith.constant 0 : i32
    %dma_start3A_107 = arith.constant 0 : i32
    %dma_start3A_108 = tpu.memref_slice %arg2[%dma_start3A_106, %dma_start3A_107] : memref<10240x128xf32, #tpu.memory_space<hbm>> -> memref<10240x128xf32, #tpu.memory_space<hbm>>
    tpu.enqueue_indirect_dma source(%dma_start3A_108 : memref<10240x128xf32, #tpu.memory_space<hbm>>) target(%dma_start3A_102 : memref<64x128xf32, #tpu.memory_space<vmem>>) offsets(%dma_start3A_105 : memref<64xi32, #tpu.memory_space<vmem>>) semaphore(%arg11 : memref<!tpu.dma_semaphore, #tpu.memory_space<semaphore_mem>>)
    %dma_start3A_109 = arith.constant 1 : i32
    %dma_start3A_110 = arith.constant 0 : i32
    %dma_start3A_111 = arith.constant 0 : i32
    %dma_start3A_112 = tpu.memref_slice %arg7[%dma_start3A_110, %dma_start3A_111] : memref<128x128xf32, #tpu.memory_space<vmem>> -> memref<64x128xf32, #tpu.memory_space<vmem>>
    %dma_start3A_113 = arith.constant 0 : i32
    %dma_start3A_114 = tpu.memref_slice %arg8[%dma_start3A_109, %dma_start3A_113] : memref<48x128xi32, #tpu.memory_space<vmem>> -> memref<1x64xi32, #tpu.memory_space<vmem>>
    %dma_start3A_115 = tpu.memref_squeeze %dma_start3A_114 : memref<1x64xi32, #tpu.memory_space<vmem>> -> memref<64xi32, #tpu.memory_space<vmem>>
    %dma_start3A_116 = arith.constant 0 : i32
    %dma_start3A_117 = arith.constant 0 : i32
    %dma_start3A_118 = tpu.memref_slice %arg2[%dma_start3A_116, %dma_start3A_117] : memref<10240x128xf32, #tpu.memory_space<hbm>> -> memref<10240x128xf32, #tpu.memory_space<hbm>>
    tpu.enqueue_indirect_dma source(%dma_start3A_118 : memref<10240x128xf32, #tpu.memory_space<hbm>>) target(%dma_start3A_112 : memref<64x128xf32, #tpu.memory_space<vmem>>) offsets(%dma_start3A_115 : memref<64xi32, #tpu.memory_space<vmem>>) semaphore(%arg12 : memref<!tpu.dma_semaphore, #tpu.memory_space<semaphore_mem>>)
    %dma_start3A_119 = arith.constant 1 : i32
    %dma_start3A_120 = arith.constant 64 : i32
    %dma_start3A_121 = arith.constant 0 : i32
    %dma_start3A_122 = tpu.memref_slice %arg7[%dma_start3A_120, %dma_start3A_121] : memref<128x128xf32, #tpu.memory_space<vmem>> -> memref<64x128xf32, #tpu.memory_space<vmem>>
    %dma_start3A_123 = arith.constant 64 : i32
    %dma_start3A_124 = tpu.memref_slice %arg8[%dma_start3A_119, %dma_start3A_123] : memref<48x128xi32, #tpu.memory_space<vmem>> -> memref<1x64xi32, #tpu.memory_space<vmem>>
    %dma_start3A_125 = tpu.memref_squeeze %dma_start3A_124 : memref<1x64xi32, #tpu.memory_space<vmem>> -> memref<64xi32, #tpu.memory_space<vmem>>
    %dma_start3A_126 = arith.constant 0 : i32
    %dma_start3A_127 = arith.constant 0 : i32
    %dma_start3A_128 = tpu.memref_slice %arg2[%dma_start3A_126, %dma_start3A_127] : memref<10240x128xf32, #tpu.memory_space<hbm>> -> memref<10240x128xf32, #tpu.memory_space<hbm>>
    tpu.enqueue_indirect_dma source(%dma_start3A_128 : memref<10240x128xf32, #tpu.memory_space<hbm>>) target(%dma_start3A_122 : memref<64x128xf32, #tpu.memory_space<vmem>>) offsets(%dma_start3A_125 : memref<64xi32, #tpu.memory_space<vmem>>) semaphore(%arg12 : memref<!tpu.dma_semaphore, #tpu.memory_space<semaphore_mem>>)
    %scan3A_129 = arith.constant 0 : i32
    %scan3A_130 = arith.constant 16 : i32
    %scan3A_131 = arith.addi %scan3A_129, %scan3A_130 : i32
    %scan3A_132 = arith.constant 1 : i32
    scf.for %scan3A_155 = %scan3A_129 to %scan3A_131 step %scan3A_132  : i32 {
      %mul3A_156 = arith.constant 2 : i32
      %mul3A_157 = arith.muli %mul3A_156, %scan3A_155 : i32
      %add3A_158 = arith.constant 0 : i32
      %add3A_159 = arith.addi %mul3A_157, %add3A_158 : i32
      %dma_wait3A_160 = arith.constant 0 : i32
      %dma_wait3A_161 = tpu.memref_slice %arg8[%add3A_159, %dma_wait3A_160] : memref<48x128xi32, #tpu.memory_space<vmem>> -> memref<1x128xi32, #tpu.memory_space<vmem>>
      %dma_wait3A_162 = tpu.memref_squeeze %dma_wait3A_161 : memref<1x128xi32, #tpu.memory_space<vmem>> -> memref<128xi32, #tpu.memory_space<vmem>>
      %dma_wait3A_163 = arith.constant 0 : i32
      %dma_wait3A_164 = arith.constant 0 : i32
      %dma_wait3A_165 = tpu.memref_slice %arg2[%dma_wait3A_163, %dma_wait3A_164] : memref<10240x128xf32, #tpu.memory_space<hbm>> -> memref<10240x128xf32, #tpu.memory_space<hbm>>
      tpu.wait_indirect_dma semaphore(%arg11 : memref<!tpu.dma_semaphore, #tpu.memory_space<semaphore_mem>>) src(%dma_wait3A_165 : memref<10240x128xf32, #tpu.memory_space<hbm>>) dst(%arg6 : memref<128x128xf32, #tpu.memory_space<vmem>>)
      "tpu.region"() ({
        %run_scoped3A_216 = tpu.sem_alloc : memref<!tpu.dma_semaphore, #tpu.memory_space<semaphore_mem>>
        %dma_start3A_217 = arith.constant 0 : i32
        %dma_start3A_218 = tpu.memref_slice %arg9[%add3A_159, %dma_start3A_217] : memref<48x128xi32, #tpu.memory_space<vmem>> -> memref<1x128xi32, #tpu.memory_space<vmem>>
        %dma_start3A_219 = tpu.memref_squeeze %dma_start3A_218 : memref<1x128xi32, #tpu.memory_space<vmem>> -> memref<128xi32, #tpu.memory_space<vmem>>
        %dma_start3A_220 = arith.constant 0 : i32
        %dma_start3A_221 = arith.constant 0 : i32
        %dma_start3A_222 = tpu.memref_slice %arg10[%dma_start3A_220, %dma_start3A_221] : memref<10240x128xf32, #tpu.memory_space<vmem_shared>> -> memref<10240x128xf32, #tpu.memory_space<vmem_shared>>
        tpu.enqueue_indirect_dma source(%arg6 : memref<128x128xf32, #tpu.memory_space<vmem>>) target(%dma_start3A_222 : memref<10240x128xf32, #tpu.memory_space<vmem_shared>>) offsets(%dma_start3A_219 : memref<128xi32, #tpu.memory_space<vmem>>) semaphore(%run_scoped3A_216 : memref<!tpu.dma_semaphore, #tpu.memory_space<semaphore_mem>>) {add = true}
        %dma_wait3A_223 = arith.constant 0 : i32
        %dma_wait3A_224 = tpu.memref_slice %arg9[%add3A_159, %dma_wait3A_223] : memref<48x128xi32, #tpu.memory_space<vmem>> -> memref<1x128xi32, #tpu.memory_space<vmem>>
        %dma_wait3A_225 = tpu.memref_squeeze %dma_wait3A_224 : memref<1x128xi32, #tpu.memory_space<vmem>> -> memref<128xi32, #tpu.memory_space<vmem>>
        %dma_wait3A_226 = arith.constant 0 : i32
        %dma_wait3A_227 = arith.constant 0 : i32
        %dma_wait3A_228 = tpu.memref_slice %arg10[%dma_wait3A_226, %dma_wait3A_227] : memref<10240x128xf32, #tpu.memory_space<vmem_shared>> -> memref<10240x128xf32, #tpu.memory_space<vmem_shared>>
        tpu.wait_indirect_dma semaphore(%run_scoped3A_216 : memref<!tpu.dma_semaphore, #tpu.memory_space<semaphore_mem>>) src(%arg6 : memref<128x128xf32, #tpu.memory_space<vmem>>) dst(%dma_wait3A_228 : memref<10240x128xf32, #tpu.memory_space<vmem_shared>>)
        tpu.yield
      }) : () -> ()
      %add3A_166 = arith.constant 2 : i32
      %add3A_167 = arith.addi %add3A_159, %add3A_166 : i32
      %dma_start3A_168 = arith.constant 0 : i32
      %dma_start3A_169 = arith.constant 0 : i32
      %dma_start3A_170 = tpu.memref_slice %arg6[%dma_start3A_168, %dma_start3A_169] : memref<128x128xf32, #tpu.memory_space<vmem>> -> memref<64x128xf32, #tpu.memory_space<vmem>>
      %dma_start3A_171 = arith.constant 0 : i32
      %dma_start3A_172 = tpu.memref_slice %arg8[%add3A_167, %dma_start3A_171] : memref<48x128xi32, #tpu.memory_space<vmem>> -> memref<1x64xi32, #tpu.memory_space<vmem>>
      %dma_start3A_173 = tpu.memref_squeeze %dma_start3A_172 : memref<1x64xi32, #tpu.memory_space<vmem>> -> memref<64xi32, #tpu.memory_space<vmem>>
      %dma_start3A_174 = arith.constant 0 : i32
      %dma_start3A_175 = arith.constant 0 : i32
      %dma_start3A_176 = tpu.memref_slice %arg2[%dma_start3A_174, %dma_start3A_175] : memref<10240x128xf32, #tpu.memory_space<hbm>> -> memref<10240x128xf32, #tpu.memory_space<hbm>>
      tpu.enqueue_indirect_dma source(%dma_start3A_176 : memref<10240x128xf32, #tpu.memory_space<hbm>>) target(%dma_start3A_170 : memref<64x128xf32, #tpu.memory_space<vmem>>) offsets(%dma_start3A_173 : memref<64xi32, #tpu.memory_space<vmem>>) semaphore(%arg11 : memref<!tpu.dma_semaphore, #tpu.memory_space<semaphore_mem>>)
      %dma_start3A_177 = arith.constant 64 : i32
      %dma_start3A_178 = arith.constant 0 : i32
      %dma_start3A_179 = tpu.memref_slice %arg6[%dma_start3A_177, %dma_start3A_178] : memref<128x128xf32, #tpu.memory_space<vmem>> -> memref<64x128xf32, #tpu.memory_space<vmem>>
      %dma_start3A_180 = arith.constant 64 : i32
      %dma_start3A_181 = tpu.memref_slice %arg8[%add3A_167, %dma_start3A_180] : memref<48x128xi32, #tpu.memory_space<vmem>> -> memref<1x64xi32, #tpu.memory_space<vmem>>
      %dma_start3A_182 = tpu.memref_squeeze %dma_start3A_181 : memref<1x64xi32, #tpu.memory_space<vmem>> -> memref<64xi32, #tpu.memory_space<vmem>>
      %dma_start3A_183 = arith.constant 0 : i32
      %dma_start3A_184 = arith.constant 0 : i32
      %dma_start3A_185 = tpu.memref_slice %arg2[%dma_start3A_183, %dma_start3A_184] : memref<10240x128xf32, #tpu.memory_space<hbm>> -> memref<10240x128xf32, #tpu.memory_space<hbm>>
      tpu.enqueue_indirect_dma source(%dma_start3A_185 : memref<10240x128xf32, #tpu.memory_space<hbm>>) target(%dma_start3A_179 : memref<64x128xf32, #tpu.memory_space<vmem>>) offsets(%dma_start3A_182 : memref<64xi32, #tpu.memory_space<vmem>>) semaphore(%arg11 : memref<!tpu.dma_semaphore, #tpu.memory_space<semaphore_mem>>)
      %mul3A_186 = arith.constant 2 : i32
      %mul3A_187 = arith.muli %mul3A_186, %scan3A_155 : i32
      %add3A_188 = arith.constant 1 : i32
      %add3A_189 = arith.addi %mul3A_187, %add3A_188 : i32
      %dma_wait3A_190 = arith.constant 0 : i32
      %dma_wait3A_191 = tpu.memref_slice %arg8[%add3A_189, %dma_wait3A_190] : memref<48x128xi32, #tpu.memory_space<vmem>> -> memref<1x128xi32, #tpu.memory_space<vmem>>
      %dma_wait3A_192 = tpu.memref_squeeze %dma_wait3A_191 : memref<1x128xi32, #tpu.memory_space<vmem>> -> memref<128xi32, #tpu.memory_space<vmem>>
      %dma_wait3A_193 = arith.constant 0 : i32
      %dma_wait3A_194 = arith.constant 0 : i32
      %dma_wait3A_195 = tpu.memref_slice %arg2[%dma_wait3A_193, %dma_wait3A_194] : memref<10240x128xf32, #tpu.memory_space<hbm>> -> memref<10240x128xf32, #tpu.memory_space<hbm>>
      tpu.wait_indirect_dma semaphore(%arg12 : memref<!tpu.dma_semaphore, #tpu.memory_space<semaphore_mem>>) src(%dma_wait3A_195 : memref<10240x128xf32, #tpu.memory_space<hbm>>) dst(%arg7 : memref<128x128xf32, #tpu.memory_space<vmem>>)
      "tpu.region"() ({
        %run_scoped3A_216 = tpu.sem_alloc : memref<!tpu.dma_semaphore, #tpu.memory_space<semaphore_mem>>
        %dma_start3A_217 = arith.constant 0 : i32
        %dma_start3A_218 = tpu.memref_slice %arg9[%add3A_189, %dma_start3A_217] : memref<48x128xi32, #tpu.memory_space<vmem>> -> memref<1x128xi32, #tpu.memory_space<vmem>>
        %dma_start3A_219 = tpu.memref_squeeze %dma_start3A_218 : memref<1x128xi32, #tpu.memory_space<vmem>> -> memref<128xi32, #tpu.memory_space<vmem>>
        %dma_start3A_220 = arith.constant 0 : i32
        %dma_start3A_221 = arith.constant 0 : i32
        %dma_start3A_222 = tpu.memref_slice %arg10[%dma_start3A_220, %dma_start3A_221] : memref<10240x128xf32, #tpu.memory_space<vmem_shared>> -> memref<10240x128xf32, #tpu.memory_space<vmem_shared>>
        tpu.enqueue_indirect_dma source(%arg7 : memref<128x128xf32, #tpu.memory_space<vmem>>) target(%dma_start3A_222 : memref<10240x128xf32, #tpu.memory_space<vmem_shared>>) offsets(%dma_start3A_219 : memref<128xi32, #tpu.memory_space<vmem>>) semaphore(%run_scoped3A_216 : memref<!tpu.dma_semaphore, #tpu.memory_space<semaphore_mem>>) {add = true}
        %dma_wait3A_223 = arith.constant 0 : i32
        %dma_wait3A_224 = tpu.memref_slice %arg9[%add3A_189, %dma_wait3A_223] : memref<48x128xi32, #tpu.memory_space<vmem>> -> memref<1x128xi32, #tpu.memory_space<vmem>>
        %dma_wait3A_225 = tpu.memref_squeeze %dma_wait3A_224 : memref<1x128xi32, #tpu.memory_space<vmem>> -> memref<128xi32, #tpu.memory_space<vmem>>
        %dma_wait3A_226 = arith.constant 0 : i32
        %dma_wait3A_227 = arith.constant 0 : i32
        %dma_wait3A_228 = tpu.memref_slice %arg10[%dma_wait3A_226, %dma_wait3A_227] : memref<10240x128xf32, #tpu.memory_space<vmem_shared>> -> memref<10240x128xf32, #tpu.memory_space<vmem_shared>>
        tpu.wait_indirect_dma semaphore(%run_scoped3A_216 : memref<!tpu.dma_semaphore, #tpu.memory_space<semaphore_mem>>) src(%arg7 : memref<128x128xf32, #tpu.memory_space<vmem>>) dst(%dma_wait3A_228 : memref<10240x128xf32, #tpu.memory_space<vmem_shared>>)
        tpu.yield
      }) : () -> ()
      %add3A_196 = arith.constant 2 : i32
      %add3A_197 = arith.addi %add3A_189, %add3A_196 : i32
      %dma_start3A_198 = arith.constant 0 : i32
      %dma_start3A_199 = arith.constant 0 : i32
      %dma_start3A_200 = tpu.memref_slice %arg7[%dma_start3A_198, %dma_start3A_199] : memref<128x128xf32, #tpu.memory_space<vmem>> -> memref<64x128xf32, #tpu.memory_space<vmem>>
      %dma_start3A_201 = arith.constant 0 : i32
      %dma_start3A_202 = tpu.memref_slice %arg8[%add3A_197, %dma_start3A_201] : memref<48x128xi32, #tpu.memory_space<vmem>> -> memref<1x64xi32, #tpu.memory_space<vmem>>
      %dma_start3A_203 = tpu.memref_squeeze %dma_start3A_202 : memref<1x64xi32, #tpu.memory_space<vmem>> -> memref<64xi32, #tpu.memory_space<vmem>>
      %dma_start3A_204 = arith.constant 0 : i32
      %dma_start3A_205 = arith.constant 0 : i32
      %dma_start3A_206 = tpu.memref_slice %arg2[%dma_start3A_204, %dma_start3A_205] : memref<10240x128xf32, #tpu.memory_space<hbm>> -> memref<10240x128xf32, #tpu.memory_space<hbm>>
      tpu.enqueue_indirect_dma source(%dma_start3A_206 : memref<10240x128xf32, #tpu.memory_space<hbm>>) target(%dma_start3A_200 : memref<64x128xf32, #tpu.memory_space<vmem>>) offsets(%dma_start3A_203 : memref<64xi32, #tpu.memory_space<vmem>>) semaphore(%arg12 : memref<!tpu.dma_semaphore, #tpu.memory_space<semaphore_mem>>)
      %dma_start3A_207 = arith.constant 64 : i32
      %dma_start3A_208 = arith.constant 0 : i32
      %dma_start3A_209 = tpu.memref_slice %arg7[%dma_start3A_207, %dma_start3A_208] : memref<128x128xf32, #tpu.memory_space<vmem>> -> memref<64x128xf32, #tpu.memory_space<vmem>>
      %dma_start3A_210 = arith.constant 64 : i32
      %dma_start3A_211 = tpu.memref_slice %arg8[%add3A_197, %dma_start3A_210] : memref<48x128xi32, #tpu.memory_space<vmem>> -> memref<1x64xi32, #tpu.memory_space<vmem>>
      %dma_start3A_212 = tpu.memref_squeeze %dma_start3A_211 : memref<1x64xi32, #tpu.memory_space<vmem>> -> memref<64xi32, #tpu.memory_space<vmem>>
      %dma_start3A_213 = arith.constant 0 : i32
      %dma_start3A_214 = arith.constant 0 : i32
      %dma_start3A_215 = tpu.memref_slice %arg2[%dma_start3A_213, %dma_start3A_214] : memref<10240x128xf32, #tpu.memory_space<hbm>> -> memref<10240x128xf32, #tpu.memory_space<hbm>>
      tpu.enqueue_indirect_dma source(%dma_start3A_215 : memref<10240x128xf32, #tpu.memory_space<hbm>>) target(%dma_start3A_209 : memref<64x128xf32, #tpu.memory_space<vmem>>) offsets(%dma_start3A_212 : memref<64xi32, #tpu.memory_space<vmem>>) semaphore(%arg12 : memref<!tpu.dma_semaphore, #tpu.memory_space<semaphore_mem>>)
    }
    %scan3A_133 = arith.constant 16 : i32
    %dma_wait3A_134 = arith.constant 32 : i32
    %dma_wait3A_135 = arith.constant 0 : i32
    %dma_wait3A_136 = tpu.memref_slice %arg8[%dma_wait3A_134, %dma_wait3A_135] : memref<48x128xi32, #tpu.memory_space<vmem>> -> memref<1x128xi32, #tpu.memory_space<vmem>>
    %dma_wait3A_137 = tpu.memref_squeeze %dma_wait3A_136 : memref<1x128xi32, #tpu.memory_space<vmem>> -> memref<128xi32, #tpu.memory_space<vmem>>
    %dma_wait3A_138 = arith.constant 0 : i32
    %dma_wait3A_139 = arith.constant 0 : i32
    %dma_wait3A_140 = tpu.memref_slice %arg2[%dma_wait3A_138, %dma_wait3A_139] : memref<10240x128xf32, #tpu.memory_space<hbm>> -> memref<10240x128xf32, #tpu.memory_space<hbm>>
    tpu.wait_indirect_dma semaphore(%arg11 : memref<!tpu.dma_semaphore, #tpu.memory_space<semaphore_mem>>) src(%dma_wait3A_140 : memref<10240x128xf32, #tpu.memory_space<hbm>>) dst(%arg6 : memref<128x128xf32, #tpu.memory_space<vmem>>)
    %run_scoped3A_141 = arith.constant 32 : i32
    "tpu.region"() ({
      %run_scoped3A_155 = tpu.sem_alloc : memref<!tpu.dma_semaphore, #tpu.memory_space<semaphore_mem>>
      %dma_start3A_156 = arith.constant 0 : i32
      %dma_start3A_157 = tpu.memref_slice %arg9[%run_scoped3A_141, %dma_start3A_156] : memref<48x128xi32, #tpu.memory_space<vmem>> -> memref<1x128xi32, #tpu.memory_space<vmem>>
      %dma_start3A_158 = tpu.memref_squeeze %dma_start3A_157 : memref<1x128xi32, #tpu.memory_space<vmem>> -> memref<128xi32, #tpu.memory_space<vmem>>
      %dma_start3A_159 = arith.constant 0 : i32
      %dma_start3A_160 = arith.constant 0 : i32
      %dma_start3A_161 = tpu.memref_slice %arg10[%dma_start3A_159, %dma_start3A_160] : memref<10240x128xf32, #tpu.memory_space<vmem_shared>> -> memref<10240x128xf32, #tpu.memory_space<vmem_shared>>
      tpu.enqueue_indirect_dma source(%arg6 : memref<128x128xf32, #tpu.memory_space<vmem>>) target(%dma_start3A_161 : memref<10240x128xf32, #tpu.memory_space<vmem_shared>>) offsets(%dma_start3A_158 : memref<128xi32, #tpu.memory_space<vmem>>) semaphore(%run_scoped3A_155 : memref<!tpu.dma_semaphore, #tpu.memory_space<semaphore_mem>>) {add = true}
      %dma_wait3A_162 = arith.constant 0 : i32
      %dma_wait3A_163 = tpu.memref_slice %arg9[%run_scoped3A_141, %dma_wait3A_162] : memref<48x128xi32, #tpu.memory_space<vmem>> -> memref<1x128xi32, #tpu.memory_space<vmem>>
      %dma_wait3A_164 = tpu.memref_squeeze %dma_wait3A_163 : memref<1x128xi32, #tpu.memory_space<vmem>> -> memref<128xi32, #tpu.memory_space<vmem>>
      %dma_wait3A_165 = arith.constant 0 : i32
      %dma_wait3A_166 = arith.constant 0 : i32
      %dma_wait3A_167 = tpu.memref_slice %arg10[%dma_wait3A_165, %dma_wait3A_166] : memref<10240x128xf32, #tpu.memory_space<vmem_shared>> -> memref<10240x128xf32, #tpu.memory_space<vmem_shared>>
      tpu.wait_indirect_dma semaphore(%run_scoped3A_155 : memref<!tpu.dma_semaphore, #tpu.memory_space<semaphore_mem>>) src(%arg6 : memref<128x128xf32, #tpu.memory_space<vmem>>) dst(%dma_wait3A_167 : memref<10240x128xf32, #tpu.memory_space<vmem_shared>>)
      tpu.yield
    }) : () -> ()
    %dma_wait3A_142 = arith.constant 33 : i32
    %dma_wait3A_143 = arith.constant 0 : i32
    %dma_wait3A_144 = tpu.memref_slice %arg8[%dma_wait3A_142, %dma_wait3A_143] : memref<48x128xi32, #tpu.memory_space<vmem>> -> memref<1x128xi32, #tpu.memory_space<vmem>>
    %dma_wait3A_145 = tpu.memref_squeeze %dma_wait3A_144 : memref<1x128xi32, #tpu.memory_space<vmem>> -> memref<128xi32, #tpu.memory_space<vmem>>
    %dma_wait3A_146 = arith.constant 0 : i32
    %dma_wait3A_147 = arith.constant 0 : i32
    %dma_wait3A_148 = tpu.memref_slice %arg2[%dma_wait3A_146, %dma_wait3A_147] : memref<10240x128xf32, #tpu.memory_space<hbm>> -> memref<10240x128xf32, #tpu.memory_space<hbm>>
    tpu.wait_indirect_dma semaphore(%arg12 : memref<!tpu.dma_semaphore, #tpu.memory_space<semaphore_mem>>) src(%dma_wait3A_148 : memref<10240x128xf32, #tpu.memory_space<hbm>>) dst(%arg7 : memref<128x128xf32, #tpu.memory_space<vmem>>)
    %run_scoped3A_149 = arith.constant 33 : i32
    "tpu.region"() ({
      %run_scoped3A_155 = tpu.sem_alloc : memref<!tpu.dma_semaphore, #tpu.memory_space<semaphore_mem>>
      %dma_start3A_156 = arith.constant 0 : i32
      %dma_start3A_157 = tpu.memref_slice %arg9[%run_scoped3A_149, %dma_start3A_156] : memref<48x128xi32, #tpu.memory_space<vmem>> -> memref<1x128xi32, #tpu.memory_space<vmem>>
      %dma_start3A_158 = tpu.memref_squeeze %dma_start3A_157 : memref<1x128xi32, #tpu.memory_space<vmem>> -> memref<128xi32, #tpu.memory_space<vmem>>
      %dma_start3A_159 = arith.constant 0 : i32
      %dma_start3A_160 = arith.constant 0 : i32
      %dma_start3A_161 = tpu.memref_slice %arg10[%dma_start3A_159, %dma_start3A_160] : memref<10240x128xf32, #tpu.memory_space<vmem_shared>> -> memref<10240x128xf32, #tpu.memory_space<vmem_shared>>
      tpu.enqueue_indirect_dma source(%arg7 : memref<128x128xf32, #tpu.memory_space<vmem>>) target(%dma_start3A_161 : memref<10240x128xf32, #tpu.memory_space<vmem_shared>>) offsets(%dma_start3A_158 : memref<128xi32, #tpu.memory_space<vmem>>) semaphore(%run_scoped3A_155 : memref<!tpu.dma_semaphore, #tpu.memory_space<semaphore_mem>>) {add = true}
      %dma_wait3A_162 = arith.constant 0 : i32
      %dma_wait3A_163 = tpu.memref_slice %arg9[%run_scoped3A_149, %dma_wait3A_162] : memref<48x128xi32, #tpu.memory_space<vmem>> -> memref<1x128xi32, #tpu.memory_space<vmem>>
      %dma_wait3A_164 = tpu.memref_squeeze %dma_wait3A_163 : memref<1x128xi32, #tpu.memory_space<vmem>> -> memref<128xi32, #tpu.memory_space<vmem>>
      %dma_wait3A_165 = arith.constant 0 : i32
      %dma_wait3A_166 = arith.constant 0 : i32
      %dma_wait3A_167 = tpu.memref_slice %arg10[%dma_wait3A_165, %dma_wait3A_166] : memref<10240x128xf32, #tpu.memory_space<vmem_shared>> -> memref<10240x128xf32, #tpu.memory_space<vmem_shared>>
      tpu.wait_indirect_dma semaphore(%run_scoped3A_155 : memref<!tpu.dma_semaphore, #tpu.memory_space<semaphore_mem>>) src(%arg7 : memref<128x128xf32, #tpu.memory_space<vmem>>) dst(%dma_wait3A_167 : memref<10240x128xf32, #tpu.memory_space<vmem_shared>>)
      tpu.yield
    }) : () -> ()
    %barrier3A_150 = arith.constant 0 : index
    tpu.barrier barrier_id(%barrier3A_150)
    %mul3A_151 = arith.constant 640 : i32
    %mul3A_152 = arith.muli %arg1, %mul3A_151 : i32
    %mul3A_153 = arith.constant 640 : i32
    %mul3A_154 = arith.muli %arg1, %mul3A_153 : i32
    "tpu.region"() ({
      %run_scoped3A_155 = tpu.sem_alloc : memref<!tpu.dma_semaphore, #tpu.memory_space<semaphore_mem>>
      %dma_start3A_156 = arith.constant 0 : i32
      %dma_start3A_157 = arith.constant 0 : i32
      %dma_start3A_158 = tpu.memref_slice %arg5[%arg0, %dma_start3A_156, %dma_start3A_157] : memref<2x10240x128xf32, #tpu.memory_space<hbm>> -> memref<1x10240x128xf32, #tpu.memory_space<hbm>>
      %dma_start3A_159 = tpu.memref_squeeze %dma_start3A_158 : memref<1x10240x128xf32, #tpu.memory_space<hbm>> -> memref<10240x128xf32, #tpu.memory_space<hbm>>
      %dma_start3A_160 = arith.constant 0 : i32
      %dma_start3A_161 = tpu.memref_slice %dma_start3A_159[%mul3A_154, %dma_start3A_160] : memref<10240x128xf32, #tpu.memory_space<hbm>> -> memref<640x128xf32, #tpu.memory_space<hbm>>
      %dma_start3A_162 = arith.constant 0 : i32
      %dma_start3A_163 = tpu.memref_slice %arg10[%mul3A_152, %dma_start3A_162] : memref<10240x128xf32, #tpu.memory_space<vmem_shared>> -> memref<640x128xf32, #tpu.memory_space<vmem_shared>>
      tpu.enqueue_dma source(%dma_start3A_163 : memref<640x128xf32, #tpu.memory_space<vmem_shared>>) target(%dma_start3A_161 : memref<640x128xf32, #tpu.memory_space<hbm>>) target_semaphore(%run_scoped3A_155 : memref<!tpu.dma_semaphore, #tpu.memory_space<semaphore_mem>>)
      %dma_wait3A_164 = arith.constant 0 : i32
      %dma_wait3A_165 = arith.constant 0 : i32
      %dma_wait3A_166 = tpu.memref_slice %arg5[%arg0, %dma_wait3A_164, %dma_wait3A_165] : memref<2x10240x128xf32, #tpu.memory_space<hbm>> -> memref<1x10240x128xf32, #tpu.memory_space<hbm>>
      %dma_wait3A_167 = tpu.memref_squeeze %dma_wait3A_166 : memref<1x10240x128xf32, #tpu.memory_space<hbm>> -> memref<10240x128xf32, #tpu.memory_space<hbm>>
      %dma_wait3A_168 = arith.constant 0 : i32
      %dma_wait3A_169 = tpu.memref_slice %dma_wait3A_167[%mul3A_154, %dma_wait3A_168] : memref<10240x128xf32, #tpu.memory_space<hbm>> -> memref<640x128xf32, #tpu.memory_space<hbm>>
      %dma_wait3A_170 = arith.constant 0 : i32
      %dma_wait3A_171 = tpu.memref_slice %arg10[%mul3A_152, %dma_wait3A_170] : memref<10240x128xf32, #tpu.memory_space<vmem_shared>> -> memref<640x128xf32, #tpu.memory_space<vmem_shared>>
      tpu.wait_dma2 semaphore(%run_scoped3A_155 : memref<!tpu.dma_semaphore, #tpu.memory_space<semaphore_mem>>) src(%dma_wait3A_171 : memref<640x128xf32, #tpu.memory_space<vmem_shared>>) dst(%dma_wait3A_169 : memref<640x128xf32, #tpu.memory_space<hbm>>)
      tpu.yield
    }) : () -> ()
    return
  }
}

#map = affine_map<(d0, d1) -> (0, 0)>
#map1 = affine_map<(d0, d1) -> (0)>
module attributes {stable_mosaic.version = 14 : i64} {
  func.func @deg_kernel(%arg0: i32, %arg1: i32, %arg2: memref<2816x128xi32, #tpu.memory_space<hbm>>, %arg3: memref<20480xf32, #tpu.memory_space<hbm>>, %arg4: memref<88x128xi32, #tpu.memory_space<vmem>>, %arg5: memref<128xf32, #tpu.memory_space<vmem>>, %arg6: memref<640xf32, #tpu.memory_space<vmem>>, %arg7: memref<10240xf32, #tpu.memory_space<vmem_shared>>, %arg8: memref<!tpu.dma_semaphore, #tpu.memory_space<semaphore_mem>>) attributes {dimension_semantics = [#tpu.dimension_semantics<core_parallel>, #tpu.dimension_semantics<subcore_parallel>], iteration_bounds = array<i64: 2, 16>, scalar_prefetch = 0 : i64, scratch_operands = 5 : i64, tpu.core_type = #tpu.core_type<sc_vector_subcore>, window_params = [{transform_indices = #map}, {transform_indices = #map1}]} {
    %mul3A = arith.constant 2 : i32
    %mul3A_0 = arith.muli %arg1, %mul3A : i32
    %add3A = arith.addi %mul3A_0, %arg0 : i32
    %mul3A_1 = arith.constant 88 : i32
    %mul3A_2 = arith.muli %add3A, %mul3A_1 : i32
    "tpu.region"() ({
      %run_scoped3A = tpu.sem_alloc : memref<!tpu.dma_semaphore, #tpu.memory_space<semaphore_mem>>
      %dma_start3A = arith.constant 0 : i32
      %dma_start3A_73 = tpu.memref_slice %arg2[%mul3A_2, %dma_start3A] : memref<2816x128xi32, #tpu.memory_space<hbm>> -> memref<88x128xi32, #tpu.memory_space<hbm>>
      %dma_start3A_74 = arith.constant 0 : i32
      %dma_start3A_75 = tpu.memref_slice %arg2[%mul3A_2, %dma_start3A_74] : memref<2816x128xi32, #tpu.memory_space<hbm>> -> memref<88x128xi32, #tpu.memory_space<hbm>>
      tpu.enqueue_dma source(%dma_start3A_75 : memref<88x128xi32, #tpu.memory_space<hbm>>) target(%arg4 : memref<88x128xi32, #tpu.memory_space<vmem>>) target_semaphore(%run_scoped3A : memref<!tpu.dma_semaphore, #tpu.memory_space<semaphore_mem>>)
      %dma_wait3A = arith.constant 0 : i32
      %dma_wait3A_76 = tpu.memref_slice %arg2[%mul3A_2, %dma_wait3A] : memref<2816x128xi32, #tpu.memory_space<hbm>> -> memref<88x128xi32, #tpu.memory_space<hbm>>
      %dma_wait3A_77 = arith.constant 0 : i32
      %dma_wait3A_78 = tpu.memref_slice %arg2[%mul3A_2, %dma_wait3A_77] : memref<2816x128xi32, #tpu.memory_space<hbm>> -> memref<88x128xi32, #tpu.memory_space<hbm>>
      tpu.wait_dma2 semaphore(%run_scoped3A : memref<!tpu.dma_semaphore, #tpu.memory_space<semaphore_mem>>) src(%dma_wait3A_78 : memref<88x128xi32, #tpu.memory_space<hbm>>) dst(%arg4 : memref<88x128xi32, #tpu.memory_space<vmem>>)
      tpu.yield
    }) : () -> ()
    %broadcast_in_dim3A = arith.constant 1.000000e+00 : f32
    %broadcast_in_dim3A_3 = vector.broadcast %broadcast_in_dim3A : f32 to vector<16xf32>
    %swap3A = arith.constant 0 : index
    %swap3A_4 = tpu.vector_load %arg5[%swap3A] {strides = array<i32>} : memref<128xf32, #tpu.memory_space<vmem>>, vector<16xf32>,
    %swap3A_5 = vector.shape_cast %swap3A_4 : vector<16xf32> to vector<16xf32>
    %swap3A_6 = vector.shape_cast %broadcast_in_dim3A_3 : vector<16xf32> to vector<16xf32>
    tpu.vector_store %arg5[%swap3A], %swap3A_6 {strides = array<i32>} : memref<128xf32, #tpu.memory_space<vmem>>, vector<16xf32>,
    %broadcast_in_dim3A_7 = arith.constant 1.000000e+00 : f32
    %broadcast_in_dim3A_8 = vector.broadcast %broadcast_in_dim3A_7 : f32 to vector<16xf32>
    %swap3A_9 = arith.constant 16 : index
    %swap3A_10 = tpu.vector_load %arg5[%swap3A_9] {strides = array<i32>} : memref<128xf32, #tpu.memory_space<vmem>>, vector<16xf32>,
    %swap3A_11 = vector.shape_cast %swap3A_10 : vector<16xf32> to vector<16xf32>
    %swap3A_12 = vector.shape_cast %broadcast_in_dim3A_8 : vector<16xf32> to vector<16xf32>
    tpu.vector_store %arg5[%swap3A_9], %swap3A_12 {strides = array<i32>} : memref<128xf32, #tpu.memory_space<vmem>>, vector<16xf32>,
    %broadcast_in_dim3A_13 = arith.constant 1.000000e+00 : f32
    %broadcast_in_dim3A_14 = vector.broadcast %broadcast_in_dim3A_13 : f32 to vector<16xf32>
    %swap3A_15 = arith.constant 32 : index
    %swap3A_16 = tpu.vector_load %arg5[%swap3A_15] {strides = array<i32>} : memref<128xf32, #tpu.memory_space<vmem>>, vector<16xf32>,
    %swap3A_17 = vector.shape_cast %swap3A_16 : vector<16xf32> to vector<16xf32>
    %swap3A_18 = vector.shape_cast %broadcast_in_dim3A_14 : vector<16xf32> to vector<16xf32>
    tpu.vector_store %arg5[%swap3A_15], %swap3A_18 {strides = array<i32>} : memref<128xf32, #tpu.memory_space<vmem>>, vector<16xf32>,
    %broadcast_in_dim3A_19 = arith.constant 1.000000e+00 : f32
    %broadcast_in_dim3A_20 = vector.broadcast %broadcast_in_dim3A_19 : f32 to vector<16xf32>
    %swap3A_21 = arith.constant 48 : index
    %swap3A_22 = tpu.vector_load %arg5[%swap3A_21] {strides = array<i32>} : memref<128xf32, #tpu.memory_space<vmem>>, vector<16xf32>,
    %swap3A_23 = vector.shape_cast %swap3A_22 : vector<16xf32> to vector<16xf32>
    %swap3A_24 = vector.shape_cast %broadcast_in_dim3A_20 : vector<16xf32> to vector<16xf32>
    tpu.vector_store %arg5[%swap3A_21], %swap3A_24 {strides = array<i32>} : memref<128xf32, #tpu.memory_space<vmem>>, vector<16xf32>,
    %broadcast_in_dim3A_25 = arith.constant 1.000000e+00 : f32
    %broadcast_in_dim3A_26 = vector.broadcast %broadcast_in_dim3A_25 : f32 to vector<16xf32>
    %swap3A_27 = arith.constant 64 : index
    %swap3A_28 = tpu.vector_load %arg5[%swap3A_27] {strides = array<i32>} : memref<128xf32, #tpu.memory_space<vmem>>, vector<16xf32>,
    %swap3A_29 = vector.shape_cast %swap3A_28 : vector<16xf32> to vector<16xf32>
    %swap3A_30 = vector.shape_cast %broadcast_in_dim3A_26 : vector<16xf32> to vector<16xf32>
    tpu.vector_store %arg5[%swap3A_27], %swap3A_30 {strides = array<i32>} : memref<128xf32, #tpu.memory_space<vmem>>, vector<16xf32>,
    %broadcast_in_dim3A_31 = arith.constant 1.000000e+00 : f32
    %broadcast_in_dim3A_32 = vector.broadcast %broadcast_in_dim3A_31 : f32 to vector<16xf32>
    %swap3A_33 = arith.constant 80 : index
    %swap3A_34 = tpu.vector_load %arg5[%swap3A_33] {strides = array<i32>} : memref<128xf32, #tpu.memory_space<vmem>>, vector<16xf32>,
    %swap3A_35 = vector.shape_cast %swap3A_34 : vector<16xf32> to vector<16xf32>
    %swap3A_36 = vector.shape_cast %broadcast_in_dim3A_32 : vector<16xf32> to vector<16xf32>
    tpu.vector_store %arg5[%swap3A_33], %swap3A_36 {strides = array<i32>} : memref<128xf32, #tpu.memory_space<vmem>>, vector<16xf32>,
    %broadcast_in_dim3A_37 = arith.constant 1.000000e+00 : f32
    %broadcast_in_dim3A_38 = vector.broadcast %broadcast_in_dim3A_37 : f32 to vector<16xf32>
    %swap3A_39 = arith.constant 96 : index
    %swap3A_40 = tpu.vector_load %arg5[%swap3A_39] {strides = array<i32>} : memref<128xf32, #tpu.memory_space<vmem>>, vector<16xf32>,
    %swap3A_41 = vector.shape_cast %swap3A_40 : vector<16xf32> to vector<16xf32>
    %swap3A_42 = vector.shape_cast %broadcast_in_dim3A_38 : vector<16xf32> to vector<16xf32>
    tpu.vector_store %arg5[%swap3A_39], %swap3A_42 {strides = array<i32>} : memref<128xf32, #tpu.memory_space<vmem>>, vector<16xf32>,
    %broadcast_in_dim3A_43 = arith.constant 1.000000e+00 : f32
    %broadcast_in_dim3A_44 = vector.broadcast %broadcast_in_dim3A_43 : f32 to vector<16xf32>
    %swap3A_45 = arith.constant 112 : index
    %swap3A_46 = tpu.vector_load %arg5[%swap3A_45] {strides = array<i32>} : memref<128xf32, #tpu.memory_space<vmem>>, vector<16xf32>,
    %swap3A_47 = vector.shape_cast %swap3A_46 : vector<16xf32> to vector<16xf32>
    %swap3A_48 = vector.shape_cast %broadcast_in_dim3A_44 : vector<16xf32> to vector<16xf32>
    tpu.vector_store %arg5[%swap3A_45], %swap3A_48 {strides = array<i32>} : memref<128xf32, #tpu.memory_space<vmem>>, vector<16xf32>,
    %scan3A = arith.constant 0 : i32
    %scan3A_49 = arith.constant 40 : i32
    %scan3A_50 = arith.addi %scan3A, %scan3A_49 : i32
    %scan3A_51 = arith.constant 1 : i32
    scf.for %scan3A_73 = %scan3A to %scan3A_50 step %scan3A_51  : i32 {
      %broadcast_in_dim3A_74 = arith.constant 0.000000e+00 : f32
      %broadcast_in_dim3A_75 = vector.broadcast %broadcast_in_dim3A_74 : f32 to vector<16xf32>
      %mul3A_76 = arith.constant 16 : i32
      %mul3A_77 = arith.muli %scan3A_73, %mul3A_76 : i32
      %swap3A_78 = arith.index_cast %mul3A_77 : i32 to index
      %swap3A_79 = tpu.vector_load %arg6[%swap3A_78] {strides = array<i32>} : memref<640xf32, #tpu.memory_space<vmem>>, vector<16xf32>,
      %swap3A_80 = vector.shape_cast %swap3A_79 : vector<16xf32> to vector<16xf32>
      %swap3A_81 = vector.shape_cast %broadcast_in_dim3A_75 : vector<16xf32> to vector<16xf32>
      tpu.vector_store %arg6[%swap3A_78], %swap3A_81 {strides = array<i32>} : memref<640xf32, #tpu.memory_space<vmem>>, vector<16xf32>,
    }
    %scan3A_52 = arith.constant 40 : i32
    %mul3A_53 = arith.constant 640 : i32
    %mul3A_54 = arith.muli %arg1, %mul3A_53 : i32
    "tpu.region"() ({
      %run_scoped3A = tpu.sem_alloc : memref<!tpu.dma_semaphore, #tpu.memory_space<semaphore_mem>>
      %dma_start3A = tpu.memref_slice %arg7[%mul3A_54] : memref<10240xf32, #tpu.memory_space<vmem_shared>> -> memref<640xf32, #tpu.memory_space<vmem_shared>>
      %dma_start3A_73 = tpu.memref_slice %arg7[%mul3A_54] : memref<10240xf32, #tpu.memory_space<vmem_shared>> -> memref<640xf32, #tpu.memory_space<vmem_shared>>
      tpu.enqueue_dma source(%arg6 : memref<640xf32, #tpu.memory_space<vmem>>) target(%dma_start3A_73 : memref<640xf32, #tpu.memory_space<vmem_shared>>) target_semaphore(%run_scoped3A : memref<!tpu.dma_semaphore, #tpu.memory_space<semaphore_mem>>)
      %dma_wait3A = tpu.memref_slice %arg7[%mul3A_54] : memref<10240xf32, #tpu.memory_space<vmem_shared>> -> memref<640xf32, #tpu.memory_space<vmem_shared>>
      %dma_wait3A_74 = tpu.memref_slice %arg7[%mul3A_54] : memref<10240xf32, #tpu.memory_space<vmem_shared>> -> memref<640xf32, #tpu.memory_space<vmem_shared>>
      tpu.wait_dma2 semaphore(%run_scoped3A : memref<!tpu.dma_semaphore, #tpu.memory_space<semaphore_mem>>) src(%arg6 : memref<640xf32, #tpu.memory_space<vmem>>) dst(%dma_wait3A_74 : memref<640xf32, #tpu.memory_space<vmem_shared>>)
      tpu.yield
    }) : () -> ()
    %barrier3A = arith.constant 0 : index
    tpu.barrier barrier_id(%barrier3A)
    %scan3A_55 = arith.constant 0 : i32
    %scan3A_56 = arith.constant 82 : i32
    %scan3A_57 = arith.addi %scan3A_55, %scan3A_56 : i32
    %scan3A_58 = arith.constant 1 : i32
    scf.for %scan3A_73 = %scan3A_55 to %scan3A_57 step %scan3A_58  : i32 {
      %dma_start3A = arith.constant 0 : i32
      %dma_start3A_74 = tpu.memref_slice %arg4[%scan3A_73, %dma_start3A] : memref<88x128xi32, #tpu.memory_space<vmem>> -> memref<1x128xi32, #tpu.memory_space<vmem>>
      %dma_start3A_75 = tpu.memref_squeeze %dma_start3A_74 : memref<1x128xi32, #tpu.memory_space<vmem>> -> memref<128xi32, #tpu.memory_space<vmem>>
      %dma_start3A_76 = arith.constant 0 : i32
      %dma_start3A_77 = tpu.memref_slice %arg7[%dma_start3A_76] : memref<10240xf32, #tpu.memory_space<vmem_shared>> -> memref<10240xf32, #tpu.memory_space<vmem_shared>>
      tpu.enqueue_indirect_dma source(%arg5 : memref<128xf32, #tpu.memory_space<vmem>>) target(%dma_start3A_77 : memref<10240xf32, #tpu.memory_space<vmem_shared>>) offsets(%dma_start3A_75 : memref<128xi32, #tpu.memory_space<vmem>>) semaphore(%arg8 : memref<!tpu.dma_semaphore, #tpu.memory_space<semaphore_mem>>) {add = true}
    }
    %scan3A_59 = arith.constant 82 : i32
    %scan3A_60 = arith.constant 0 : i32
    %scan3A_61 = arith.constant 82 : i32
    %scan3A_62 = arith.addi %scan3A_60, %scan3A_61 : i32
    %scan3A_63 = arith.constant 1 : i32
    scf.for %scan3A_73 = %scan3A_60 to %scan3A_62 step %scan3A_63  : i32 {
      %dma_wait3A = arith.constant 0 : i32
      %dma_wait3A_74 = tpu.memref_slice %arg4[%scan3A_73, %dma_wait3A] : memref<88x128xi32, #tpu.memory_space<vmem>> -> memref<1x128xi32, #tpu.memory_space<vmem>>
      %dma_wait3A_75 = tpu.memref_squeeze %dma_wait3A_74 : memref<1x128xi32, #tpu.memory_space<vmem>> -> memref<128xi32, #tpu.memory_space<vmem>>
      %dma_wait3A_76 = arith.constant 0 : i32
      %dma_wait3A_77 = tpu.memref_slice %arg7[%dma_wait3A_76] : memref<10240xf32, #tpu.memory_space<vmem_shared>> -> memref<10240xf32, #tpu.memory_space<vmem_shared>>
      tpu.wait_indirect_dma semaphore(%arg8 : memref<!tpu.dma_semaphore, #tpu.memory_space<semaphore_mem>>) src(%arg5 : memref<128xf32, #tpu.memory_space<vmem>>) dst(%dma_wait3A_77 : memref<10240xf32, #tpu.memory_space<vmem_shared>>)
    }
    %scan3A_64 = arith.constant 82 : i32
    %barrier3A_65 = arith.constant 0 : index
    tpu.barrier barrier_id(%barrier3A_65)
    %mul3A_66 = arith.constant 640 : i32
    %mul3A_67 = arith.muli %arg1, %mul3A_66 : i32
    %mul3A_68 = arith.constant 10240 : i32
    %mul3A_69 = arith.muli %arg0, %mul3A_68 : i32
    %mul3A_70 = arith.constant 640 : i32
    %mul3A_71 = arith.muli %arg1, %mul3A_70 : i32
    %add3A_72 = arith.addi %mul3A_69, %mul3A_71 : i32
    "tpu.region"() ({
      %run_scoped3A = tpu.sem_alloc : memref<!tpu.dma_semaphore, #tpu.memory_space<semaphore_mem>>
      %dma_start3A = tpu.memref_slice %arg3[%add3A_72] : memref<20480xf32, #tpu.memory_space<hbm>> -> memref<640xf32, #tpu.memory_space<hbm>>
      %dma_start3A_73 = tpu.memref_slice %arg7[%mul3A_67] : memref<10240xf32, #tpu.memory_space<vmem_shared>> -> memref<640xf32, #tpu.memory_space<vmem_shared>>
      tpu.enqueue_dma source(%dma_start3A_73 : memref<640xf32, #tpu.memory_space<vmem_shared>>) target(%dma_start3A : memref<640xf32, #tpu.memory_space<hbm>>) target_semaphore(%run_scoped3A : memref<!tpu.dma_semaphore, #tpu.memory_space<semaphore_mem>>)
      %dma_wait3A = tpu.memref_slice %arg3[%add3A_72] : memref<20480xf32, #tpu.memory_space<hbm>> -> memref<640xf32, #tpu.memory_space<hbm>>
      %dma_wait3A_74 = tpu.memref_slice %arg7[%mul3A_67] : memref<10240xf32, #tpu.memory_space<vmem_shared>> -> memref<640xf32, #tpu.memory_space<vmem_shared>>
      tpu.wait_dma2 semaphore(%run_scoped3A : memref<!tpu.dma_semaphore, #tpu.memory_space<semaphore_mem>>) src(%dma_wait3A_74 : memref<640xf32, #tpu.memory_space<vmem_shared>>) dst(%dma_wait3A : memref<640xf32, #tpu.memory_space<hbm>>)
      tpu.yield
    }) : () -> ()
    return
  }
}

#map = affine_map<(d0, d1) -> (0, 0)>
#map1 = affine_map<(d0, d1) -> (0, 0, 0)>
module attributes {stable_mosaic.version = 14 : i64} {
  func.func @agg_kernel(%arg0: i32, %arg1: i32, %arg2: memref<10240x128xf32, #tpu.memory_space<hbm>>, %arg3: memref<2816x128xi32, #tpu.memory_space<hbm>>, %arg4: memref<2816x128xi32, #tpu.memory_space<hbm>>, %arg5: memref<2x10240x128xf32, #tpu.memory_space<hbm>>, %arg6: memref<128x128xf32, #tpu.memory_space<vmem>>, %arg7: memref<128x128xf32, #tpu.memory_space<vmem>>, %arg8: memref<48x128xi32, #tpu.memory_space<vmem>>, %arg9: memref<48x128xi32, #tpu.memory_space<vmem>>, %arg10: memref<10240x128xf32, #tpu.memory_space<vmem_shared>>, %arg11: memref<!tpu.dma_semaphore, #tpu.memory_space<semaphore_mem>>, %arg12: memref<!tpu.dma_semaphore, #tpu.memory_space<semaphore_mem>>) attributes {dimension_semantics = [#tpu.dimension_semantics<core_parallel>, #tpu.dimension_semantics<subcore_parallel>], iteration_bounds = array<i64: 2, 16>, scalar_prefetch = 0 : i64, scratch_operands = 7 : i64, tpu.core_type = #tpu.core_type<sc_vector_subcore>, window_params = [{transform_indices = #map}, {transform_indices = #map}, {transform_indices = #map}, {transform_indices = #map1}]} {
    %mul3A = arith.constant 2 : i32
    %mul3A_0 = arith.muli %arg1, %mul3A : i32
    %add3A = arith.addi %mul3A_0, %arg0 : i32
    %mul3A_1 = arith.constant 88 : i32
    %mul3A_2 = arith.muli %add3A, %mul3A_1 : i32
    %scan3A = arith.constant 0 : i32
    %scan3A_3 = arith.constant 128 : i32
    %scan3A_4 = arith.addi %scan3A, %scan3A_3 : i32
    %scan3A_5 = arith.constant 1 : i32
    scf.for %scan3A_155 = %scan3A to %scan3A_4 step %scan3A_5  : i32 {
      %broadcast_in_dim3A = arith.constant 0.000000e+00 : f32
      %broadcast_in_dim3A_156 = vector.broadcast %broadcast_in_dim3A : f32 to vector<16xf32>
      %swap3A = arith.index_cast %scan3A_155 : i32 to index
      %swap3A_157 = arith.constant 0 : index
      %swap3A_158 = tpu.vector_load %arg6[%swap3A, %swap3A_157] {strides = array<i32>} : memref<128x128xf32, #tpu.memory_space<vmem>>, vector<1x16xf32>,
      %swap3A_159 = vector.shape_cast %swap3A_158 : vector<1x16xf32> to vector<16xf32>
      %swap3A_160 = vector.shape_cast %broadcast_in_dim3A_156 : vector<16xf32> to vector<1x16xf32>
      tpu.vector_store %arg6[%swap3A, %swap3A_157], %swap3A_160 {strides = array<i32>} : memref<128x128xf32, #tpu.memory_space<vmem>>, vector<1x16xf32>,
      %broadcast_in_dim3A_161 = arith.constant 0.000000e+00 : f32
      %broadcast_in_dim3A_162 = vector.broadcast %broadcast_in_dim3A_161 : f32 to vector<16xf32>
      %swap3A_163 = arith.index_cast %scan3A_155 : i32 to index
      %swap3A_164 = arith.constant 16 : index
      %swap3A_165 = tpu.vector_load %arg6[%swap3A_163, %swap3A_164] {strides = array<i32>} : memref<128x128xf32, #tpu.memory_space<vmem>>, vector<1x16xf32>,
      %swap3A_166 = vector.shape_cast %swap3A_165 : vector<1x16xf32> to vector<16xf32>
      %swap3A_167 = vector.shape_cast %broadcast_in_dim3A_162 : vector<16xf32> to vector<1x16xf32>
      tpu.vector_store %arg6[%swap3A_163, %swap3A_164], %swap3A_167 {strides = array<i32>} : memref<128x128xf32, #tpu.memory_space<vmem>>, vector<1x16xf32>,
      %broadcast_in_dim3A_168 = arith.constant 0.000000e+00 : f32
      %broadcast_in_dim3A_169 = vector.broadcast %broadcast_in_dim3A_168 : f32 to vector<16xf32>
      %swap3A_170 = arith.index_cast %scan3A_155 : i32 to index
      %swap3A_171 = arith.constant 32 : index
      %swap3A_172 = tpu.vector_load %arg6[%swap3A_170, %swap3A_171] {strides = array<i32>} : memref<128x128xf32, #tpu.memory_space<vmem>>, vector<1x16xf32>,
      %swap3A_173 = vector.shape_cast %swap3A_172 : vector<1x16xf32> to vector<16xf32>
      %swap3A_174 = vector.shape_cast %broadcast_in_dim3A_169 : vector<16xf32> to vector<1x16xf32>
      tpu.vector_store %arg6[%swap3A_170, %swap3A_171], %swap3A_174 {strides = array<i32>} : memref<128x128xf32, #tpu.memory_space<vmem>>, vector<1x16xf32>,
      %broadcast_in_dim3A_175 = arith.constant 0.000000e+00 : f32
      %broadcast_in_dim3A_176 = vector.broadcast %broadcast_in_dim3A_175 : f32 to vector<16xf32>
      %swap3A_177 = arith.index_cast %scan3A_155 : i32 to index
      %swap3A_178 = arith.constant 48 : index
      %swap3A_179 = tpu.vector_load %arg6[%swap3A_177, %swap3A_178] {strides = array<i32>} : memref<128x128xf32, #tpu.memory_space<vmem>>, vector<1x16xf32>,
      %swap3A_180 = vector.shape_cast %swap3A_179 : vector<1x16xf32> to vector<16xf32>
      %swap3A_181 = vector.shape_cast %broadcast_in_dim3A_176 : vector<16xf32> to vector<1x16xf32>
      tpu.vector_store %arg6[%swap3A_177, %swap3A_178], %swap3A_181 {strides = array<i32>} : memref<128x128xf32, #tpu.memory_space<vmem>>, vector<1x16xf32>,
      %broadcast_in_dim3A_182 = arith.constant 0.000000e+00 : f32
      %broadcast_in_dim3A_183 = vector.broadcast %broadcast_in_dim3A_182 : f32 to vector<16xf32>
      %swap3A_184 = arith.index_cast %scan3A_155 : i32 to index
      %swap3A_185 = arith.constant 64 : index
      %swap3A_186 = tpu.vector_load %arg6[%swap3A_184, %swap3A_185] {strides = array<i32>} : memref<128x128xf32, #tpu.memory_space<vmem>>, vector<1x16xf32>,
      %swap3A_187 = vector.shape_cast %swap3A_186 : vector<1x16xf32> to vector<16xf32>
      %swap3A_188 = vector.shape_cast %broadcast_in_dim3A_183 : vector<16xf32> to vector<1x16xf32>
      tpu.vector_store %arg6[%swap3A_184, %swap3A_185], %swap3A_188 {strides = array<i32>} : memref<128x128xf32, #tpu.memory_space<vmem>>, vector<1x16xf32>,
      %broadcast_in_dim3A_189 = arith.constant 0.000000e+00 : f32
      %broadcast_in_dim3A_190 = vector.broadcast %broadcast_in_dim3A_189 : f32 to vector<16xf32>
      %swap3A_191 = arith.index_cast %scan3A_155 : i32 to index
      %swap3A_192 = arith.constant 80 : index
      %swap3A_193 = tpu.vector_load %arg6[%swap3A_191, %swap3A_192] {strides = array<i32>} : memref<128x128xf32, #tpu.memory_space<vmem>>, vector<1x16xf32>,
      %swap3A_194 = vector.shape_cast %swap3A_193 : vector<1x16xf32> to vector<16xf32>
      %swap3A_195 = vector.shape_cast %broadcast_in_dim3A_190 : vector<16xf32> to vector<1x16xf32>
      tpu.vector_store %arg6[%swap3A_191, %swap3A_192], %swap3A_195 {strides = array<i32>} : memref<128x128xf32, #tpu.memory_space<vmem>>, vector<1x16xf32>,
      %broadcast_in_dim3A_196 = arith.constant 0.000000e+00 : f32
      %broadcast_in_dim3A_197 = vector.broadcast %broadcast_in_dim3A_196 : f32 to vector<16xf32>
      %swap3A_198 = arith.index_cast %scan3A_155 : i32 to index
      %swap3A_199 = arith.constant 96 : index
      %swap3A_200 = tpu.vector_load %arg6[%swap3A_198, %swap3A_199] {strides = array<i32>} : memref<128x128xf32, #tpu.memory_space<vmem>>, vector<1x16xf32>,
      %swap3A_201 = vector.shape_cast %swap3A_200 : vector<1x16xf32> to vector<16xf32>
      %swap3A_202 = vector.shape_cast %broadcast_in_dim3A_197 : vector<16xf32> to vector<1x16xf32>
      tpu.vector_store %arg6[%swap3A_198, %swap3A_199], %swap3A_202 {strides = array<i32>} : memref<128x128xf32, #tpu.memory_space<vmem>>, vector<1x16xf32>,
      %broadcast_in_dim3A_203 = arith.constant 0.000000e+00 : f32
      %broadcast_in_dim3A_204 = vector.broadcast %broadcast_in_dim3A_203 : f32 to vector<16xf32>
      %swap3A_205 = arith.index_cast %scan3A_155 : i32 to index
      %swap3A_206 = arith.constant 112 : index
      %swap3A_207 = tpu.vector_load %arg6[%swap3A_205, %swap3A_206] {strides = array<i32>} : memref<128x128xf32, #tpu.memory_space<vmem>>, vector<1x16xf32>,
      %swap3A_208 = vector.shape_cast %swap3A_207 : vector<1x16xf32> to vector<16xf32>
      %swap3A_209 = vector.shape_cast %broadcast_in_dim3A_204 : vector<16xf32> to vector<1x16xf32>
      tpu.vector_store %arg6[%swap3A_205, %swap3A_206], %swap3A_209 {strides = array<i32>} : memref<128x128xf32, #tpu.memory_space<vmem>>, vector<1x16xf32>,
    }
    %scan3A_6 = arith.constant 128 : i32
    %mul3A_7 = arith.constant 640 : i32
    %mul3A_8 = arith.muli %arg1, %mul3A_7 : i32
    %add3A_9 = arith.constant 0 : i32
    %add3A_10 = arith.addi %mul3A_8, %add3A_9 : i32
    "tpu.region"() ({
      %run_scoped3A_155 = tpu.sem_alloc : memref<!tpu.dma_semaphore, #tpu.memory_space<semaphore_mem>>
      %dma_start3A_156 = arith.constant 0 : i32
      %dma_start3A_157 = tpu.memref_slice %arg10[%add3A_10, %dma_start3A_156] : memref<10240x128xf32, #tpu.memory_space<vmem_shared>> -> memref<128x128xf32, #tpu.memory_space<vmem_shared>>
      %dma_start3A_158 = arith.constant 0 : i32
      %dma_start3A_159 = tpu.memref_slice %arg10[%add3A_10, %dma_start3A_158] : memref<10240x128xf32, #tpu.memory_space<vmem_shared>> -> memref<128x128xf32, #tpu.memory_space<vmem_shared>>
      tpu.enqueue_dma source(%arg6 : memref<128x128xf32, #tpu.memory_space<vmem>>) target(%dma_start3A_159 : memref<128x128xf32, #tpu.memory_space<vmem_shared>>) target_semaphore(%run_scoped3A_155 : memref<!tpu.dma_semaphore, #tpu.memory_space<semaphore_mem>>)
      %dma_wait3A_160 = arith.constant 0 : i32
      %dma_wait3A_161 = tpu.memref_slice %arg10[%add3A_10, %dma_wait3A_160] : memref<10240x128xf32, #tpu.memory_space<vmem_shared>> -> memref<128x128xf32, #tpu.memory_space<vmem_shared>>
      %dma_wait3A_162 = arith.constant 0 : i32
      %dma_wait3A_163 = tpu.memref_slice %arg10[%add3A_10, %dma_wait3A_162] : memref<10240x128xf32, #tpu.memory_space<vmem_shared>> -> memref<128x128xf32, #tpu.memory_space<vmem_shared>>
      tpu.wait_dma2 semaphore(%run_scoped3A_155 : memref<!tpu.dma_semaphore, #tpu.memory_space<semaphore_mem>>) src(%arg6 : memref<128x128xf32, #tpu.memory_space<vmem>>) dst(%dma_wait3A_163 : memref<128x128xf32, #tpu.memory_space<vmem_shared>>)
      tpu.yield
    }) : () -> ()
    %mul3A_11 = arith.constant 640 : i32
    %mul3A_12 = arith.muli %arg1, %mul3A_11 : i32
    %add3A_13 = arith.constant 128 : i32
    %add3A_14 = arith.addi %mul3A_12, %add3A_13 : i32
    "tpu.region"() ({
      %run_scoped3A_155 = tpu.sem_alloc : memref<!tpu.dma_semaphore, #tpu.memory_space<semaphore_mem>>
      %dma_start3A_156 = arith.constant 0 : i32
      %dma_start3A_157 = tpu.memref_slice %arg10[%add3A_14, %dma_start3A_156] : memref<10240x128xf32, #tpu.memory_space<vmem_shared>> -> memref<128x128xf32, #tpu.memory_space<vmem_shared>>
      %dma_start3A_158 = arith.constant 0 : i32
      %dma_start3A_159 = tpu.memref_slice %arg10[%add3A_14, %dma_start3A_158] : memref<10240x128xf32, #tpu.memory_space<vmem_shared>> -> memref<128x128xf32, #tpu.memory_space<vmem_shared>>
      tpu.enqueue_dma source(%arg6 : memref<128x128xf32, #tpu.memory_space<vmem>>) target(%dma_start3A_159 : memref<128x128xf32, #tpu.memory_space<vmem_shared>>) target_semaphore(%run_scoped3A_155 : memref<!tpu.dma_semaphore, #tpu.memory_space<semaphore_mem>>)
      %dma_wait3A_160 = arith.constant 0 : i32
      %dma_wait3A_161 = tpu.memref_slice %arg10[%add3A_14, %dma_wait3A_160] : memref<10240x128xf32, #tpu.memory_space<vmem_shared>> -> memref<128x128xf32, #tpu.memory_space<vmem_shared>>
      %dma_wait3A_162 = arith.constant 0 : i32
      %dma_wait3A_163 = tpu.memref_slice %arg10[%add3A_14, %dma_wait3A_162] : memref<10240x128xf32, #tpu.memory_space<vmem_shared>> -> memref<128x128xf32, #tpu.memory_space<vmem_shared>>
      tpu.wait_dma2 semaphore(%run_scoped3A_155 : memref<!tpu.dma_semaphore, #tpu.memory_space<semaphore_mem>>) src(%arg6 : memref<128x128xf32, #tpu.memory_space<vmem>>) dst(%dma_wait3A_163 : memref<128x128xf32, #tpu.memory_space<vmem_shared>>)
      tpu.yield
    }) : () -> ()
    %mul3A_15 = arith.constant 640 : i32
    %mul3A_16 = arith.muli %arg1, %mul3A_15 : i32
    %add3A_17 = arith.constant 256 : i32
    %add3A_18 = arith.addi %mul3A_16, %add3A_17 : i32
    "tpu.region"() ({
      %run_scoped3A_155 = tpu.sem_alloc : memref<!tpu.dma_semaphore, #tpu.memory_space<semaphore_mem>>
      %dma_start3A_156 = arith.constant 0 : i32
      %dma_start3A_157 = tpu.memref_slice %arg10[%add3A_18, %dma_start3A_156] : memref<10240x128xf32, #tpu.memory_space<vmem_shared>> -> memref<128x128xf32, #tpu.memory_space<vmem_shared>>
      %dma_start3A_158 = arith.constant 0 : i32
      %dma_start3A_159 = tpu.memref_slice %arg10[%add3A_18, %dma_start3A_158] : memref<10240x128xf32, #tpu.memory_space<vmem_shared>> -> memref<128x128xf32, #tpu.memory_space<vmem_shared>>
      tpu.enqueue_dma source(%arg6 : memref<128x128xf32, #tpu.memory_space<vmem>>) target(%dma_start3A_159 : memref<128x128xf32, #tpu.memory_space<vmem_shared>>) target_semaphore(%run_scoped3A_155 : memref<!tpu.dma_semaphore, #tpu.memory_space<semaphore_mem>>)
      %dma_wait3A_160 = arith.constant 0 : i32
      %dma_wait3A_161 = tpu.memref_slice %arg10[%add3A_18, %dma_wait3A_160] : memref<10240x128xf32, #tpu.memory_space<vmem_shared>> -> memref<128x128xf32, #tpu.memory_space<vmem_shared>>
      %dma_wait3A_162 = arith.constant 0 : i32
      %dma_wait3A_163 = tpu.memref_slice %arg10[%add3A_18, %dma_wait3A_162] : memref<10240x128xf32, #tpu.memory_space<vmem_shared>> -> memref<128x128xf32, #tpu.memory_space<vmem_shared>>
      tpu.wait_dma2 semaphore(%run_scoped3A_155 : memref<!tpu.dma_semaphore, #tpu.memory_space<semaphore_mem>>) src(%arg6 : memref<128x128xf32, #tpu.memory_space<vmem>>) dst(%dma_wait3A_163 : memref<128x128xf32, #tpu.memory_space<vmem_shared>>)
      tpu.yield
    }) : () -> ()
    %mul3A_19 = arith.constant 640 : i32
    %mul3A_20 = arith.muli %arg1, %mul3A_19 : i32
    %add3A_21 = arith.constant 384 : i32
    %add3A_22 = arith.addi %mul3A_20, %add3A_21 : i32
    "tpu.region"() ({
      %run_scoped3A_155 = tpu.sem_alloc : memref<!tpu.dma_semaphore, #tpu.memory_space<semaphore_mem>>
      %dma_start3A_156 = arith.constant 0 : i32
      %dma_start3A_157 = tpu.memref_slice %arg10[%add3A_22, %dma_start3A_156] : memref<10240x128xf32, #tpu.memory_space<vmem_shared>> -> memref<128x128xf32, #tpu.memory_space<vmem_shared>>
      %dma_start3A_158 = arith.constant 0 : i32
      %dma_start3A_159 = tpu.memref_slice %arg10[%add3A_22, %dma_start3A_158] : memref<10240x128xf32, #tpu.memory_space<vmem_shared>> -> memref<128x128xf32, #tpu.memory_space<vmem_shared>>
      tpu.enqueue_dma source(%arg6 : memref<128x128xf32, #tpu.memory_space<vmem>>) target(%dma_start3A_159 : memref<128x128xf32, #tpu.memory_space<vmem_shared>>) target_semaphore(%run_scoped3A_155 : memref<!tpu.dma_semaphore, #tpu.memory_space<semaphore_mem>>)
      %dma_wait3A_160 = arith.constant 0 : i32
      %dma_wait3A_161 = tpu.memref_slice %arg10[%add3A_22, %dma_wait3A_160] : memref<10240x128xf32, #tpu.memory_space<vmem_shared>> -> memref<128x128xf32, #tpu.memory_space<vmem_shared>>
      %dma_wait3A_162 = arith.constant 0 : i32
      %dma_wait3A_163 = tpu.memref_slice %arg10[%add3A_22, %dma_wait3A_162] : memref<10240x128xf32, #tpu.memory_space<vmem_shared>> -> memref<128x128xf32, #tpu.memory_space<vmem_shared>>
      tpu.wait_dma2 semaphore(%run_scoped3A_155 : memref<!tpu.dma_semaphore, #tpu.memory_space<semaphore_mem>>) src(%arg6 : memref<128x128xf32, #tpu.memory_space<vmem>>) dst(%dma_wait3A_163 : memref<128x128xf32, #tpu.memory_space<vmem_shared>>)
      tpu.yield
    }) : () -> ()
    %mul3A_23 = arith.constant 640 : i32
    %mul3A_24 = arith.muli %arg1, %mul3A_23 : i32
    %add3A_25 = arith.constant 512 : i32
    %add3A_26 = arith.addi %mul3A_24, %add3A_25 : i32
    "tpu.region"() ({
      %run_scoped3A_155 = tpu.sem_alloc : memref<!tpu.dma_semaphore, #tpu.memory_space<semaphore_mem>>
      %dma_start3A_156 = arith.constant 0 : i32
      %dma_start3A_157 = tpu.memref_slice %arg10[%add3A_26, %dma_start3A_156] : memref<10240x128xf32, #tpu.memory_space<vmem_shared>> -> memref<128x128xf32, #tpu.memory_space<vmem_shared>>
      %dma_start3A_158 = arith.constant 0 : i32
      %dma_start3A_159 = tpu.memref_slice %arg10[%add3A_26, %dma_start3A_158] : memref<10240x128xf32, #tpu.memory_space<vmem_shared>> -> memref<128x128xf32, #tpu.memory_space<vmem_shared>>
      tpu.enqueue_dma source(%arg6 : memref<128x128xf32, #tpu.memory_space<vmem>>) target(%dma_start3A_159 : memref<128x128xf32, #tpu.memory_space<vmem_shared>>) target_semaphore(%run_scoped3A_155 : memref<!tpu.dma_semaphore, #tpu.memory_space<semaphore_mem>>)
      %dma_wait3A_160 = arith.constant 0 : i32
      %dma_wait3A_161 = tpu.memref_slice %arg10[%add3A_26, %dma_wait3A_160] : memref<10240x128xf32, #tpu.memory_space<vmem_shared>> -> memref<128x128xf32, #tpu.memory_space<vmem_shared>>
      %dma_wait3A_162 = arith.constant 0 : i32
      %dma_wait3A_163 = tpu.memref_slice %arg10[%add3A_26, %dma_wait3A_162] : memref<10240x128xf32, #tpu.memory_space<vmem_shared>> -> memref<128x128xf32, #tpu.memory_space<vmem_shared>>
      tpu.wait_dma2 semaphore(%run_scoped3A_155 : memref<!tpu.dma_semaphore, #tpu.memory_space<semaphore_mem>>) src(%arg6 : memref<128x128xf32, #tpu.memory_space<vmem>>) dst(%dma_wait3A_163 : memref<128x128xf32, #tpu.memory_space<vmem_shared>>)
      tpu.yield
    }) : () -> ()
    %add3A_27 = arith.constant 0 : i32
    %add3A_28 = arith.addi %mul3A_2, %add3A_27 : i32
    "tpu.region"() ({
      %run_scoped3A_155 = tpu.sem_alloc : memref<!tpu.dma_semaphore, #tpu.memory_space<semaphore_mem>>
      %dma_start3A_156 = arith.constant 0 : i32
      %dma_start3A_157 = arith.constant 0 : i32
      %dma_start3A_158 = tpu.memref_slice %arg8[%dma_start3A_156, %dma_start3A_157] : memref<48x128xi32, #tpu.memory_space<vmem>> -> memref<48x128xi32, #tpu.memory_space<vmem>>
      %dma_start3A_159 = arith.constant 0 : i32
      %dma_start3A_160 = tpu.memref_slice %arg3[%add3A_28, %dma_start3A_159] : memref<2816x128xi32, #tpu.memory_space<hbm>> -> memref<48x128xi32, #tpu.memory_space<hbm>>
      %dma_start3A_161 = arith.constant 0 : i32
      %dma_start3A_162 = arith.constant 0 : i32
      %dma_start3A_163 = tpu.memref_slice %arg8[%dma_start3A_161, %dma_start3A_162] : memref<48x128xi32, #tpu.memory_space<vmem>> -> memref<48x128xi32, #tpu.memory_space<vmem>>
      %dma_start3A_164 = arith.constant 0 : i32
      %dma_start3A_165 = tpu.memref_slice %arg3[%add3A_28, %dma_start3A_164] : memref<2816x128xi32, #tpu.memory_space<hbm>> -> memref<48x128xi32, #tpu.memory_space<hbm>>
      tpu.enqueue_dma source(%dma_start3A_165 : memref<48x128xi32, #tpu.memory_space<hbm>>) target(%dma_start3A_163 : memref<48x128xi32, #tpu.memory_space<vmem>>) target_semaphore(%run_scoped3A_155 : memref<!tpu.dma_semaphore, #tpu.memory_space<semaphore_mem>>)
      %dma_wait3A_166 = arith.constant 0 : i32
      %dma_wait3A_167 = arith.constant 0 : i32
      %dma_wait3A_168 = tpu.memref_slice %arg8[%dma_wait3A_166, %dma_wait3A_167] : memref<48x128xi32, #tpu.memory_space<vmem>> -> memref<48x128xi32, #tpu.memory_space<vmem>>
      %dma_wait3A_169 = arith.constant 0 : i32
      %dma_wait3A_170 = tpu.memref_slice %arg3[%add3A_28, %dma_wait3A_169] : memref<2816x128xi32, #tpu.memory_space<hbm>> -> memref<48x128xi32, #tpu.memory_space<hbm>>
      %dma_wait3A_171 = arith.constant 0 : i32
      %dma_wait3A_172 = arith.constant 0 : i32
      %dma_wait3A_173 = tpu.memref_slice %arg8[%dma_wait3A_171, %dma_wait3A_172] : memref<48x128xi32, #tpu.memory_space<vmem>> -> memref<48x128xi32, #tpu.memory_space<vmem>>
      %dma_wait3A_174 = arith.constant 0 : i32
      %dma_wait3A_175 = tpu.memref_slice %arg3[%add3A_28, %dma_wait3A_174] : memref<2816x128xi32, #tpu.memory_space<hbm>> -> memref<48x128xi32, #tpu.memory_space<hbm>>
      tpu.wait_dma2 semaphore(%run_scoped3A_155 : memref<!tpu.dma_semaphore, #tpu.memory_space<semaphore_mem>>) src(%dma_wait3A_175 : memref<48x128xi32, #tpu.memory_space<hbm>>) dst(%dma_wait3A_173 : memref<48x128xi32, #tpu.memory_space<vmem>>)
      tpu.yield
    }) : () -> ()
    "tpu.region"() ({
      %run_scoped3A_155 = tpu.sem_alloc : memref<!tpu.dma_semaphore, #tpu.memory_space<semaphore_mem>>
      %dma_start3A_156 = arith.constant 0 : i32
      %dma_start3A_157 = arith.constant 0 : i32
      %dma_start3A_158 = tpu.memref_slice %arg9[%dma_start3A_156, %dma_start3A_157] : memref<48x128xi32, #tpu.memory_space<vmem>> -> memref<48x128xi32, #tpu.memory_space<vmem>>
      %dma_start3A_159 = arith.constant 0 : i32
      %dma_start3A_160 = tpu.memref_slice %arg4[%add3A_28, %dma_start3A_159] : memref<2816x128xi32, #tpu.memory_space<hbm>> -> memref<48x128xi32, #tpu.memory_space<hbm>>
      %dma_start3A_161 = arith.constant 0 : i32
      %dma_start3A_162 = arith.constant 0 : i32
      %dma_start3A_163 = tpu.memref_slice %arg9[%dma_start3A_161, %dma_start3A_162] : memref<48x128xi32, #tpu.memory_space<vmem>> -> memref<48x128xi32, #tpu.memory_space<vmem>>
      %dma_start3A_164 = arith.constant 0 : i32
      %dma_start3A_165 = tpu.memref_slice %arg4[%add3A_28, %dma_start3A_164] : memref<2816x128xi32, #tpu.memory_space<hbm>> -> memref<48x128xi32, #tpu.memory_space<hbm>>
      tpu.enqueue_dma source(%dma_start3A_165 : memref<48x128xi32, #tpu.memory_space<hbm>>) target(%dma_start3A_163 : memref<48x128xi32, #tpu.memory_space<vmem>>) target_semaphore(%run_scoped3A_155 : memref<!tpu.dma_semaphore, #tpu.memory_space<semaphore_mem>>)
      %dma_wait3A_166 = arith.constant 0 : i32
      %dma_wait3A_167 = arith.constant 0 : i32
      %dma_wait3A_168 = tpu.memref_slice %arg9[%dma_wait3A_166, %dma_wait3A_167] : memref<48x128xi32, #tpu.memory_space<vmem>> -> memref<48x128xi32, #tpu.memory_space<vmem>>
      %dma_wait3A_169 = arith.constant 0 : i32
      %dma_wait3A_170 = tpu.memref_slice %arg4[%add3A_28, %dma_wait3A_169] : memref<2816x128xi32, #tpu.memory_space<hbm>> -> memref<48x128xi32, #tpu.memory_space<hbm>>
      %dma_wait3A_171 = arith.constant 0 : i32
      %dma_wait3A_172 = arith.constant 0 : i32
      %dma_wait3A_173 = tpu.memref_slice %arg9[%dma_wait3A_171, %dma_wait3A_172] : memref<48x128xi32, #tpu.memory_space<vmem>> -> memref<48x128xi32, #tpu.memory_space<vmem>>
      %dma_wait3A_174 = arith.constant 0 : i32
      %dma_wait3A_175 = tpu.memref_slice %arg4[%add3A_28, %dma_wait3A_174] : memref<2816x128xi32, #tpu.memory_space<hbm>> -> memref<48x128xi32, #tpu.memory_space<hbm>>
      tpu.wait_dma2 semaphore(%run_scoped3A_155 : memref<!tpu.dma_semaphore, #tpu.memory_space<semaphore_mem>>) src(%dma_wait3A_175 : memref<48x128xi32, #tpu.memory_space<hbm>>) dst(%dma_wait3A_173 : memref<48x128xi32, #tpu.memory_space<vmem>>)
      tpu.yield
    }) : () -> ()
    %dma_start3A = arith.constant 0 : i32
    %dma_start3A_29 = arith.constant 0 : i32
    %dma_start3A_30 = arith.constant 0 : i32
    %dma_start3A_31 = tpu.memref_slice %arg6[%dma_start3A_29, %dma_start3A_30] : memref<128x128xf32, #tpu.memory_space<vmem>> -> memref<64x128xf32, #tpu.memory_space<vmem>>
    %dma_start3A_32 = arith.constant 0 : i32
    %dma_start3A_33 = tpu.memref_slice %arg8[%dma_start3A, %dma_start3A_32] : memref<48x128xi32, #tpu.memory_space<vmem>> -> memref<1x64xi32, #tpu.memory_space<vmem>>
    %dma_start3A_34 = tpu.memref_squeeze %dma_start3A_33 : memref<1x64xi32, #tpu.memory_space<vmem>> -> memref<64xi32, #tpu.memory_space<vmem>>
    %dma_start3A_35 = arith.constant 0 : i32
    %dma_start3A_36 = arith.constant 0 : i32
    %dma_start3A_37 = tpu.memref_slice %arg2[%dma_start3A_35, %dma_start3A_36] : memref<10240x128xf32, #tpu.memory_space<hbm>> -> memref<10240x128xf32, #tpu.memory_space<hbm>>
    tpu.enqueue_indirect_dma source(%dma_start3A_37 : memref<10240x128xf32, #tpu.memory_space<hbm>>) target(%dma_start3A_31 : memref<64x128xf32, #tpu.memory_space<vmem>>) offsets(%dma_start3A_34 : memref<64xi32, #tpu.memory_space<vmem>>) semaphore(%arg11 : memref<!tpu.dma_semaphore, #tpu.memory_space<semaphore_mem>>)
    %dma_start3A_38 = arith.constant 0 : i32
    %dma_start3A_39 = arith.constant 64 : i32
    %dma_start3A_40 = arith.constant 0 : i32
    %dma_start3A_41 = tpu.memref_slice %arg6[%dma_start3A_39, %dma_start3A_40] : memref<128x128xf32, #tpu.memory_space<vmem>> -> memref<64x128xf32, #tpu.memory_space<vmem>>
    %dma_start3A_42 = arith.constant 64 : i32
    %dma_start3A_43 = tpu.memref_slice %arg8[%dma_start3A_38, %dma_start3A_42] : memref<48x128xi32, #tpu.memory_space<vmem>> -> memref<1x64xi32, #tpu.memory_space<vmem>>
    %dma_start3A_44 = tpu.memref_squeeze %dma_start3A_43 : memref<1x64xi32, #tpu.memory_space<vmem>> -> memref<64xi32, #tpu.memory_space<vmem>>
    %dma_start3A_45 = arith.constant 0 : i32
    %dma_start3A_46 = arith.constant 0 : i32
    %dma_start3A_47 = tpu.memref_slice %arg2[%dma_start3A_45, %dma_start3A_46] : memref<10240x128xf32, #tpu.memory_space<hbm>> -> memref<10240x128xf32, #tpu.memory_space<hbm>>
    tpu.enqueue_indirect_dma source(%dma_start3A_47 : memref<10240x128xf32, #tpu.memory_space<hbm>>) target(%dma_start3A_41 : memref<64x128xf32, #tpu.memory_space<vmem>>) offsets(%dma_start3A_44 : memref<64xi32, #tpu.memory_space<vmem>>) semaphore(%arg11 : memref<!tpu.dma_semaphore, #tpu.memory_space<semaphore_mem>>)
    %dma_start3A_48 = arith.constant 1 : i32
    %dma_start3A_49 = arith.constant 0 : i32
    %dma_start3A_50 = arith.constant 0 : i32
    %dma_start3A_51 = tpu.memref_slice %arg7[%dma_start3A_49, %dma_start3A_50] : memref<128x128xf32, #tpu.memory_space<vmem>> -> memref<64x128xf32, #tpu.memory_space<vmem>>
    %dma_start3A_52 = arith.constant 0 : i32
    %dma_start3A_53 = tpu.memref_slice %arg8[%dma_start3A_48, %dma_start3A_52] : memref<48x128xi32, #tpu.memory_space<vmem>> -> memref<1x64xi32, #tpu.memory_space<vmem>>
    %dma_start3A_54 = tpu.memref_squeeze %dma_start3A_53 : memref<1x64xi32, #tpu.memory_space<vmem>> -> memref<64xi32, #tpu.memory_space<vmem>>
    %dma_start3A_55 = arith.constant 0 : i32
    %dma_start3A_56 = arith.constant 0 : i32
    %dma_start3A_57 = tpu.memref_slice %arg2[%dma_start3A_55, %dma_start3A_56] : memref<10240x128xf32, #tpu.memory_space<hbm>> -> memref<10240x128xf32, #tpu.memory_space<hbm>>
    tpu.enqueue_indirect_dma source(%dma_start3A_57 : memref<10240x128xf32, #tpu.memory_space<hbm>>) target(%dma_start3A_51 : memref<64x128xf32, #tpu.memory_space<vmem>>) offsets(%dma_start3A_54 : memref<64xi32, #tpu.memory_space<vmem>>) semaphore(%arg12 : memref<!tpu.dma_semaphore, #tpu.memory_space<semaphore_mem>>)
    %dma_start3A_58 = arith.constant 1 : i32
    %dma_start3A_59 = arith.constant 64 : i32
    %dma_start3A_60 = arith.constant 0 : i32
    %dma_start3A_61 = tpu.memref_slice %arg7[%dma_start3A_59, %dma_start3A_60] : memref<128x128xf32, #tpu.memory_space<vmem>> -> memref<64x128xf32, #tpu.memory_space<vmem>>
    %dma_start3A_62 = arith.constant 64 : i32
    %dma_start3A_63 = tpu.memref_slice %arg8[%dma_start3A_58, %dma_start3A_62] : memref<48x128xi32, #tpu.memory_space<vmem>> -> memref<1x64xi32, #tpu.memory_space<vmem>>
    %dma_start3A_64 = tpu.memref_squeeze %dma_start3A_63 : memref<1x64xi32, #tpu.memory_space<vmem>> -> memref<64xi32, #tpu.memory_space<vmem>>
    %dma_start3A_65 = arith.constant 0 : i32
    %dma_start3A_66 = arith.constant 0 : i32
    %dma_start3A_67 = tpu.memref_slice %arg2[%dma_start3A_65, %dma_start3A_66] : memref<10240x128xf32, #tpu.memory_space<hbm>> -> memref<10240x128xf32, #tpu.memory_space<hbm>>
    tpu.enqueue_indirect_dma source(%dma_start3A_67 : memref<10240x128xf32, #tpu.memory_space<hbm>>) target(%dma_start3A_61 : memref<64x128xf32, #tpu.memory_space<vmem>>) offsets(%dma_start3A_64 : memref<64xi32, #tpu.memory_space<vmem>>) semaphore(%arg12 : memref<!tpu.dma_semaphore, #tpu.memory_space<semaphore_mem>>)
    %barrier3A = arith.constant 0 : index
    tpu.barrier barrier_id(%barrier3A)
    %scan3A_68 = arith.constant 0 : i32
    %scan3A_69 = arith.constant 23 : i32
    %scan3A_70 = arith.addi %scan3A_68, %scan3A_69 : i32
    %scan3A_71 = arith.constant 1 : i32
    scf.for %scan3A_155 = %scan3A_68 to %scan3A_70 step %scan3A_71  : i32 {
      %mul3A_156 = arith.constant 2 : i32
      %mul3A_157 = arith.muli %mul3A_156, %scan3A_155 : i32
      %add3A_158 = arith.constant 0 : i32
      %add3A_159 = arith.addi %mul3A_157, %add3A_158 : i32
      %dma_wait3A_160 = arith.constant 0 : i32
      %dma_wait3A_161 = tpu.memref_slice %arg8[%add3A_159, %dma_wait3A_160] : memref<48x128xi32, #tpu.memory_space<vmem>> -> memref<1x128xi32, #tpu.memory_space<vmem>>
      %dma_wait3A_162 = tpu.memref_squeeze %dma_wait3A_161 : memref<1x128xi32, #tpu.memory_space<vmem>> -> memref<128xi32, #tpu.memory_space<vmem>>
      %dma_wait3A_163 = arith.constant 0 : i32
      %dma_wait3A_164 = arith.constant 0 : i32
      %dma_wait3A_165 = tpu.memref_slice %arg2[%dma_wait3A_163, %dma_wait3A_164] : memref<10240x128xf32, #tpu.memory_space<hbm>> -> memref<10240x128xf32, #tpu.memory_space<hbm>>
      tpu.wait_indirect_dma semaphore(%arg11 : memref<!tpu.dma_semaphore, #tpu.memory_space<semaphore_mem>>) src(%dma_wait3A_165 : memref<10240x128xf32, #tpu.memory_space<hbm>>) dst(%arg6 : memref<128x128xf32, #tpu.memory_space<vmem>>)
      "tpu.region"() ({
        %run_scoped3A_216 = tpu.sem_alloc : memref<!tpu.dma_semaphore, #tpu.memory_space<semaphore_mem>>
        %dma_start3A_217 = arith.constant 0 : i32
        %dma_start3A_218 = tpu.memref_slice %arg9[%add3A_159, %dma_start3A_217] : memref<48x128xi32, #tpu.memory_space<vmem>> -> memref<1x128xi32, #tpu.memory_space<vmem>>
        %dma_start3A_219 = tpu.memref_squeeze %dma_start3A_218 : memref<1x128xi32, #tpu.memory_space<vmem>> -> memref<128xi32, #tpu.memory_space<vmem>>
        %dma_start3A_220 = arith.constant 0 : i32
        %dma_start3A_221 = arith.constant 0 : i32
        %dma_start3A_222 = tpu.memref_slice %arg10[%dma_start3A_220, %dma_start3A_221] : memref<10240x128xf32, #tpu.memory_space<vmem_shared>> -> memref<10240x128xf32, #tpu.memory_space<vmem_shared>>
        tpu.enqueue_indirect_dma source(%arg6 : memref<128x128xf32, #tpu.memory_space<vmem>>) target(%dma_start3A_222 : memref<10240x128xf32, #tpu.memory_space<vmem_shared>>) offsets(%dma_start3A_219 : memref<128xi32, #tpu.memory_space<vmem>>) semaphore(%run_scoped3A_216 : memref<!tpu.dma_semaphore, #tpu.memory_space<semaphore_mem>>) {add = true}
        %dma_wait3A_223 = arith.constant 0 : i32
        %dma_wait3A_224 = tpu.memref_slice %arg9[%add3A_159, %dma_wait3A_223] : memref<48x128xi32, #tpu.memory_space<vmem>> -> memref<1x128xi32, #tpu.memory_space<vmem>>
        %dma_wait3A_225 = tpu.memref_squeeze %dma_wait3A_224 : memref<1x128xi32, #tpu.memory_space<vmem>> -> memref<128xi32, #tpu.memory_space<vmem>>
        %dma_wait3A_226 = arith.constant 0 : i32
        %dma_wait3A_227 = arith.constant 0 : i32
        %dma_wait3A_228 = tpu.memref_slice %arg10[%dma_wait3A_226, %dma_wait3A_227] : memref<10240x128xf32, #tpu.memory_space<vmem_shared>> -> memref<10240x128xf32, #tpu.memory_space<vmem_shared>>
        tpu.wait_indirect_dma semaphore(%run_scoped3A_216 : memref<!tpu.dma_semaphore, #tpu.memory_space<semaphore_mem>>) src(%arg6 : memref<128x128xf32, #tpu.memory_space<vmem>>) dst(%dma_wait3A_228 : memref<10240x128xf32, #tpu.memory_space<vmem_shared>>)
        tpu.yield
      }) : () -> ()
      %add3A_166 = arith.constant 2 : i32
      %add3A_167 = arith.addi %add3A_159, %add3A_166 : i32
      %dma_start3A_168 = arith.constant 0 : i32
      %dma_start3A_169 = arith.constant 0 : i32
      %dma_start3A_170 = tpu.memref_slice %arg6[%dma_start3A_168, %dma_start3A_169] : memref<128x128xf32, #tpu.memory_space<vmem>> -> memref<64x128xf32, #tpu.memory_space<vmem>>
      %dma_start3A_171 = arith.constant 0 : i32
      %dma_start3A_172 = tpu.memref_slice %arg8[%add3A_167, %dma_start3A_171] : memref<48x128xi32, #tpu.memory_space<vmem>> -> memref<1x64xi32, #tpu.memory_space<vmem>>
      %dma_start3A_173 = tpu.memref_squeeze %dma_start3A_172 : memref<1x64xi32, #tpu.memory_space<vmem>> -> memref<64xi32, #tpu.memory_space<vmem>>
      %dma_start3A_174 = arith.constant 0 : i32
      %dma_start3A_175 = arith.constant 0 : i32
      %dma_start3A_176 = tpu.memref_slice %arg2[%dma_start3A_174, %dma_start3A_175] : memref<10240x128xf32, #tpu.memory_space<hbm>> -> memref<10240x128xf32, #tpu.memory_space<hbm>>
      tpu.enqueue_indirect_dma source(%dma_start3A_176 : memref<10240x128xf32, #tpu.memory_space<hbm>>) target(%dma_start3A_170 : memref<64x128xf32, #tpu.memory_space<vmem>>) offsets(%dma_start3A_173 : memref<64xi32, #tpu.memory_space<vmem>>) semaphore(%arg11 : memref<!tpu.dma_semaphore, #tpu.memory_space<semaphore_mem>>)
      %dma_start3A_177 = arith.constant 64 : i32
      %dma_start3A_178 = arith.constant 0 : i32
      %dma_start3A_179 = tpu.memref_slice %arg6[%dma_start3A_177, %dma_start3A_178] : memref<128x128xf32, #tpu.memory_space<vmem>> -> memref<64x128xf32, #tpu.memory_space<vmem>>
      %dma_start3A_180 = arith.constant 64 : i32
      %dma_start3A_181 = tpu.memref_slice %arg8[%add3A_167, %dma_start3A_180] : memref<48x128xi32, #tpu.memory_space<vmem>> -> memref<1x64xi32, #tpu.memory_space<vmem>>
      %dma_start3A_182 = tpu.memref_squeeze %dma_start3A_181 : memref<1x64xi32, #tpu.memory_space<vmem>> -> memref<64xi32, #tpu.memory_space<vmem>>
      %dma_start3A_183 = arith.constant 0 : i32
      %dma_start3A_184 = arith.constant 0 : i32
      %dma_start3A_185 = tpu.memref_slice %arg2[%dma_start3A_183, %dma_start3A_184] : memref<10240x128xf32, #tpu.memory_space<hbm>> -> memref<10240x128xf32, #tpu.memory_space<hbm>>
      tpu.enqueue_indirect_dma source(%dma_start3A_185 : memref<10240x128xf32, #tpu.memory_space<hbm>>) target(%dma_start3A_179 : memref<64x128xf32, #tpu.memory_space<vmem>>) offsets(%dma_start3A_182 : memref<64xi32, #tpu.memory_space<vmem>>) semaphore(%arg11 : memref<!tpu.dma_semaphore, #tpu.memory_space<semaphore_mem>>)
      %mul3A_186 = arith.constant 2 : i32
      %mul3A_187 = arith.muli %mul3A_186, %scan3A_155 : i32
      %add3A_188 = arith.constant 1 : i32
      %add3A_189 = arith.addi %mul3A_187, %add3A_188 : i32
      %dma_wait3A_190 = arith.constant 0 : i32
      %dma_wait3A_191 = tpu.memref_slice %arg8[%add3A_189, %dma_wait3A_190] : memref<48x128xi32, #tpu.memory_space<vmem>> -> memref<1x128xi32, #tpu.memory_space<vmem>>
      %dma_wait3A_192 = tpu.memref_squeeze %dma_wait3A_191 : memref<1x128xi32, #tpu.memory_space<vmem>> -> memref<128xi32, #tpu.memory_space<vmem>>
      %dma_wait3A_193 = arith.constant 0 : i32
      %dma_wait3A_194 = arith.constant 0 : i32
      %dma_wait3A_195 = tpu.memref_slice %arg2[%dma_wait3A_193, %dma_wait3A_194] : memref<10240x128xf32, #tpu.memory_space<hbm>> -> memref<10240x128xf32, #tpu.memory_space<hbm>>
      tpu.wait_indirect_dma semaphore(%arg12 : memref<!tpu.dma_semaphore, #tpu.memory_space<semaphore_mem>>) src(%dma_wait3A_195 : memref<10240x128xf32, #tpu.memory_space<hbm>>) dst(%arg7 : memref<128x128xf32, #tpu.memory_space<vmem>>)
      "tpu.region"() ({
        %run_scoped3A_216 = tpu.sem_alloc : memref<!tpu.dma_semaphore, #tpu.memory_space<semaphore_mem>>
        %dma_start3A_217 = arith.constant 0 : i32
        %dma_start3A_218 = tpu.memref_slice %arg9[%add3A_189, %dma_start3A_217] : memref<48x128xi32, #tpu.memory_space<vmem>> -> memref<1x128xi32, #tpu.memory_space<vmem>>
        %dma_start3A_219 = tpu.memref_squeeze %dma_start3A_218 : memref<1x128xi32, #tpu.memory_space<vmem>> -> memref<128xi32, #tpu.memory_space<vmem>>
        %dma_start3A_220 = arith.constant 0 : i32
        %dma_start3A_221 = arith.constant 0 : i32
        %dma_start3A_222 = tpu.memref_slice %arg10[%dma_start3A_220, %dma_start3A_221] : memref<10240x128xf32, #tpu.memory_space<vmem_shared>> -> memref<10240x128xf32, #tpu.memory_space<vmem_shared>>
        tpu.enqueue_indirect_dma source(%arg7 : memref<128x128xf32, #tpu.memory_space<vmem>>) target(%dma_start3A_222 : memref<10240x128xf32, #tpu.memory_space<vmem_shared>>) offsets(%dma_start3A_219 : memref<128xi32, #tpu.memory_space<vmem>>) semaphore(%run_scoped3A_216 : memref<!tpu.dma_semaphore, #tpu.memory_space<semaphore_mem>>) {add = true}
        %dma_wait3A_223 = arith.constant 0 : i32
        %dma_wait3A_224 = tpu.memref_slice %arg9[%add3A_189, %dma_wait3A_223] : memref<48x128xi32, #tpu.memory_space<vmem>> -> memref<1x128xi32, #tpu.memory_space<vmem>>
        %dma_wait3A_225 = tpu.memref_squeeze %dma_wait3A_224 : memref<1x128xi32, #tpu.memory_space<vmem>> -> memref<128xi32, #tpu.memory_space<vmem>>
        %dma_wait3A_226 = arith.constant 0 : i32
        %dma_wait3A_227 = arith.constant 0 : i32
        %dma_wait3A_228 = tpu.memref_slice %arg10[%dma_wait3A_226, %dma_wait3A_227] : memref<10240x128xf32, #tpu.memory_space<vmem_shared>> -> memref<10240x128xf32, #tpu.memory_space<vmem_shared>>
        tpu.wait_indirect_dma semaphore(%run_scoped3A_216 : memref<!tpu.dma_semaphore, #tpu.memory_space<semaphore_mem>>) src(%arg7 : memref<128x128xf32, #tpu.memory_space<vmem>>) dst(%dma_wait3A_228 : memref<10240x128xf32, #tpu.memory_space<vmem_shared>>)
        tpu.yield
      }) : () -> ()
      %add3A_196 = arith.constant 2 : i32
      %add3A_197 = arith.addi %add3A_189, %add3A_196 : i32
      %dma_start3A_198 = arith.constant 0 : i32
      %dma_start3A_199 = arith.constant 0 : i32
      %dma_start3A_200 = tpu.memref_slice %arg7[%dma_start3A_198, %dma_start3A_199] : memref<128x128xf32, #tpu.memory_space<vmem>> -> memref<64x128xf32, #tpu.memory_space<vmem>>
      %dma_start3A_201 = arith.constant 0 : i32
      %dma_start3A_202 = tpu.memref_slice %arg8[%add3A_197, %dma_start3A_201] : memref<48x128xi32, #tpu.memory_space<vmem>> -> memref<1x64xi32, #tpu.memory_space<vmem>>
      %dma_start3A_203 = tpu.memref_squeeze %dma_start3A_202 : memref<1x64xi32, #tpu.memory_space<vmem>> -> memref<64xi32, #tpu.memory_space<vmem>>
      %dma_start3A_204 = arith.constant 0 : i32
      %dma_start3A_205 = arith.constant 0 : i32
      %dma_start3A_206 = tpu.memref_slice %arg2[%dma_start3A_204, %dma_start3A_205] : memref<10240x128xf32, #tpu.memory_space<hbm>> -> memref<10240x128xf32, #tpu.memory_space<hbm>>
      tpu.enqueue_indirect_dma source(%dma_start3A_206 : memref<10240x128xf32, #tpu.memory_space<hbm>>) target(%dma_start3A_200 : memref<64x128xf32, #tpu.memory_space<vmem>>) offsets(%dma_start3A_203 : memref<64xi32, #tpu.memory_space<vmem>>) semaphore(%arg12 : memref<!tpu.dma_semaphore, #tpu.memory_space<semaphore_mem>>)
      %dma_start3A_207 = arith.constant 64 : i32
      %dma_start3A_208 = arith.constant 0 : i32
      %dma_start3A_209 = tpu.memref_slice %arg7[%dma_start3A_207, %dma_start3A_208] : memref<128x128xf32, #tpu.memory_space<vmem>> -> memref<64x128xf32, #tpu.memory_space<vmem>>
      %dma_start3A_210 = arith.constant 64 : i32
      %dma_start3A_211 = tpu.memref_slice %arg8[%add3A_197, %dma_start3A_210] : memref<48x128xi32, #tpu.memory_space<vmem>> -> memref<1x64xi32, #tpu.memory_space<vmem>>
      %dma_start3A_212 = tpu.memref_squeeze %dma_start3A_211 : memref<1x64xi32, #tpu.memory_space<vmem>> -> memref<64xi32, #tpu.memory_space<vmem>>
      %dma_start3A_213 = arith.constant 0 : i32
      %dma_start3A_214 = arith.constant 0 : i32
      %dma_start3A_215 = tpu.memref_slice %arg2[%dma_start3A_213, %dma_start3A_214] : memref<10240x128xf32, #tpu.memory_space<hbm>> -> memref<10240x128xf32, #tpu.memory_space<hbm>>
      tpu.enqueue_indirect_dma source(%dma_start3A_215 : memref<10240x128xf32, #tpu.memory_space<hbm>>) target(%dma_start3A_209 : memref<64x128xf32, #tpu.memory_space<vmem>>) offsets(%dma_start3A_212 : memref<64xi32, #tpu.memory_space<vmem>>) semaphore(%arg12 : memref<!tpu.dma_semaphore, #tpu.memory_space<semaphore_mem>>)
    }
    %scan3A_72 = arith.constant 23 : i32
    %dma_wait3A = arith.constant 46 : i32
    %dma_wait3A_73 = arith.constant 0 : i32
    %dma_wait3A_74 = tpu.memref_slice %arg8[%dma_wait3A, %dma_wait3A_73] : memref<48x128xi32, #tpu.memory_space<vmem>> -> memref<1x128xi32, #tpu.memory_space<vmem>>
    %dma_wait3A_75 = tpu.memref_squeeze %dma_wait3A_74 : memref<1x128xi32, #tpu.memory_space<vmem>> -> memref<128xi32, #tpu.memory_space<vmem>>
    %dma_wait3A_76 = arith.constant 0 : i32
    %dma_wait3A_77 = arith.constant 0 : i32
    %dma_wait3A_78 = tpu.memref_slice %arg2[%dma_wait3A_76, %dma_wait3A_77] : memref<10240x128xf32, #tpu.memory_space<hbm>> -> memref<10240x128xf32, #tpu.memory_space<hbm>>
    tpu.wait_indirect_dma semaphore(%arg11 : memref<!tpu.dma_semaphore, #tpu.memory_space<semaphore_mem>>) src(%dma_wait3A_78 : memref<10240x128xf32, #tpu.memory_space<hbm>>) dst(%arg6 : memref<128x128xf32, #tpu.memory_space<vmem>>)
    %run_scoped3A = arith.constant 46 : i32
    "tpu.region"() ({
      %run_scoped3A_155 = tpu.sem_alloc : memref<!tpu.dma_semaphore, #tpu.memory_space<semaphore_mem>>
      %dma_start3A_156 = arith.constant 0 : i32
      %dma_start3A_157 = tpu.memref_slice %arg9[%run_scoped3A, %dma_start3A_156] : memref<48x128xi32, #tpu.memory_space<vmem>> -> memref<1x128xi32, #tpu.memory_space<vmem>>
      %dma_start3A_158 = tpu.memref_squeeze %dma_start3A_157 : memref<1x128xi32, #tpu.memory_space<vmem>> -> memref<128xi32, #tpu.memory_space<vmem>>
      %dma_start3A_159 = arith.constant 0 : i32
      %dma_start3A_160 = arith.constant 0 : i32
      %dma_start3A_161 = tpu.memref_slice %arg10[%dma_start3A_159, %dma_start3A_160] : memref<10240x128xf32, #tpu.memory_space<vmem_shared>> -> memref<10240x128xf32, #tpu.memory_space<vmem_shared>>
      tpu.enqueue_indirect_dma source(%arg6 : memref<128x128xf32, #tpu.memory_space<vmem>>) target(%dma_start3A_161 : memref<10240x128xf32, #tpu.memory_space<vmem_shared>>) offsets(%dma_start3A_158 : memref<128xi32, #tpu.memory_space<vmem>>) semaphore(%run_scoped3A_155 : memref<!tpu.dma_semaphore, #tpu.memory_space<semaphore_mem>>) {add = true}
      %dma_wait3A_162 = arith.constant 0 : i32
      %dma_wait3A_163 = tpu.memref_slice %arg9[%run_scoped3A, %dma_wait3A_162] : memref<48x128xi32, #tpu.memory_space<vmem>> -> memref<1x128xi32, #tpu.memory_space<vmem>>
      %dma_wait3A_164 = tpu.memref_squeeze %dma_wait3A_163 : memref<1x128xi32, #tpu.memory_space<vmem>> -> memref<128xi32, #tpu.memory_space<vmem>>
      %dma_wait3A_165 = arith.constant 0 : i32
      %dma_wait3A_166 = arith.constant 0 : i32
      %dma_wait3A_167 = tpu.memref_slice %arg10[%dma_wait3A_165, %dma_wait3A_166] : memref<10240x128xf32, #tpu.memory_space<vmem_shared>> -> memref<10240x128xf32, #tpu.memory_space<vmem_shared>>
      tpu.wait_indirect_dma semaphore(%run_scoped3A_155 : memref<!tpu.dma_semaphore, #tpu.memory_space<semaphore_mem>>) src(%arg6 : memref<128x128xf32, #tpu.memory_space<vmem>>) dst(%dma_wait3A_167 : memref<10240x128xf32, #tpu.memory_space<vmem_shared>>)
      tpu.yield
    }) : () -> ()
    %dma_wait3A_79 = arith.constant 47 : i32
    %dma_wait3A_80 = arith.constant 0 : i32
    %dma_wait3A_81 = tpu.memref_slice %arg8[%dma_wait3A_79, %dma_wait3A_80] : memref<48x128xi32, #tpu.memory_space<vmem>> -> memref<1x128xi32, #tpu.memory_space<vmem>>
    %dma_wait3A_82 = tpu.memref_squeeze %dma_wait3A_81 : memref<1x128xi32, #tpu.memory_space<vmem>> -> memref<128xi32, #tpu.memory_space<vmem>>
    %dma_wait3A_83 = arith.constant 0 : i32
    %dma_wait3A_84 = arith.constant 0 : i32
    %dma_wait3A_85 = tpu.memref_slice %arg2[%dma_wait3A_83, %dma_wait3A_84] : memref<10240x128xf32, #tpu.memory_space<hbm>> -> memref<10240x128xf32, #tpu.memory_space<hbm>>
    tpu.wait_indirect_dma semaphore(%arg12 : memref<!tpu.dma_semaphore, #tpu.memory_space<semaphore_mem>>) src(%dma_wait3A_85 : memref<10240x128xf32, #tpu.memory_space<hbm>>) dst(%arg7 : memref<128x128xf32, #tpu.memory_space<vmem>>)
    %run_scoped3A_86 = arith.constant 47 : i32
    "tpu.region"() ({
      %run_scoped3A_155 = tpu.sem_alloc : memref<!tpu.dma_semaphore, #tpu.memory_space<semaphore_mem>>
      %dma_start3A_156 = arith.constant 0 : i32
      %dma_start3A_157 = tpu.memref_slice %arg9[%run_scoped3A_86, %dma_start3A_156] : memref<48x128xi32, #tpu.memory_space<vmem>> -> memref<1x128xi32, #tpu.memory_space<vmem>>
      %dma_start3A_158 = tpu.memref_squeeze %dma_start3A_157 : memref<1x128xi32, #tpu.memory_space<vmem>> -> memref<128xi32, #tpu.memory_space<vmem>>
      %dma_start3A_159 = arith.constant 0 : i32
      %dma_start3A_160 = arith.constant 0 : i32
      %dma_start3A_161 = tpu.memref_slice %arg10[%dma_start3A_159, %dma_start3A_160] : memref<10240x128xf32, #tpu.memory_space<vmem_shared>> -> memref<10240x128xf32, #tpu.memory_space<vmem_shared>>
      tpu.enqueue_indirect_dma source(%arg7 : memref<128x128xf32, #tpu.memory_space<vmem>>) target(%dma_start3A_161 : memref<10240x128xf32, #tpu.memory_space<vmem_shared>>) offsets(%dma_start3A_158 : memref<128xi32, #tpu.memory_space<vmem>>) semaphore(%run_scoped3A_155 : memref<!tpu.dma_semaphore, #tpu.memory_space<semaphore_mem>>) {add = true}
      %dma_wait3A_162 = arith.constant 0 : i32
      %dma_wait3A_163 = tpu.memref_slice %arg9[%run_scoped3A_86, %dma_wait3A_162] : memref<48x128xi32, #tpu.memory_space<vmem>> -> memref<1x128xi32, #tpu.memory_space<vmem>>
      %dma_wait3A_164 = tpu.memref_squeeze %dma_wait3A_163 : memref<1x128xi32, #tpu.memory_space<vmem>> -> memref<128xi32, #tpu.memory_space<vmem>>
      %dma_wait3A_165 = arith.constant 0 : i32
      %dma_wait3A_166 = arith.constant 0 : i32
      %dma_wait3A_167 = tpu.memref_slice %arg10[%dma_wait3A_165, %dma_wait3A_166] : memref<10240x128xf32, #tpu.memory_space<vmem_shared>> -> memref<10240x128xf32, #tpu.memory_space<vmem_shared>>
      tpu.wait_indirect_dma semaphore(%run_scoped3A_155 : memref<!tpu.dma_semaphore, #tpu.memory_space<semaphore_mem>>) src(%arg7 : memref<128x128xf32, #tpu.memory_space<vmem>>) dst(%dma_wait3A_167 : memref<10240x128xf32, #tpu.memory_space<vmem_shared>>)
      tpu.yield
    }) : () -> ()
    %add3A_87 = arith.constant 48 : i32
    %add3A_88 = arith.addi %mul3A_2, %add3A_87 : i32
    "tpu.region"() ({
      %run_scoped3A_155 = tpu.sem_alloc : memref<!tpu.dma_semaphore, #tpu.memory_space<semaphore_mem>>
      %dma_start3A_156 = arith.constant 0 : i32
      %dma_start3A_157 = arith.constant 0 : i32
      %dma_start3A_158 = tpu.memref_slice %arg8[%dma_start3A_156, %dma_start3A_157] : memref<48x128xi32, #tpu.memory_space<vmem>> -> memref<40x128xi32, #tpu.memory_space<vmem>>
      %dma_start3A_159 = arith.constant 0 : i32
      %dma_start3A_160 = tpu.memref_slice %arg3[%add3A_88, %dma_start3A_159] : memref<2816x128xi32, #tpu.memory_space<hbm>> -> memref<40x128xi32, #tpu.memory_space<hbm>>
      %dma_start3A_161 = arith.constant 0 : i32
      %dma_start3A_162 = arith.constant 0 : i32
      %dma_start3A_163 = tpu.memref_slice %arg8[%dma_start3A_161, %dma_start3A_162] : memref<48x128xi32, #tpu.memory_space<vmem>> -> memref<40x128xi32, #tpu.memory_space<vmem>>
      %dma_start3A_164 = arith.constant 0 : i32
      %dma_start3A_165 = tpu.memref_slice %arg3[%add3A_88, %dma_start3A_164] : memref<2816x128xi32, #tpu.memory_space<hbm>> -> memref<40x128xi32, #tpu.memory_space<hbm>>
      tpu.enqueue_dma source(%dma_start3A_165 : memref<40x128xi32, #tpu.memory_space<hbm>>) target(%dma_start3A_163 : memref<40x128xi32, #tpu.memory_space<vmem>>) target_semaphore(%run_scoped3A_155 : memref<!tpu.dma_semaphore, #tpu.memory_space<semaphore_mem>>)
      %dma_wait3A_166 = arith.constant 0 : i32
      %dma_wait3A_167 = arith.constant 0 : i32
      %dma_wait3A_168 = tpu.memref_slice %arg8[%dma_wait3A_166, %dma_wait3A_167] : memref<48x128xi32, #tpu.memory_space<vmem>> -> memref<40x128xi32, #tpu.memory_space<vmem>>
      %dma_wait3A_169 = arith.constant 0 : i32
      %dma_wait3A_170 = tpu.memref_slice %arg3[%add3A_88, %dma_wait3A_169] : memref<2816x128xi32, #tpu.memory_space<hbm>> -> memref<40x128xi32, #tpu.memory_space<hbm>>
      %dma_wait3A_171 = arith.constant 0 : i32
      %dma_wait3A_172 = arith.constant 0 : i32
      %dma_wait3A_173 = tpu.memref_slice %arg8[%dma_wait3A_171, %dma_wait3A_172] : memref<48x128xi32, #tpu.memory_space<vmem>> -> memref<40x128xi32, #tpu.memory_space<vmem>>
      %dma_wait3A_174 = arith.constant 0 : i32
      %dma_wait3A_175 = tpu.memref_slice %arg3[%add3A_88, %dma_wait3A_174] : memref<2816x128xi32, #tpu.memory_space<hbm>> -> memref<40x128xi32, #tpu.memory_space<hbm>>
      tpu.wait_dma2 semaphore(%run_scoped3A_155 : memref<!tpu.dma_semaphore, #tpu.memory_space<semaphore_mem>>) src(%dma_wait3A_175 : memref<40x128xi32, #tpu.memory_space<hbm>>) dst(%dma_wait3A_173 : memref<40x128xi32, #tpu.memory_space<vmem>>)
      tpu.yield
    }) : () -> ()
    "tpu.region"() ({
      %run_scoped3A_155 = tpu.sem_alloc : memref<!tpu.dma_semaphore, #tpu.memory_space<semaphore_mem>>
      %dma_start3A_156 = arith.constant 0 : i32
      %dma_start3A_157 = arith.constant 0 : i32
      %dma_start3A_158 = tpu.memref_slice %arg9[%dma_start3A_156, %dma_start3A_157] : memref<48x128xi32, #tpu.memory_space<vmem>> -> memref<40x128xi32, #tpu.memory_space<vmem>>
      %dma_start3A_159 = arith.constant 0 : i32
      %dma_start3A_160 = tpu.memref_slice %arg4[%add3A_88, %dma_start3A_159] : memref<2816x128xi32, #tpu.memory_space<hbm>> -> memref<40x128xi32, #tpu.memory_space<hbm>>
      %dma_start3A_161 = arith.constant 0 : i32
      %dma_start3A_162 = arith.constant 0 : i32
      %dma_start3A_163 = tpu.memref_slice %arg9[%dma_start3A_161, %dma_start3A_162] : memref<48x128xi32, #tpu.memory_space<vmem>> -> memref<40x128xi32, #tpu.memory_space<vmem>>
      %dma_start3A_164 = arith.constant 0 : i32
      %dma_start3A_165 = tpu.memref_slice %arg4[%add3A_88, %dma_start3A_164] : memref<2816x128xi32, #tpu.memory_space<hbm>> -> memref<40x128xi32, #tpu.memory_space<hbm>>
      tpu.enqueue_dma source(%dma_start3A_165 : memref<40x128xi32, #tpu.memory_space<hbm>>) target(%dma_start3A_163 : memref<40x128xi32, #tpu.memory_space<vmem>>) target_semaphore(%run_scoped3A_155 : memref<!tpu.dma_semaphore, #tpu.memory_space<semaphore_mem>>)
      %dma_wait3A_166 = arith.constant 0 : i32
      %dma_wait3A_167 = arith.constant 0 : i32
      %dma_wait3A_168 = tpu.memref_slice %arg9[%dma_wait3A_166, %dma_wait3A_167] : memref<48x128xi32, #tpu.memory_space<vmem>> -> memref<40x128xi32, #tpu.memory_space<vmem>>
      %dma_wait3A_169 = arith.constant 0 : i32
      %dma_wait3A_170 = tpu.memref_slice %arg4[%add3A_88, %dma_wait3A_169] : memref<2816x128xi32, #tpu.memory_space<hbm>> -> memref<40x128xi32, #tpu.memory_space<hbm>>
      %dma_wait3A_171 = arith.constant 0 : i32
      %dma_wait3A_172 = arith.constant 0 : i32
      %dma_wait3A_173 = tpu.memref_slice %arg9[%dma_wait3A_171, %dma_wait3A_172] : memref<48x128xi32, #tpu.memory_space<vmem>> -> memref<40x128xi32, #tpu.memory_space<vmem>>
      %dma_wait3A_174 = arith.constant 0 : i32
      %dma_wait3A_175 = tpu.memref_slice %arg4[%add3A_88, %dma_wait3A_174] : memref<2816x128xi32, #tpu.memory_space<hbm>> -> memref<40x128xi32, #tpu.memory_space<hbm>>
      tpu.wait_dma2 semaphore(%run_scoped3A_155 : memref<!tpu.dma_semaphore, #tpu.memory_space<semaphore_mem>>) src(%dma_wait3A_175 : memref<40x128xi32, #tpu.memory_space<hbm>>) dst(%dma_wait3A_173 : memref<40x128xi32, #tpu.memory_space<vmem>>)
      tpu.yield
    }) : () -> ()
    %dma_start3A_89 = arith.constant 0 : i32
    %dma_start3A_90 = arith.constant 0 : i32
    %dma_start3A_91 = arith.constant 0 : i32
    %dma_start3A_92 = tpu.memref_slice %arg6[%dma_start3A_90, %dma_start3A_91] : memref<128x128xf32, #tpu.memory_space<vmem>> -> memref<64x128xf32, #tpu.memory_space<vmem>>
    %dma_start3A_93 = arith.constant 0 : i32
    %dma_start3A_94 = tpu.memref_slice %arg8[%dma_start3A_89, %dma_start3A_93] : memref<48x128xi32, #tpu.memory_space<vmem>> -> memref<1x64xi32, #tpu.memory_space<vmem>>
    %dma_start3A_95 = tpu.memref_squeeze %dma_start3A_94 : memref<1x64xi32, #tpu.memory_space<vmem>> -> memref<64xi32, #tpu.memory_space<vmem>>
    %dma_start3A_96 = arith.constant 0 : i32
    %dma_start3A_97 = arith.constant 0 : i32
    %dma_start3A_98 = tpu.memref_slice %arg2[%dma_start3A_96, %dma_start3A_97] : memref<10240x128xf32, #tpu.memory_space<hbm>> -> memref<10240x128xf32, #tpu.memory_space<hbm>>
    tpu.enqueue_indirect_dma source(%dma_start3A_98 : memref<10240x128xf32, #tpu.memory_space<hbm>>) target(%dma_start3A_92 : memref<64x128xf32, #tpu.memory_space<vmem>>) offsets(%dma_start3A_95 : memref<64xi32, #tpu.memory_space<vmem>>) semaphore(%arg11 : memref<!tpu.dma_semaphore, #tpu.memory_space<semaphore_mem>>)
    %dma_start3A_99 = arith.constant 0 : i32
    %dma_start3A_100 = arith.constant 64 : i32
    %dma_start3A_101 = arith.constant 0 : i32
    %dma_start3A_102 = tpu.memref_slice %arg6[%dma_start3A_100, %dma_start3A_101] : memref<128x128xf32, #tpu.memory_space<vmem>> -> memref<64x128xf32, #tpu.memory_space<vmem>>
    %dma_start3A_103 = arith.constant 64 : i32
    %dma_start3A_104 = tpu.memref_slice %arg8[%dma_start3A_99, %dma_start3A_103] : memref<48x128xi32, #tpu.memory_space<vmem>> -> memref<1x64xi32, #tpu.memory_space<vmem>>
    %dma_start3A_105 = tpu.memref_squeeze %dma_start3A_104 : memref<1x64xi32, #tpu.memory_space<vmem>> -> memref<64xi32, #tpu.memory_space<vmem>>
    %dma_start3A_106 = arith.constant 0 : i32
    %dma_start3A_107 = arith.constant 0 : i32
    %dma_start3A_108 = tpu.memref_slice %arg2[%dma_start3A_106, %dma_start3A_107] : memref<10240x128xf32, #tpu.memory_space<hbm>> -> memref<10240x128xf32, #tpu.memory_space<hbm>>
    tpu.enqueue_indirect_dma source(%dma_start3A_108 : memref<10240x128xf32, #tpu.memory_space<hbm>>) target(%dma_start3A_102 : memref<64x128xf32, #tpu.memory_space<vmem>>) offsets(%dma_start3A_105 : memref<64xi32, #tpu.memory_space<vmem>>) semaphore(%arg11 : memref<!tpu.dma_semaphore, #tpu.memory_space<semaphore_mem>>)
    %dma_start3A_109 = arith.constant 1 : i32
    %dma_start3A_110 = arith.constant 0 : i32
    %dma_start3A_111 = arith.constant 0 : i32
    %dma_start3A_112 = tpu.memref_slice %arg7[%dma_start3A_110, %dma_start3A_111] : memref<128x128xf32, #tpu.memory_space<vmem>> -> memref<64x128xf32, #tpu.memory_space<vmem>>
    %dma_start3A_113 = arith.constant 0 : i32
    %dma_start3A_114 = tpu.memref_slice %arg8[%dma_start3A_109, %dma_start3A_113] : memref<48x128xi32, #tpu.memory_space<vmem>> -> memref<1x64xi32, #tpu.memory_space<vmem>>
    %dma_start3A_115 = tpu.memref_squeeze %dma_start3A_114 : memref<1x64xi32, #tpu.memory_space<vmem>> -> memref<64xi32, #tpu.memory_space<vmem>>
    %dma_start3A_116 = arith.constant 0 : i32
    %dma_start3A_117 = arith.constant 0 : i32
    %dma_start3A_118 = tpu.memref_slice %arg2[%dma_start3A_116, %dma_start3A_117] : memref<10240x128xf32, #tpu.memory_space<hbm>> -> memref<10240x128xf32, #tpu.memory_space<hbm>>
    tpu.enqueue_indirect_dma source(%dma_start3A_118 : memref<10240x128xf32, #tpu.memory_space<hbm>>) target(%dma_start3A_112 : memref<64x128xf32, #tpu.memory_space<vmem>>) offsets(%dma_start3A_115 : memref<64xi32, #tpu.memory_space<vmem>>) semaphore(%arg12 : memref<!tpu.dma_semaphore, #tpu.memory_space<semaphore_mem>>)
    %dma_start3A_119 = arith.constant 1 : i32
    %dma_start3A_120 = arith.constant 64 : i32
    %dma_start3A_121 = arith.constant 0 : i32
    %dma_start3A_122 = tpu.memref_slice %arg7[%dma_start3A_120, %dma_start3A_121] : memref<128x128xf32, #tpu.memory_space<vmem>> -> memref<64x128xf32, #tpu.memory_space<vmem>>
    %dma_start3A_123 = arith.constant 64 : i32
    %dma_start3A_124 = tpu.memref_slice %arg8[%dma_start3A_119, %dma_start3A_123] : memref<48x128xi32, #tpu.memory_space<vmem>> -> memref<1x64xi32, #tpu.memory_space<vmem>>
    %dma_start3A_125 = tpu.memref_squeeze %dma_start3A_124 : memref<1x64xi32, #tpu.memory_space<vmem>> -> memref<64xi32, #tpu.memory_space<vmem>>
    %dma_start3A_126 = arith.constant 0 : i32
    %dma_start3A_127 = arith.constant 0 : i32
    %dma_start3A_128 = tpu.memref_slice %arg2[%dma_start3A_126, %dma_start3A_127] : memref<10240x128xf32, #tpu.memory_space<hbm>> -> memref<10240x128xf32, #tpu.memory_space<hbm>>
    tpu.enqueue_indirect_dma source(%dma_start3A_128 : memref<10240x128xf32, #tpu.memory_space<hbm>>) target(%dma_start3A_122 : memref<64x128xf32, #tpu.memory_space<vmem>>) offsets(%dma_start3A_125 : memref<64xi32, #tpu.memory_space<vmem>>) semaphore(%arg12 : memref<!tpu.dma_semaphore, #tpu.memory_space<semaphore_mem>>)
    %scan3A_129 = arith.constant 0 : i32
    %scan3A_130 = arith.constant 16 : i32
    %scan3A_131 = arith.addi %scan3A_129, %scan3A_130 : i32
    %scan3A_132 = arith.constant 1 : i32
    scf.for %scan3A_155 = %scan3A_129 to %scan3A_131 step %scan3A_132  : i32 {
      %mul3A_156 = arith.constant 2 : i32
      %mul3A_157 = arith.muli %mul3A_156, %scan3A_155 : i32
      %add3A_158 = arith.constant 0 : i32
      %add3A_159 = arith.addi %mul3A_157, %add3A_158 : i32
      %dma_wait3A_160 = arith.constant 0 : i32
      %dma_wait3A_161 = tpu.memref_slice %arg8[%add3A_159, %dma_wait3A_160] : memref<48x128xi32, #tpu.memory_space<vmem>> -> memref<1x128xi32, #tpu.memory_space<vmem>>
      %dma_wait3A_162 = tpu.memref_squeeze %dma_wait3A_161 : memref<1x128xi32, #tpu.memory_space<vmem>> -> memref<128xi32, #tpu.memory_space<vmem>>
      %dma_wait3A_163 = arith.constant 0 : i32
      %dma_wait3A_164 = arith.constant 0 : i32
      %dma_wait3A_165 = tpu.memref_slice %arg2[%dma_wait3A_163, %dma_wait3A_164] : memref<10240x128xf32, #tpu.memory_space<hbm>> -> memref<10240x128xf32, #tpu.memory_space<hbm>>
      tpu.wait_indirect_dma semaphore(%arg11 : memref<!tpu.dma_semaphore, #tpu.memory_space<semaphore_mem>>) src(%dma_wait3A_165 : memref<10240x128xf32, #tpu.memory_space<hbm>>) dst(%arg6 : memref<128x128xf32, #tpu.memory_space<vmem>>)
      "tpu.region"() ({
        %run_scoped3A_216 = tpu.sem_alloc : memref<!tpu.dma_semaphore, #tpu.memory_space<semaphore_mem>>
        %dma_start3A_217 = arith.constant 0 : i32
        %dma_start3A_218 = tpu.memref_slice %arg9[%add3A_159, %dma_start3A_217] : memref<48x128xi32, #tpu.memory_space<vmem>> -> memref<1x128xi32, #tpu.memory_space<vmem>>
        %dma_start3A_219 = tpu.memref_squeeze %dma_start3A_218 : memref<1x128xi32, #tpu.memory_space<vmem>> -> memref<128xi32, #tpu.memory_space<vmem>>
        %dma_start3A_220 = arith.constant 0 : i32
        %dma_start3A_221 = arith.constant 0 : i32
        %dma_start3A_222 = tpu.memref_slice %arg10[%dma_start3A_220, %dma_start3A_221] : memref<10240x128xf32, #tpu.memory_space<vmem_shared>> -> memref<10240x128xf32, #tpu.memory_space<vmem_shared>>
        tpu.enqueue_indirect_dma source(%arg6 : memref<128x128xf32, #tpu.memory_space<vmem>>) target(%dma_start3A_222 : memref<10240x128xf32, #tpu.memory_space<vmem_shared>>) offsets(%dma_start3A_219 : memref<128xi32, #tpu.memory_space<vmem>>) semaphore(%run_scoped3A_216 : memref<!tpu.dma_semaphore, #tpu.memory_space<semaphore_mem>>) {add = true}
        %dma_wait3A_223 = arith.constant 0 : i32
        %dma_wait3A_224 = tpu.memref_slice %arg9[%add3A_159, %dma_wait3A_223] : memref<48x128xi32, #tpu.memory_space<vmem>> -> memref<1x128xi32, #tpu.memory_space<vmem>>
        %dma_wait3A_225 = tpu.memref_squeeze %dma_wait3A_224 : memref<1x128xi32, #tpu.memory_space<vmem>> -> memref<128xi32, #tpu.memory_space<vmem>>
        %dma_wait3A_226 = arith.constant 0 : i32
        %dma_wait3A_227 = arith.constant 0 : i32
        %dma_wait3A_228 = tpu.memref_slice %arg10[%dma_wait3A_226, %dma_wait3A_227] : memref<10240x128xf32, #tpu.memory_space<vmem_shared>> -> memref<10240x128xf32, #tpu.memory_space<vmem_shared>>
        tpu.wait_indirect_dma semaphore(%run_scoped3A_216 : memref<!tpu.dma_semaphore, #tpu.memory_space<semaphore_mem>>) src(%arg6 : memref<128x128xf32, #tpu.memory_space<vmem>>) dst(%dma_wait3A_228 : memref<10240x128xf32, #tpu.memory_space<vmem_shared>>)
        tpu.yield
      }) : () -> ()
      %add3A_166 = arith.constant 2 : i32
      %add3A_167 = arith.addi %add3A_159, %add3A_166 : i32
      %dma_start3A_168 = arith.constant 0 : i32
      %dma_start3A_169 = arith.constant 0 : i32
      %dma_start3A_170 = tpu.memref_slice %arg6[%dma_start3A_168, %dma_start3A_169] : memref<128x128xf32, #tpu.memory_space<vmem>> -> memref<64x128xf32, #tpu.memory_space<vmem>>
      %dma_start3A_171 = arith.constant 0 : i32
      %dma_start3A_172 = tpu.memref_slice %arg8[%add3A_167, %dma_start3A_171] : memref<48x128xi32, #tpu.memory_space<vmem>> -> memref<1x64xi32, #tpu.memory_space<vmem>>
      %dma_start3A_173 = tpu.memref_squeeze %dma_start3A_172 : memref<1x64xi32, #tpu.memory_space<vmem>> -> memref<64xi32, #tpu.memory_space<vmem>>
      %dma_start3A_174 = arith.constant 0 : i32
      %dma_start3A_175 = arith.constant 0 : i32
      %dma_start3A_176 = tpu.memref_slice %arg2[%dma_start3A_174, %dma_start3A_175] : memref<10240x128xf32, #tpu.memory_space<hbm>> -> memref<10240x128xf32, #tpu.memory_space<hbm>>
      tpu.enqueue_indirect_dma source(%dma_start3A_176 : memref<10240x128xf32, #tpu.memory_space<hbm>>) target(%dma_start3A_170 : memref<64x128xf32, #tpu.memory_space<vmem>>) offsets(%dma_start3A_173 : memref<64xi32, #tpu.memory_space<vmem>>) semaphore(%arg11 : memref<!tpu.dma_semaphore, #tpu.memory_space<semaphore_mem>>)
      %dma_start3A_177 = arith.constant 64 : i32
      %dma_start3A_178 = arith.constant 0 : i32
      %dma_start3A_179 = tpu.memref_slice %arg6[%dma_start3A_177, %dma_start3A_178] : memref<128x128xf32, #tpu.memory_space<vmem>> -> memref<64x128xf32, #tpu.memory_space<vmem>>
      %dma_start3A_180 = arith.constant 64 : i32
      %dma_start3A_181 = tpu.memref_slice %arg8[%add3A_167, %dma_start3A_180] : memref<48x128xi32, #tpu.memory_space<vmem>> -> memref<1x64xi32, #tpu.memory_space<vmem>>
      %dma_start3A_182 = tpu.memref_squeeze %dma_start3A_181 : memref<1x64xi32, #tpu.memory_space<vmem>> -> memref<64xi32, #tpu.memory_space<vmem>>
      %dma_start3A_183 = arith.constant 0 : i32
      %dma_start3A_184 = arith.constant 0 : i32
      %dma_start3A_185 = tpu.memref_slice %arg2[%dma_start3A_183, %dma_start3A_184] : memref<10240x128xf32, #tpu.memory_space<hbm>> -> memref<10240x128xf32, #tpu.memory_space<hbm>>
      tpu.enqueue_indirect_dma source(%dma_start3A_185 : memref<10240x128xf32, #tpu.memory_space<hbm>>) target(%dma_start3A_179 : memref<64x128xf32, #tpu.memory_space<vmem>>) offsets(%dma_start3A_182 : memref<64xi32, #tpu.memory_space<vmem>>) semaphore(%arg11 : memref<!tpu.dma_semaphore, #tpu.memory_space<semaphore_mem>>)
      %mul3A_186 = arith.constant 2 : i32
      %mul3A_187 = arith.muli %mul3A_186, %scan3A_155 : i32
      %add3A_188 = arith.constant 1 : i32
      %add3A_189 = arith.addi %mul3A_187, %add3A_188 : i32
      %dma_wait3A_190 = arith.constant 0 : i32
      %dma_wait3A_191 = tpu.memref_slice %arg8[%add3A_189, %dma_wait3A_190] : memref<48x128xi32, #tpu.memory_space<vmem>> -> memref<1x128xi32, #tpu.memory_space<vmem>>
      %dma_wait3A_192 = tpu.memref_squeeze %dma_wait3A_191 : memref<1x128xi32, #tpu.memory_space<vmem>> -> memref<128xi32, #tpu.memory_space<vmem>>
      %dma_wait3A_193 = arith.constant 0 : i32
      %dma_wait3A_194 = arith.constant 0 : i32
      %dma_wait3A_195 = tpu.memref_slice %arg2[%dma_wait3A_193, %dma_wait3A_194] : memref<10240x128xf32, #tpu.memory_space<hbm>> -> memref<10240x128xf32, #tpu.memory_space<hbm>>
      tpu.wait_indirect_dma semaphore(%arg12 : memref<!tpu.dma_semaphore, #tpu.memory_space<semaphore_mem>>) src(%dma_wait3A_195 : memref<10240x128xf32, #tpu.memory_space<hbm>>) dst(%arg7 : memref<128x128xf32, #tpu.memory_space<vmem>>)
      "tpu.region"() ({
        %run_scoped3A_216 = tpu.sem_alloc : memref<!tpu.dma_semaphore, #tpu.memory_space<semaphore_mem>>
        %dma_start3A_217 = arith.constant 0 : i32
        %dma_start3A_218 = tpu.memref_slice %arg9[%add3A_189, %dma_start3A_217] : memref<48x128xi32, #tpu.memory_space<vmem>> -> memref<1x128xi32, #tpu.memory_space<vmem>>
        %dma_start3A_219 = tpu.memref_squeeze %dma_start3A_218 : memref<1x128xi32, #tpu.memory_space<vmem>> -> memref<128xi32, #tpu.memory_space<vmem>>
        %dma_start3A_220 = arith.constant 0 : i32
        %dma_start3A_221 = arith.constant 0 : i32
        %dma_start3A_222 = tpu.memref_slice %arg10[%dma_start3A_220, %dma_start3A_221] : memref<10240x128xf32, #tpu.memory_space<vmem_shared>> -> memref<10240x128xf32, #tpu.memory_space<vmem_shared>>
        tpu.enqueue_indirect_dma source(%arg7 : memref<128x128xf32, #tpu.memory_space<vmem>>) target(%dma_start3A_222 : memref<10240x128xf32, #tpu.memory_space<vmem_shared>>) offsets(%dma_start3A_219 : memref<128xi32, #tpu.memory_space<vmem>>) semaphore(%run_scoped3A_216 : memref<!tpu.dma_semaphore, #tpu.memory_space<semaphore_mem>>) {add = true}
        %dma_wait3A_223 = arith.constant 0 : i32
        %dma_wait3A_224 = tpu.memref_slice %arg9[%add3A_189, %dma_wait3A_223] : memref<48x128xi32, #tpu.memory_space<vmem>> -> memref<1x128xi32, #tpu.memory_space<vmem>>
        %dma_wait3A_225 = tpu.memref_squeeze %dma_wait3A_224 : memref<1x128xi32, #tpu.memory_space<vmem>> -> memref<128xi32, #tpu.memory_space<vmem>>
        %dma_wait3A_226 = arith.constant 0 : i32
        %dma_wait3A_227 = arith.constant 0 : i32
        %dma_wait3A_228 = tpu.memref_slice %arg10[%dma_wait3A_226, %dma_wait3A_227] : memref<10240x128xf32, #tpu.memory_space<vmem_shared>> -> memref<10240x128xf32, #tpu.memory_space<vmem_shared>>
        tpu.wait_indirect_dma semaphore(%run_scoped3A_216 : memref<!tpu.dma_semaphore, #tpu.memory_space<semaphore_mem>>) src(%arg7 : memref<128x128xf32, #tpu.memory_space<vmem>>) dst(%dma_wait3A_228 : memref<10240x128xf32, #tpu.memory_space<vmem_shared>>)
        tpu.yield
      }) : () -> ()
      %add3A_196 = arith.constant 2 : i32
      %add3A_197 = arith.addi %add3A_189, %add3A_196 : i32
      %dma_start3A_198 = arith.constant 0 : i32
      %dma_start3A_199 = arith.constant 0 : i32
      %dma_start3A_200 = tpu.memref_slice %arg7[%dma_start3A_198, %dma_start3A_199] : memref<128x128xf32, #tpu.memory_space<vmem>> -> memref<64x128xf32, #tpu.memory_space<vmem>>
      %dma_start3A_201 = arith.constant 0 : i32
      %dma_start3A_202 = tpu.memref_slice %arg8[%add3A_197, %dma_start3A_201] : memref<48x128xi32, #tpu.memory_space<vmem>> -> memref<1x64xi32, #tpu.memory_space<vmem>>
      %dma_start3A_203 = tpu.memref_squeeze %dma_start3A_202 : memref<1x64xi32, #tpu.memory_space<vmem>> -> memref<64xi32, #tpu.memory_space<vmem>>
      %dma_start3A_204 = arith.constant 0 : i32
      %dma_start3A_205 = arith.constant 0 : i32
      %dma_start3A_206 = tpu.memref_slice %arg2[%dma_start3A_204, %dma_start3A_205] : memref<10240x128xf32, #tpu.memory_space<hbm>> -> memref<10240x128xf32, #tpu.memory_space<hbm>>
      tpu.enqueue_indirect_dma source(%dma_start3A_206 : memref<10240x128xf32, #tpu.memory_space<hbm>>) target(%dma_start3A_200 : memref<64x128xf32, #tpu.memory_space<vmem>>) offsets(%dma_start3A_203 : memref<64xi32, #tpu.memory_space<vmem>>) semaphore(%arg12 : memref<!tpu.dma_semaphore, #tpu.memory_space<semaphore_mem>>)
      %dma_start3A_207 = arith.constant 64 : i32
      %dma_start3A_208 = arith.constant 0 : i32
      %dma_start3A_209 = tpu.memref_slice %arg7[%dma_start3A_207, %dma_start3A_208] : memref<128x128xf32, #tpu.memory_space<vmem>> -> memref<64x128xf32, #tpu.memory_space<vmem>>
      %dma_start3A_210 = arith.constant 64 : i32
      %dma_start3A_211 = tpu.memref_slice %arg8[%add3A_197, %dma_start3A_210] : memref<48x128xi32, #tpu.memory_space<vmem>> -> memref<1x64xi32, #tpu.memory_space<vmem>>
      %dma_start3A_212 = tpu.memref_squeeze %dma_start3A_211 : memref<1x64xi32, #tpu.memory_space<vmem>> -> memref<64xi32, #tpu.memory_space<vmem>>
      %dma_start3A_213 = arith.constant 0 : i32
      %dma_start3A_214 = arith.constant 0 : i32
      %dma_start3A_215 = tpu.memref_slice %arg2[%dma_start3A_213, %dma_start3A_214] : memref<10240x128xf32, #tpu.memory_space<hbm>> -> memref<10240x128xf32, #tpu.memory_space<hbm>>
      tpu.enqueue_indirect_dma source(%dma_start3A_215 : memref<10240x128xf32, #tpu.memory_space<hbm>>) target(%dma_start3A_209 : memref<64x128xf32, #tpu.memory_space<vmem>>) offsets(%dma_start3A_212 : memref<64xi32, #tpu.memory_space<vmem>>) semaphore(%arg12 : memref<!tpu.dma_semaphore, #tpu.memory_space<semaphore_mem>>)
    }
    %scan3A_133 = arith.constant 16 : i32
    %dma_wait3A_134 = arith.constant 32 : i32
    %dma_wait3A_135 = arith.constant 0 : i32
    %dma_wait3A_136 = tpu.memref_slice %arg8[%dma_wait3A_134, %dma_wait3A_135] : memref<48x128xi32, #tpu.memory_space<vmem>> -> memref<1x128xi32, #tpu.memory_space<vmem>>
    %dma_wait3A_137 = tpu.memref_squeeze %dma_wait3A_136 : memref<1x128xi32, #tpu.memory_space<vmem>> -> memref<128xi32, #tpu.memory_space<vmem>>
    %dma_wait3A_138 = arith.constant 0 : i32
    %dma_wait3A_139 = arith.constant 0 : i32
    %dma_wait3A_140 = tpu.memref_slice %arg2[%dma_wait3A_138, %dma_wait3A_139] : memref<10240x128xf32, #tpu.memory_space<hbm>> -> memref<10240x128xf32, #tpu.memory_space<hbm>>
    tpu.wait_indirect_dma semaphore(%arg11 : memref<!tpu.dma_semaphore, #tpu.memory_space<semaphore_mem>>) src(%dma_wait3A_140 : memref<10240x128xf32, #tpu.memory_space<hbm>>) dst(%arg6 : memref<128x128xf32, #tpu.memory_space<vmem>>)
    %run_scoped3A_141 = arith.constant 32 : i32
    "tpu.region"() ({
      %run_scoped3A_155 = tpu.sem_alloc : memref<!tpu.dma_semaphore, #tpu.memory_space<semaphore_mem>>
      %dma_start3A_156 = arith.constant 0 : i32
      %dma_start3A_157 = tpu.memref_slice %arg9[%run_scoped3A_141, %dma_start3A_156] : memref<48x128xi32, #tpu.memory_space<vmem>> -> memref<1x128xi32, #tpu.memory_space<vmem>>
      %dma_start3A_158 = tpu.memref_squeeze %dma_start3A_157 : memref<1x128xi32, #tpu.memory_space<vmem>> -> memref<128xi32, #tpu.memory_space<vmem>>
      %dma_start3A_159 = arith.constant 0 : i32
      %dma_start3A_160 = arith.constant 0 : i32
      %dma_start3A_161 = tpu.memref_slice %arg10[%dma_start3A_159, %dma_start3A_160] : memref<10240x128xf32, #tpu.memory_space<vmem_shared>> -> memref<10240x128xf32, #tpu.memory_space<vmem_shared>>
      tpu.enqueue_indirect_dma source(%arg6 : memref<128x128xf32, #tpu.memory_space<vmem>>) target(%dma_start3A_161 : memref<10240x128xf32, #tpu.memory_space<vmem_shared>>) offsets(%dma_start3A_158 : memref<128xi32, #tpu.memory_space<vmem>>) semaphore(%run_scoped3A_155 : memref<!tpu.dma_semaphore, #tpu.memory_space<semaphore_mem>>) {add = true}
      %dma_wait3A_162 = arith.constant 0 : i32
      %dma_wait3A_163 = tpu.memref_slice %arg9[%run_scoped3A_141, %dma_wait3A_162] : memref<48x128xi32, #tpu.memory_space<vmem>> -> memref<1x128xi32, #tpu.memory_space<vmem>>
      %dma_wait3A_164 = tpu.memref_squeeze %dma_wait3A_163 : memref<1x128xi32, #tpu.memory_space<vmem>> -> memref<128xi32, #tpu.memory_space<vmem>>
      %dma_wait3A_165 = arith.constant 0 : i32
      %dma_wait3A_166 = arith.constant 0 : i32
      %dma_wait3A_167 = tpu.memref_slice %arg10[%dma_wait3A_165, %dma_wait3A_166] : memref<10240x128xf32, #tpu.memory_space<vmem_shared>> -> memref<10240x128xf32, #tpu.memory_space<vmem_shared>>
      tpu.wait_indirect_dma semaphore(%run_scoped3A_155 : memref<!tpu.dma_semaphore, #tpu.memory_space<semaphore_mem>>) src(%arg6 : memref<128x128xf32, #tpu.memory_space<vmem>>) dst(%dma_wait3A_167 : memref<10240x128xf32, #tpu.memory_space<vmem_shared>>)
      tpu.yield
    }) : () -> ()
    %dma_wait3A_142 = arith.constant 33 : i32
    %dma_wait3A_143 = arith.constant 0 : i32
    %dma_wait3A_144 = tpu.memref_slice %arg8[%dma_wait3A_142, %dma_wait3A_143] : memref<48x128xi32, #tpu.memory_space<vmem>> -> memref<1x128xi32, #tpu.memory_space<vmem>>
    %dma_wait3A_145 = tpu.memref_squeeze %dma_wait3A_144 : memref<1x128xi32, #tpu.memory_space<vmem>> -> memref<128xi32, #tpu.memory_space<vmem>>
    %dma_wait3A_146 = arith.constant 0 : i32
    %dma_wait3A_147 = arith.constant 0 : i32
    %dma_wait3A_148 = tpu.memref_slice %arg2[%dma_wait3A_146, %dma_wait3A_147] : memref<10240x128xf32, #tpu.memory_space<hbm>> -> memref<10240x128xf32, #tpu.memory_space<hbm>>
    tpu.wait_indirect_dma semaphore(%arg12 : memref<!tpu.dma_semaphore, #tpu.memory_space<semaphore_mem>>) src(%dma_wait3A_148 : memref<10240x128xf32, #tpu.memory_space<hbm>>) dst(%arg7 : memref<128x128xf32, #tpu.memory_space<vmem>>)
    %run_scoped3A_149 = arith.constant 33 : i32
    "tpu.region"() ({
      %run_scoped3A_155 = tpu.sem_alloc : memref<!tpu.dma_semaphore, #tpu.memory_space<semaphore_mem>>
      %dma_start3A_156 = arith.constant 0 : i32
      %dma_start3A_157 = tpu.memref_slice %arg9[%run_scoped3A_149, %dma_start3A_156] : memref<48x128xi32, #tpu.memory_space<vmem>> -> memref<1x128xi32, #tpu.memory_space<vmem>>
      %dma_start3A_158 = tpu.memref_squeeze %dma_start3A_157 : memref<1x128xi32, #tpu.memory_space<vmem>> -> memref<128xi32, #tpu.memory_space<vmem>>
      %dma_start3A_159 = arith.constant 0 : i32
      %dma_start3A_160 = arith.constant 0 : i32
      %dma_start3A_161 = tpu.memref_slice %arg10[%dma_start3A_159, %dma_start3A_160] : memref<10240x128xf32, #tpu.memory_space<vmem_shared>> -> memref<10240x128xf32, #tpu.memory_space<vmem_shared>>
      tpu.enqueue_indirect_dma source(%arg7 : memref<128x128xf32, #tpu.memory_space<vmem>>) target(%dma_start3A_161 : memref<10240x128xf32, #tpu.memory_space<vmem_shared>>) offsets(%dma_start3A_158 : memref<128xi32, #tpu.memory_space<vmem>>) semaphore(%run_scoped3A_155 : memref<!tpu.dma_semaphore, #tpu.memory_space<semaphore_mem>>) {add = true}
      %dma_wait3A_162 = arith.constant 0 : i32
      %dma_wait3A_163 = tpu.memref_slice %arg9[%run_scoped3A_149, %dma_wait3A_162] : memref<48x128xi32, #tpu.memory_space<vmem>> -> memref<1x128xi32, #tpu.memory_space<vmem>>
      %dma_wait3A_164 = tpu.memref_squeeze %dma_wait3A_163 : memref<1x128xi32, #tpu.memory_space<vmem>> -> memref<128xi32, #tpu.memory_space<vmem>>
      %dma_wait3A_165 = arith.constant 0 : i32
      %dma_wait3A_166 = arith.constant 0 : i32
      %dma_wait3A_167 = tpu.memref_slice %arg10[%dma_wait3A_165, %dma_wait3A_166] : memref<10240x128xf32, #tpu.memory_space<vmem_shared>> -> memref<10240x128xf32, #tpu.memory_space<vmem_shared>>
      tpu.wait_indirect_dma semaphore(%run_scoped3A_155 : memref<!tpu.dma_semaphore, #tpu.memory_space<semaphore_mem>>) src(%arg7 : memref<128x128xf32, #tpu.memory_space<vmem>>) dst(%dma_wait3A_167 : memref<10240x128xf32, #tpu.memory_space<vmem_shared>>)
      tpu.yield
    }) : () -> ()
    %barrier3A_150 = arith.constant 0 : index
    tpu.barrier barrier_id(%barrier3A_150)
    %mul3A_151 = arith.constant 640 : i32
    %mul3A_152 = arith.muli %arg1, %mul3A_151 : i32
    %mul3A_153 = arith.constant 640 : i32
    %mul3A_154 = arith.muli %arg1, %mul3A_153 : i32
    "tpu.region"() ({
      %run_scoped3A_155 = tpu.sem_alloc : memref<!tpu.dma_semaphore, #tpu.memory_space<semaphore_mem>>
      %dma_start3A_156 = arith.constant 0 : i32
      %dma_start3A_157 = arith.constant 0 : i32
      %dma_start3A_158 = tpu.memref_slice %arg5[%arg0, %dma_start3A_156, %dma_start3A_157] : memref<2x10240x128xf32, #tpu.memory_space<hbm>> -> memref<1x10240x128xf32, #tpu.memory_space<hbm>>
      %dma_start3A_159 = tpu.memref_squeeze %dma_start3A_158 : memref<1x10240x128xf32, #tpu.memory_space<hbm>> -> memref<10240x128xf32, #tpu.memory_space<hbm>>
      %dma_start3A_160 = arith.constant 0 : i32
      %dma_start3A_161 = tpu.memref_slice %dma_start3A_159[%mul3A_154, %dma_start3A_160] : memref<10240x128xf32, #tpu.memory_space<hbm>> -> memref<640x128xf32, #tpu.memory_space<hbm>>
      %dma_start3A_162 = arith.constant 0 : i32
      %dma_start3A_163 = tpu.memref_slice %arg10[%mul3A_152, %dma_start3A_162] : memref<10240x128xf32, #tpu.memory_space<vmem_shared>> -> memref<640x128xf32, #tpu.memory_space<vmem_shared>>
      tpu.enqueue_dma source(%dma_start3A_163 : memref<640x128xf32, #tpu.memory_space<vmem_shared>>) target(%dma_start3A_161 : memref<640x128xf32, #tpu.memory_space<hbm>>) target_semaphore(%run_scoped3A_155 : memref<!tpu.dma_semaphore, #tpu.memory_space<semaphore_mem>>)
      %dma_wait3A_164 = arith.constant 0 : i32
      %dma_wait3A_165 = arith.constant 0 : i32
      %dma_wait3A_166 = tpu.memref_slice %arg5[%arg0, %dma_wait3A_164, %dma_wait3A_165] : memref<2x10240x128xf32, #tpu.memory_space<hbm>> -> memref<1x10240x128xf32, #tpu.memory_space<hbm>>
      %dma_wait3A_167 = tpu.memref_squeeze %dma_wait3A_166 : memref<1x10240x128xf32, #tpu.memory_space<hbm>> -> memref<10240x128xf32, #tpu.memory_space<hbm>>
      %dma_wait3A_168 = arith.constant 0 : i32
      %dma_wait3A_169 = tpu.memref_slice %dma_wait3A_167[%mul3A_154, %dma_wait3A_168] : memref<10240x128xf32, #tpu.memory_space<hbm>> -> memref<640x128xf32, #tpu.memory_space<hbm>>
      %dma_wait3A_170 = arith.constant 0 : i32
      %dma_wait3A_171 = tpu.memref_slice %arg10[%mul3A_152, %dma_wait3A_170] : memref<10240x128xf32, #tpu.memory_space<vmem_shared>> -> memref<640x128xf32, #tpu.memory_space<vmem_shared>>
      tpu.wait_dma2 semaphore(%run_scoped3A_155 : memref<!tpu.dma_semaphore, #tpu.memory_space<semaphore_mem>>) src(%dma_wait3A_171 : memref<640x128xf32, #tpu.memory_space<vmem_shared>>) dst(%dma_wait3A_169 : memref<640x128xf32, #tpu.memory_space<hbm>>)
      tpu.yield
    }) : () -> ()
    return
  }
}

module attributes {stable_mosaic.version = 14 : i64} {
  func.func @_dinv_scale_body(%arg0: i32, %arg1: memref<2x8x128xf32, #tpu.memory_space<vmem>>, %arg2: memref<1024x128xf32, #tpu.memory_space<vmem>>, %arg3: memref<128x128xf32, #tpu.memory_space<vmem>>, %arg4: memref<1024x128xf32, #tpu.memory_space<vmem>>, %arg5: memref<1024x128xf32, #tpu.memory_space<vmem>>) attributes {dimension_semantics = [#tpu.dimension_semantics<arbitrary>], iteration_bounds = array<i64: 10>, scalar_prefetch = 0 : i64, scratch_operands = 0 : i64, tpu.core_type = #tpu.core_type<tc>, window_params = [{transform_indices = @transform_0, window_bounds = array<i64: 2, 8, 128>}, {transform_indices = @transform_1, window_bounds = array<i64: 1024, 128>}, {pipeline_mode = #tpu.pipeline_mode<synchronous>, transform_indices = @transform_2, window_bounds = array<i64: 128, 128>}, {transform_indices = @transform_3, window_bounds = array<i64: 1024, 128>}, {transform_indices = @transform_4, window_bounds = array<i64: 1024, 128>}]} {
    %get3A = arith.constant 0 : index
    %get3A_0 = arith.constant 0 : index
    %get3A_1 = arith.constant 0 : index
    %get3A_2 = vector.load %arg1[%get3A, %get3A_0, %get3A_1] : memref<2x8x128xf32, #tpu.memory_space<vmem>>, vector<1x8x128xf32>
    %get3A_3 = vector.shape_cast %get3A_2 : vector<1x8x128xf32> to vector<8x128xf32>
    %get3A_4 = arith.constant 1 : index
    %get3A_5 = arith.constant 0 : index
    %get3A_6 = arith.constant 0 : index
    %get3A_7 = vector.load %arg1[%get3A_4, %get3A_5, %get3A_6] : memref<2x8x128xf32, #tpu.memory_space<vmem>>, vector<1x8x128xf32>
    %get3A_8 = vector.shape_cast %get3A_7 : vector<1x8x128xf32> to vector<8x128xf32>
    %add3A = arith.addf %get3A_3, %get3A_8 : vector<8x128xf32>
    %max3A = arith.constant 9.99999996E-13 : f32
    %max3A_9 = vector.broadcast %max3A : f32 to vector<8x128xf32>
    %max3A_10 = arith.maximumf %add3A, %max3A_9 : vector<8x128xf32>
    %rsqrt3A = math.rsqrt %max3A_10 : vector<8x128xf32>
    %iota3A = tpu.iota {dimensions = array<i32: 0>} : vector<1024x8xi32>
    %jit3A = arith.constant 128 : i32
    %div3A = vector.broadcast %jit3A : i32 to vector<1024x8xi32>
    %div3A_11 = arith.divsi %iota3A, %div3A : vector<1024x8xi32>
    %sign3A = arith.constant 0 : i32
    %sign3A_12 = vector.broadcast %sign3A : i32 to vector<1024x8xi32>
    %sign3A_13 = arith.cmpi sgt, %iota3A, %sign3A_12 : vector<1024x8xi32>
    %sign3A_14 = arith.extui %sign3A_13 : vector<1024x8xi1> to vector<1024x8xi32>
    %sign3A_15 = arith.constant 0 : i32
    %sign3A_16 = vector.broadcast %sign3A_15 : i32 to vector<1024x8xi32>
    %sign3A_17 = arith.cmpi slt, %iota3A, %sign3A_16 : vector<1024x8xi32>
    %sign3A_18 = arith.extui %sign3A_17 : vector<1024x8xi1> to vector<1024x8xi32>
    %sign3A_19 = arith.subi %sign3A_14, %sign3A_18 : vector<1024x8xi32>
    %sign3A_20 = arith.constant 0 : i32
    %sign3A_21 = arith.cmpi sgt, %jit3A, %sign3A_20 : i32
    %sign3A_22 = arith.extui %sign3A_21 : i1 to i32
    %sign3A_23 = arith.constant 0 : i32
    %sign3A_24 = arith.cmpi slt, %jit3A, %sign3A_23 : i32
    %sign3A_25 = arith.extui %sign3A_24 : i1 to i32
    %sign3A_26 = arith.subi %sign3A_22, %sign3A_25 : i32
    %ne3A = vector.broadcast %sign3A_26 : i32 to vector<1024x8xi32>
    %ne3A_27 = arith.cmpi ne, %sign3A_19, %ne3A : vector<1024x8xi32>
    %rem3A = vector.broadcast %jit3A : i32 to vector<1024x8xi32>
    %rem3A_28 = arith.remsi %iota3A, %rem3A : vector<1024x8xi32>
    %ne3A_29 = arith.constant 0 : i32
    %ne3A_30 = vector.broadcast %ne3A_29 : i32 to vector<1024x8xi32>
    %ne3A_31 = arith.cmpi ne, %rem3A_28, %ne3A_30 : vector<1024x8xi32>
    %and3A = arith.andi %ne3A_27, %ne3A_31 : vector<1024x8xi1>
    %sub3A = arith.constant 1 : i32
    %sub3A_32 = vector.broadcast %sub3A : i32 to vector<1024x8xi32>
    %sub3A_33 = arith.subi %div3A_11, %sub3A_32 : vector<1024x8xi32>
    %select_n3A = arith.select %and3A, %sub3A_33, %div3A_11 : vector<1024x8xi1>, vector<1024x8xi32>
    %iota3A_34 = tpu.iota {dimensions = array<i32: 1>} : vector<1024x8xi32>
    %eq3A = arith.cmpi eq, %select_n3A, %iota3A_34 : vector<1024x8xi32>
    %convert_element_type3A = arith.extui %eq3A : vector<1024x8xi1> to vector<1024x8xi32>
    %convert_element_type3A_35 = arith.sitofp %convert_element_type3A : vector<1024x8xi32> to vector<1024x8xf32>
    %dot_general3A = arith.constant dense<0.000000e+00> : vector<1024x128xf32>
    %dot_general3A_36 = tpu.matmul %convert_element_type3A_35, %rsqrt3A, %dot_general3A {dimension_numbers = #tpu.dot_dimension_numbers<[1], [0], [0], [1], [0, 0, 1, 1], [], []>, transpose_lhs_hint = false} : vector<1024x8xf32>, vector<8x128xf32>, vector<1024x128xf32> -> vector<1024x128xf32>
    %iota3A_37 = tpu.iota {dimensions = array<i32: 0>} : vector<1024x128xi32>
    %iota3A_38 = tpu.iota {dimensions = array<i32: 1>} : vector<1024x128xi32>
    %jit3A_39 = arith.constant 128 : i32
    %eq3A_40 = arith.constant 0 : i32
    %eq3A_41 = arith.cmpi eq, %jit3A_39, %eq3A_40 : i32
    %jit3A_42 = arith.constant 1 : i32
    %select_n3A_43 = arith.select %eq3A_41, %jit3A_42, %jit3A_39 : i32
    %rem3A_44 = vector.broadcast %select_n3A_43 : i32 to vector<1024x128xi32>
    %rem3A_45 = arith.remsi %iota3A_37, %rem3A_44 : vector<1024x128xi32>
    %ne3A_46 = arith.constant 0 : i32
    %ne3A_47 = vector.broadcast %ne3A_46 : i32 to vector<1024x128xi32>
    %ne3A_48 = arith.cmpi ne, %rem3A_45, %ne3A_47 : vector<1024x128xi32>
    %lt3A = arith.constant 0 : i32
    %lt3A_49 = vector.broadcast %lt3A : i32 to vector<1024x128xi32>
    %lt3A_50 = arith.cmpi slt, %rem3A_45, %lt3A_49 : vector<1024x128xi32>
    %lt3A_51 = arith.constant 0 : i32
    %lt3A_52 = arith.cmpi slt, %select_n3A_43, %lt3A_51 : i32
    %ne3A_53 = vector.broadcast %lt3A_52 : i1 to vector<1024x128xi1>
    %ne3A_54 = vector.broadcast %ne3A_53 : vector<1024x128xi1> to vector<1024x128xi1>
    %ne3A_55 = arith.xori %lt3A_50, %ne3A_54 : vector<1024x128xi1>
    %and3A_56 = arith.andi %ne3A_55, %ne3A_48 : vector<1024x128xi1>
    %add3A_57 = vector.broadcast %select_n3A_43 : i32 to vector<1024x128xi32>
    %add3A_58 = arith.addi %rem3A_45, %add3A_57 : vector<1024x128xi32>
    %select_n3A_59 = arith.select %and3A_56, %add3A_58, %rem3A_45 : vector<1024x128xi1>, vector<1024x128xi32>
    %eq3A_60 = arith.cmpi eq, %iota3A_38, %select_n3A_59 : vector<1024x128xi32>
    %jit3A_61 = arith.constant 0.000000e+00 : f32
    %broadcast_in_dim3A = vector.broadcast %jit3A_61 : f32 to vector<1024x128xf32>
    %select_n3A_62 = arith.select %eq3A_60, %dot_general3A_36, %broadcast_in_dim3A : vector<1024x128xi1>, vector<1024x128xf32>
    %reduce_sum3A = arith.constant dense<0.000000e+00> : vector<1024xf32>
    %reduce_sum3A_63 = vector.multi_reduction <add>, %select_n3A_62, %reduce_sum3A [1] : vector<1024x128xf32> to vector<1024xf32>
    %broadcast_in_dim3A_64 = vector.shape_cast %reduce_sum3A_63 : vector<1024xf32> to vector<1024x1xf32>
    %broadcast_in_dim3A_65 = vector.shape_cast %broadcast_in_dim3A_64 : vector<1024x1xf32> to vector<1024x1xf32>
    %broadcast_in_dim3A_66 = vector.broadcast %broadcast_in_dim3A_65 : vector<1024x1xf32> to vector<1024x128xf32>
    %swap3A = arith.constant 0 : index
    %swap3A_67 = arith.constant 0 : index
    %swap3A_68 = vector.load %arg4[%swap3A, %swap3A_67] : memref<1024x128xf32, #tpu.memory_space<vmem>>, vector<1024x128xf32>
    tpu.vector_store %arg4[%swap3A, %swap3A_67], %broadcast_in_dim3A_66 {strides = array<i32>} : memref<1024x128xf32, #tpu.memory_space<vmem>>, vector<1024x128xf32>,
    %get3A_69 = arith.constant 0 : index
    %get3A_70 = arith.constant 0 : index
    %get3A_71 = vector.load %arg2[%get3A_69, %get3A_70] : memref<1024x128xf32, #tpu.memory_space<vmem>>, vector<1024x128xf32>
    %get3A_72 = arith.constant 0 : index
    %get3A_73 = arith.constant 0 : index
    %get3A_74 = vector.load %arg3[%get3A_72, %get3A_73] : memref<128x128xf32, #tpu.memory_space<vmem>>, vector<128x128xf32>
    %dot_general3A_75 = arith.constant dense<0.000000e+00> : vector<1024x128xf32>
    %dot_general3A_76 = tpu.matmul %get3A_71, %get3A_74, %dot_general3A_75 {dimension_numbers = #tpu.dot_dimension_numbers<[1], [0], [0], [1], [0, 0, 1, 1], [], []>, transpose_lhs_hint = false} : vector<1024x128xf32>, vector<128x128xf32>, vector<1024x128xf32> -> vector<1024x128xf32>
    %mul3A = arith.mulf %dot_general3A_76, %broadcast_in_dim3A_66 : vector<1024x128xf32>
    %swap3A_77 = arith.constant 0 : index
    %swap3A_78 = arith.constant 0 : index
    %swap3A_79 = vector.load %arg5[%swap3A_77, %swap3A_78] : memref<1024x128xf32, #tpu.memory_space<vmem>>, vector<1024x128xf32>
    tpu.vector_store %arg5[%swap3A_77, %swap3A_78], %mul3A {strides = array<i32>} : memref<1024x128xf32, #tpu.memory_space<vmem>>, vector<1024x128xf32>,
    return
  }
  func.func @transform_0(%arg0: i32) -> (i32, i32, i32) {
    %c0_i32 = arith.constant 0 : i32
    %c0_i32_0 = arith.constant 0 : i32
    %c0_i32_1 = arith.constant 0 : i32
    return %c0_i32, %arg0, %c0_i32_0 : i32, i32, i32
  }
  func.func @transform_1(%arg0: i32) -> (i32, i32) {
    %c0_i32 = arith.constant 0 : i32
    %c0_i32_0 = arith.constant 0 : i32
    return %arg0, %c0_i32 : i32, i32
  }
  func.func @transform_2(%arg0: i32) -> (i32, i32) {
    %c0_i32 = arith.constant 0 : i32
    %c0_i32_0 = arith.constant 0 : i32
    %c0_i32_1 = arith.constant 0 : i32
    return %c0_i32, %c0_i32_0 : i32, i32
  }
  func.func @transform_3(%arg0: i32) -> (i32, i32) {
    %c0_i32 = arith.constant 0 : i32
    %c0_i32_0 = arith.constant 0 : i32
    return %arg0, %c0_i32 : i32, i32
  }
  func.func @transform_4(%arg0: i32) -> (i32, i32) {
    %c0_i32 = arith.constant 0 : i32
    %c0_i32_0 = arith.constant 0 : i32
    return %arg0, %c0_i32 : i32, i32
  }
}

module attributes {stable_mosaic.version = 14 : i64} {
  func.func @_mid_body(%arg0: i32, %arg1: memref<2x1024x128xf32, #tpu.memory_space<vmem>>, %arg2: memref<1024x128xf32, #tpu.memory_space<vmem>>, %arg3: memref<128x128xf32, #tpu.memory_space<vmem>>, %arg4: memref<1x128xf32, #tpu.memory_space<vmem>>, %arg5: memref<1024x128xf32, #tpu.memory_space<vmem>>) attributes {dimension_semantics = [#tpu.dimension_semantics<arbitrary>], iteration_bounds = array<i64: 10>, scalar_prefetch = 0 : i64, scratch_operands = 0 : i64, tpu.core_type = #tpu.core_type<tc>, window_params = [{transform_indices = @transform_0, window_bounds = array<i64: 2, 1024, 128>}, {transform_indices = @transform_1, window_bounds = array<i64: 1024, 128>}, {pipeline_mode = #tpu.pipeline_mode<synchronous>, transform_indices = @transform_2, window_bounds = array<i64: 128, 128>}, {pipeline_mode = #tpu.pipeline_mode<synchronous>, transform_indices = @transform_3, window_bounds = array<i64: 1, 128>}, {transform_indices = @transform_4, window_bounds = array<i64: 1024, 128>}]} {
    %get3A = arith.constant 0 : index
    %get3A_0 = arith.constant 0 : index
    %get3A_1 = vector.load %arg2[%get3A, %get3A_0] : memref<1024x128xf32, #tpu.memory_space<vmem>>, vector<1024x128xf32>
    %get3A_2 = arith.constant 0 : index
    %get3A_3 = arith.constant 0 : index
    %get3A_4 = arith.constant 0 : index
    %get3A_5 = vector.load %arg1[%get3A_2, %get3A_3, %get3A_4] : memref<2x1024x128xf32, #tpu.memory_space<vmem>>, vector<1x1024x128xf32>
    %get3A_6 = vector.shape_cast %get3A_5 : vector<1x1024x128xf32> to vector<1024x128xf32>
    %get3A_7 = arith.constant 1 : index
    %get3A_8 = arith.constant 0 : index
    %get3A_9 = arith.constant 0 : index
    %get3A_10 = vector.load %arg1[%get3A_7, %get3A_8, %get3A_9] : memref<2x1024x128xf32, #tpu.memory_space<vmem>>, vector<1x1024x128xf32>
    %get3A_11 = vector.shape_cast %get3A_10 : vector<1x1024x128xf32> to vector<1024x128xf32>
    %add3A = arith.addf %get3A_6, %get3A_11 : vector<1024x128xf32>
    %mul3A = arith.mulf %add3A, %get3A_1 : vector<1024x128xf32>
    %get3A_12 = arith.constant 0 : index
    %get3A_13 = arith.constant 0 : index
    %get3A_14 = vector.load %arg4[%get3A_12, %get3A_13] : memref<1x128xf32, #tpu.memory_space<vmem>>, vector<1x128xf32>
    %add3A_15 = vector.broadcast %get3A_14 : vector<1x128xf32> to vector<1024x128xf32>
    %add3A_16 = arith.addf %mul3A, %add3A_15 : vector<1024x128xf32>
    %max3A = arith.constant 0.000000e+00 : f32
    %max3A_17 = vector.broadcast %max3A : f32 to vector<1024x128xf32>
    %max3A_18 = arith.maximumf %add3A_16, %max3A_17 : vector<1024x128xf32>
    %get3A_19 = arith.constant 0 : index
    %get3A_20 = arith.constant 0 : index
    %get3A_21 = vector.load %arg3[%get3A_19, %get3A_20] : memref<128x128xf32, #tpu.memory_space<vmem>>, vector<128x128xf32>
    %dot_general3A = arith.constant dense<0.000000e+00> : vector<1024x128xf32>
    %dot_general3A_22 = tpu.matmul %max3A_18, %get3A_21, %dot_general3A {dimension_numbers = #tpu.dot_dimension_numbers<[1], [0], [0], [1], [0, 0, 1, 1], [], []>, transpose_lhs_hint = false} : vector<1024x128xf32>, vector<128x128xf32>, vector<1024x128xf32> -> vector<1024x128xf32>
    %mul3A_23 = arith.mulf %dot_general3A_22, %get3A_1 : vector<1024x128xf32>
    %swap3A = arith.constant 0 : index
    %swap3A_24 = arith.constant 0 : index
    %swap3A_25 = vector.load %arg5[%swap3A, %swap3A_24] : memref<1024x128xf32, #tpu.memory_space<vmem>>, vector<1024x128xf32>
    tpu.vector_store %arg5[%swap3A, %swap3A_24], %mul3A_23 {strides = array<i32>} : memref<1024x128xf32, #tpu.memory_space<vmem>>, vector<1024x128xf32>,
    return
  }
  func.func @transform_0(%arg0: i32) -> (i32, i32, i32) {
    %c0_i32 = arith.constant 0 : i32
    %c0_i32_0 = arith.constant 0 : i32
    %c0_i32_1 = arith.constant 0 : i32
    return %c0_i32, %arg0, %c0_i32_0 : i32, i32, i32
  }
  func.func @transform_1(%arg0: i32) -> (i32, i32) {
    %c0_i32 = arith.constant 0 : i32
    %c0_i32_0 = arith.constant 0 : i32
    return %arg0, %c0_i32 : i32, i32
  }
  func.func @transform_2(%arg0: i32) -> (i32, i32) {
    %c0_i32 = arith.constant 0 : i32
    %c0_i32_0 = arith.constant 0 : i32
    %c0_i32_1 = arith.constant 0 : i32
    return %c0_i32, %c0_i32_0 : i32, i32
  }
  func.func @transform_3(%arg0: i32) -> (i32, i32) {
    %c0_i32 = arith.constant 0 : i32
    %c0_i32_0 = arith.constant 0 : i32
    %c0_i32_1 = arith.constant 0 : i32
    return %c0_i32, %c0_i32_0 : i32, i32
  }
  func.func @transform_4(%arg0: i32) -> (i32, i32) {
    %c0_i32 = arith.constant 0 : i32
    %c0_i32_0 = arith.constant 0 : i32
    return %arg0, %c0_i32 : i32, i32
  }
}

module attributes {stable_mosaic.version = 14 : i64} {
  func.func @_final_body(%arg0: i32, %arg1: memref<2x1000x128xf32, #tpu.memory_space<vmem>>, %arg2: memref<1000x128xf32, #tpu.memory_space<vmem>>, %arg3: memref<1x128xf32, #tpu.memory_space<vmem>>, %arg4: memref<1000x128xf32, #tpu.memory_space<vmem>>) attributes {dimension_semantics = [#tpu.dimension_semantics<arbitrary>], iteration_bounds = array<i64: 10>, scalar_prefetch = 0 : i64, scratch_operands = 0 : i64, tpu.core_type = #tpu.core_type<tc>, window_params = [{transform_indices = @transform_0, window_bounds = array<i64: 2, 1000, 128>}, {transform_indices = @transform_1, window_bounds = array<i64: 1000, 128>}, {pipeline_mode = #tpu.pipeline_mode<synchronous>, transform_indices = @transform_2, window_bounds = array<i64: 1, 128>}, {transform_indices = @transform_3, window_bounds = array<i64: 1000, 128>}]} {
    %get3A = arith.constant 0 : index
    %get3A_0 = arith.constant 0 : index
    %get3A_1 = arith.constant 0 : index
    %get3A_2 = vector.load %arg1[%get3A, %get3A_0, %get3A_1] : memref<2x1000x128xf32, #tpu.memory_space<vmem>>, vector<1x1000x128xf32>
    %get3A_3 = vector.shape_cast %get3A_2 : vector<1x1000x128xf32> to vector<1000x128xf32>
    %get3A_4 = arith.constant 1 : index
    %get3A_5 = arith.constant 0 : index
    %get3A_6 = arith.constant 0 : index
    %get3A_7 = vector.load %arg1[%get3A_4, %get3A_5, %get3A_6] : memref<2x1000x128xf32, #tpu.memory_space<vmem>>, vector<1x1000x128xf32>
    %get3A_8 = vector.shape_cast %get3A_7 : vector<1x1000x128xf32> to vector<1000x128xf32>
    %add3A = arith.addf %get3A_3, %get3A_8 : vector<1000x128xf32>
    %get3A_9 = arith.constant 0 : index
    %get3A_10 = arith.constant 0 : index
    %get3A_11 = vector.load %arg2[%get3A_9, %get3A_10] : memref<1000x128xf32, #tpu.memory_space<vmem>>, vector<1000x128xf32>
    %mul3A = arith.mulf %add3A, %get3A_11 : vector<1000x128xf32>
    %get3A_12 = arith.constant 0 : index
    %get3A_13 = arith.constant 0 : index
    %get3A_14 = vector.load %arg3[%get3A_12, %get3A_13] : memref<1x128xf32, #tpu.memory_space<vmem>>, vector<1x128xf32>
    %add3A_15 = vector.broadcast %get3A_14 : vector<1x128xf32> to vector<1000x128xf32>
    %add3A_16 = arith.addf %mul3A, %add3A_15 : vector<1000x128xf32>
    %swap3A = arith.constant 0 : index
    %swap3A_17 = arith.constant 0 : index
    %swap3A_18 = vector.load %arg4[%swap3A, %swap3A_17] : memref<1000x128xf32, #tpu.memory_space<vmem>>, vector<1000x128xf32>
    tpu.vector_store %arg4[%swap3A, %swap3A_17], %add3A_16 {strides = array<i32>} : memref<1000x128xf32, #tpu.memory_space<vmem>>, vector<1000x128xf32>,
    return
  }
  func.func @transform_0(%arg0: i32) -> (i32, i32, i32) {
    %c0_i32 = arith.constant 0 : i32
    %c0_i32_0 = arith.constant 0 : i32
    %c0_i32_1 = arith.constant 0 : i32
    return %c0_i32, %arg0, %c0_i32_0 : i32, i32, i32
  }
  func.func @transform_1(%arg0: i32) -> (i32, i32) {
    %c0_i32 = arith.constant 0 : i32
    %c0_i32_0 = arith.constant 0 : i32
    return %arg0, %c0_i32 : i32, i32
  }
  func.func @transform_2(%arg0: i32) -> (i32, i32) {
    %c0_i32 = arith.constant 0 : i32
    %c0_i32_0 = arith.constant 0 : i32
    %c0_i32_1 = arith.constant 0 : i32
    return %c0_i32, %c0_i32_0 : i32, i32
  }
  func.func @transform_3(%arg0: i32) -> (i32, i32) {
    %c0_i32 = arith.constant 0 : i32
    %c0_i32_0 = arith.constant 0 : i32
    return %arg0, %c0_i32 : i32, i32
  }
}

</mosaic_0001>

<sc_bundles>
// kernel: kernel.11.cloned.1.call-start
scs
__scs_entry_jumppad:
0x0: {  	(pc) =	sbr.rel $0x88, $3  }
0x1: {  	(tag) =	ssettag $0x0;
	lr =	simm.s32 $0x1  }
0x2: {  	[smem:$0x3F9B] =	sst lr;
	_ =	strace $0xD0000000  }
0x3: {  	_ = 	snop  }
0x4: {  	_ = 	snop  }
0x5: {  	_ = 	snop  }
0x6: {  	_ = 	snop  }
0x7: {  	_ = 	snop  }
__scs_overlays_trampoline_lowered:
0x8: {  	[smem:$0x3FAA] =	sst s0  }
0x9: {  	[smem:$0x3FAB] =	sst s1  }
0xa: {  	[smem:$0x3FAC] =	sst s2  }
0xb: {  	[smem:$0x3FAD] =	sst s3  }
0xc: {  	[smem:$0x3FAE] =	sst s4  }
0xd: {  	[smem:$0x3FAF] =	sst s5  }
0xe: {  	[smem:$0x3FB0] =	sst s6  }
0xf: {  	[smem:$0x3FB1] =	sst s7  }
0x10: {  	[smem:$0x3FB2] =	sst s8  }
0x11: {  	[smem:$0x3FB3] =	sst s9;
	s0 =	simm.s32 @!p0 $0x0  }
0x12: {  	s1 =	sld [smem:$0x3F99];
	s0 =	simm.s32 @p0 $0x1  }
0x13: {  	[smem:$0x3FB4] =	sst s0;
	s0 =	simm.s32 @!p1 $0x0  }
0x14: {  	s2 =	sld [smem:$0x3F98];
	s0 =	simm.s32 @p1 $0x1  }
0x15: {  	[smem:$0x3FB5] =	sst s0;
	s0 =	simm.s32 @!p2 $0x0  }
0x16: {  	s3 =	sld [smem:$0x3FDB];
	s0 =	simm.s32 @p2 $0x1  }
0x17: {  	s4 =	simm.s32 $0x1BF5;
	[smem:$0x3FB7] =	sst s0  }
0x18: {  	s0 =	sld [smem:$0x3F9A];
	_ =	swait.ge [sflag:s4], $0x0  }
0x19: {  	s7 =	sld [smem:$0x3F9B]  }
0x1a: {  	s8 =	sadd.s32 $0xFFFFE003, lr  }
0x1b: {  	s9 =	sadd.s32 $0xFFFFFEF7, lr;
	s5 =	simm.s32 $0xFFFFFFFF;
	p2 =	slt.u32 s8, $0xFFFFF086  }
0x1c: {  	p1 =	slt.u32 s9, $0xF7A;
	s5 =	simm.s32 @!p2 $0x0  }
0x1d: {  	s5 =	simm.s32 @p1 $0x1;
	p0 =	seq.s32 s7, s2  }
0x1e: {  	s7 =	smul.u32 @!p0 $0xF7A, s2;
	p2 =	seq.s32 @!p0 s5, $0x0  }
0x1f: {  	s9 =	smul.u32 $0xF7A, s1;
	s8 =	simm.s32 @!p0 $0x1BF5;
	p2 =	por !p2, p0  }
0x20: {  	[sflag:s8] =	ssyncset.s32 @!p0 $0xFFFFF086;
	s6 =	sadd.s32 @!p0 s3, s7;
	s7 =	simm.s32 @!p0 $0x108  }
0x21: {  	s3 =	sadd.s32 s3, s9;
	s6 =	sadd.s32 @!p0 $0x88, s6;
	s7 =	simm.s32 @p2 $0x1082  }
0x22: {  	[simem:s7], [sflag:s8] =	dma.local @!p0 [hbm:s6], $0xF7A  }
0x23: {  	s9 =	sor.u32 $0xD0000000, s2;
	s6 =	simm.s32 $0x108;
	_ =	swait.ge @!p0 [sflag:s8], $0x0  }
0x24: {  	s3 =	sadd.s32 $0x88, s3;
	s6 =	simm.s32 @!p1 $0x1082;
	[sflag:s4] =	ssyncset.s32 $0xFFFFF086  }
0x25: {  	[simem:s6], [sflag:s4] =	dma.local [hbm:s3], $0xF7A  }
0x26: {  	[smem:$0x3F9B] =	sst s1;
	(tag) =	ssettag s2;
	_ =	strace s9  }
0x27: {  	s1 =	sld [smem:$0x3FAB]  }
0x28: {  	s2 =	sld [smem:$0x3FAC]  }
0x29: {  	s4 =	sld [smem:$0x3FAE]  }
0x2a: {  	p0 =	seq.s32 s5, $0x0;
	s5 =	sld [smem:$0x3FAF]  }
0x2b: {  	s6 =	sld [smem:$0x3FB0]  }
0x2c: {  	s7 =	sld [smem:$0x3FB1]  }
0x2d: {  	s3 =	simm.s32 $0x108;
	s8 =	sld [smem:$0x3FB2]  }
0x2e: {  	s3 =	simm.s32 @!p0 $0x1082;
	s9 =	sld [smem:$0x3FB3]  }
0x2f: {  	lr =	sadd.s32 s0, s3;
	s0 =	sld [smem:$0x3FAA]  }
0x30: {  	s3 =	sld [smem:$0x3FAD]  }
0x31: {  	[smem:$0x3FB6] =	sst s10  }
0x32: {  	s10 =	sld [smem:$0x3FB4];
	_ =	sdelay $0x3  }
0x33: {  	p0 =	seq.s32 s10, $0x1;
	s10 =	sld [smem:$0x3FB6];
	_ =	sdelay $0x3  }
0x34: {  	[smem:$0x3FB6] =	sst s10  }
0x35: {  	s10 =	sld [smem:$0x3FB5];
	_ =	sdelay $0x3  }
0x36: {  	p1 =	seq.s32 s10, $0x1;
	s10 =	sld [smem:$0x3FB6];
	_ =	sdelay $0x3  }
0x37: {  	[smem:$0x3FB6] =	sst s10  }
0x38: {  	s10 =	sld [smem:$0x3FB7]  }
0x39: {  	_ = 	snop;
	(pc) =	sbr.ind lr, $3  }
0x3a: {  	_ = 	snop  }
0x3b: {  	_ = 	snop  }
0x3c: {  	p2 =	seq.s32 s10, $0x1;
	s10 =	sld [smem:$0x3FB6]  }
0x3d: {  	_ =	shalt  }
0x3e: {  	_ =	shalt  }
0x3f: {  	_ =	shalt  }
0x40: {  	_ =	shalt  }
0x41: {  	_ =	shalt  }
0x42: {  	_ =	shalt  }
0x43: {  	_ =	shalt  }
0x44: {  	_ =	shalt  }
0x45: {  	_ =	shalt  }
0x46: {  	_ =	shalt  }
0x47: {  	_ =	shalt  }
0x48: {  	_ =	shalt  }
0x49: {  	_ =	shalt  }
0x4a: {  	_ =	shalt  }
0x4b: {  	_ =	shalt  }
0x4c: {  	_ =	shalt  }
0x4d: {  	_ =	shalt  }
0x4e: {  	_ =	shalt  }
0x4f: {  	_ =	shalt  }
0x50: {  	_ =	shalt  }
0x51: {  	_ =	shalt  }
0x52: {  	_ =	shalt  }
0x53: {  	_ =	shalt  }
0x54: {  	_ =	shalt  }
0x55: {  	_ =	shalt  }
0x56: {  	_ =	shalt  }
0x57: {  	_ =	shalt  }
0x58: {  	_ =	shalt  }
0x59: {  	_ =	shalt  }
0x5a: {  	_ =	shalt  }
0x5b: {  	_ =	shalt  }
0x5c: {  	_ =	shalt  }
0x5d: {  	_ =	shalt  }
0x5e: {  	_ =	shalt  }
0x5f: {  	_ =	shalt  }
0x60: {  	_ =	shalt  }
0x61: {  	_ =	shalt  }
0x62: {  	_ =	shalt  }
0x63: {  	_ =	shalt  }
0x64: {  	_ =	shalt  }
0x65: {  	_ =	shalt  }
0x66: {  	_ =	shalt  }
0x67: {  	_ =	shalt  }
0x68: {  	_ =	shalt  }
0x69: {  	_ =	shalt  }
0x6a: {  	_ =	shalt  }
0x6b: {  	_ =	shalt  }
0x6c: {  	_ =	shalt  }
0x6d: {  	_ =	shalt  }
0x6e: {  	_ =	shalt  }
0x6f: {  	_ =	shalt  }
0x70: {  	_ =	shalt  }
0x71: {  	_ =	shalt  }
0x72: {  	_ =	shalt  }
0x73: {  	_ =	shalt  }
0x74: {  	_ =	shalt  }
0x75: {  	_ =	shalt  }
0x76: {  	_ =	shalt  }
0x77: {  	_ =	shalt  }
0x78: {  	_ =	shalt  }
0x79: {  	_ =	shalt  }
0x7a: {  	_ =	shalt  }
0x7b: {  	_ =	shalt  }
0x7c: {  	_ =	shalt  }
0x7d: {  	_ =	shalt  }
0x7e: {  	_ =	shalt  }
0x7f: {  	_ =	shalt  }
0x80: {  	_ =	shalt  }
0x81: {  	_ =	shalt  }
0x82: {  	_ =	shalt  }
0x83: {  	_ =	shalt  }
0x84: {  	_ =	shalt  }
0x85: {  	_ =	shalt  }
0x86: {  	_ =	shalt  }
0x87: {  	_ =	shalt  }
.Lfunc_end0:
.L_simem_size_0:
called_computation.1_lowered:
.L_overlay_start_0:
0x88: {  	s2 =	sld [smem:$0x3FD9]  }
0x89: {  	s3 =	sld [smem:$0x3FFE];
	_ =	sdelay $0x1  }
0x8a: {  	s1 =	srdreg.scid  }
0x8b: {  	s0 =	sand.u32 $0x1, s1  }
0x8c: {  	s17 =	sshll.u32 s0, $0xA;
	s2 =	sadd.s32 s3, s2  }
0x8d: {  	s2 =	sadd.s32 s2, s17  }
0x8e: {  	[smem:$0x3FC2] =	sst s2  }
0x8f: {  	_ = 	snop  }
0x90: {  	s2 =	sld [smem:$0x3FD0];
	(tm) =	ssettm $0x1  }
0x91: {  	s18 =	sld [smem:$0x3FFB];
	_ =	sdelay $0x3  }
0x92: {  	_ =	strace s18  }
0x93: {  	s3 =	sld [smem:$0x3FFC];
	_ =	sdelay $0x3  }
0x94: {  	_ =	strace s3  }
0x95: {  	s3 =	sld [smem:$0x3FFD];
	_ =	sdelay $0x3  }
0x96: {  	_ =	strace s3  }
0x97: {  	_ =	strace $0x8FFFFFFF  }
0x98: {  	s19 =	sld [smem:$0x3FDB];
	_ =	sdelay $0x1  }
0x99: {  	s4 =	simm.s32 $_scs_section_size  }
0x9a: {  	s5 =	simm.s32 $_size__tile_overlayer_lowered;
	s6 =	simm.s32 $_tile_overlayer_lowered  }
0x9b: {  	s22 =	simm.s32 $0x1BFF;
	s21 =	sshll.u32 s6, $0x1;
	s3 =	sadd.s32 s4, s19  }
0x9c: {  	s7 =	simm.s32 $0x0;
	s20 =	sshll.u32 s5, $0x1;
	s5 =	sadd.s32 s21, s3  }
0x9d: {  	[timem:s7], [sflag:s22] =	dma.local [hbm:s5], s20  }
0x9e: {  	_ =	swait.ge [sflag:s22], s20  }
0x9f: {  	s4 =	ssub.s32 $0x0, s20;
	[sflag:s22] =	ssyncset.done $0x0  }
0xa0: {  	[sflag:s22] =	ssyncadd.s32 s4;
	_ =	sdelay $0x1  }
0xa1: {  	s23 =	simm.s32 $0x1B8B  }
0xa2: {  	_ =	swait.ge [sflag:s23], $0x1  }
0xa3: {  	[sflag:s23] =	ssyncset.done $0x0  }
0xa4: {  	s25 =	simm.s32 $0x1B8E;
	s24 =	sld [smem:$0x3FFE];
	[sflag:s23] =	ssyncadd.s32 $0xFFFFFFFF  }
0xa5: {  	s26 =	simm.s32 $execute0_lowered;
	[smem:$0x3FD2] =	sst s25  }
0xa6: {  	s5 =	sshll.u32 s26, $0x1;
	_ =	strace $0x80000049;
	[dreg:$0x1] =	wrdreg $0xFFFFFFFF  }
0xa7: {  	s28 =	simm.s32 $_size_execute0_lowered;
	s3 =	sadd.s32 s3, s5;
	[dreg:$0x0] =	wrdreg $0x0  }
0xa8: {  	s5 =	sshll.u32 s28, $0x1;
	[dreg:$0x2] =	wrdreg s3  }
0xa9: {  	[dreg:$0x3] =	wrdreg s5  }
0xaa: {  	[dreg:$0x4] =	wrdreg $0xC0  }
0xab: {  	_ =	task [dreg:s7], $0x5FFFF  }
0xac: {  	[dreg:$0x1] =	wrdreg $0xFFFFFFFF  }
0xad: {  	[dreg:$0x0] =	wrdreg $0x60  }
0xae: {  	[dreg:$0x2] =	wrdreg s24  }
0xaf: {  	[dreg:$0x3] =	wrdreg s2  }
0xb0: {  	[dreg:$0x4] =	wrdreg $0xB0000  }
0xb1: {  	[dreg:$0x5] =	wrdreg $0x9  }
0xb2: {  	_ =	task.clear_ibuf [dreg:s7], $0x6FFFF;
	_ =	strace $0x90000049  }
0xb3: {  	s29 =	simm.s32 $0x9;
	_ =	strace $0x8000004B  }
0xb4: {  	_ =	swait.ge [sflag:s29], $0x1  }
0xb5: {  	[sflag:s29] =	ssyncadd.s32 $0xFFFFFFFF  }
0xb6: {  	_ =	strace $0x9000004B  }
0xb7: {  	_ =	sfence  }
0xb8: {  	s30 =	sld [smem:$0x0];
	_ =	sdelay $0x2  }
0xb9: {  	s31 =	sshll.u32 s1, $0xD;
	s1 =	sshrl.u32 s1, $0x2  }
0xba: {  	s3 =	sand.u32 $0x4000, s31;
	s1 =	sadd.s32 s1, s30  }
0xbb: {  	s0 =	sor.u32 s3, s0;
	s1 =	sshll.u32 s1, $0x11  }
0xbc: {  	s0 =	sor.u32 s1, s0  }
0xbd: {  	s0 =	sadd.s32 $0x8F2B, s0  }
0xbe: {  	[sflag:s0] =	ssyncadd.remote.s32 $0x1  }
0xbf: {  	_ =	sfence.sel $0xFFFF  }
0xc0: {  	[dreg:$0x0] =	wrdreg $0xFFFFFFFF;
	(pc) =	sbr.abs _section_cstart, $3  }
0xc1: {  	[dreg:$0x1] =	wrdreg $0xFFFFFFFF  }
0xc2: {  	_ =	task.clear_ibuf [dreg:s7], $0x2FFFF;
	_ =	strace $0x9FFFFFFF  }
0xc3: {  	(tm) =	ssettm $0x7FFFFFFF  }
tec
execute0_lowered:
.L_overlay_start_1:
0x0: {  	(tag) =	ssettag $0x1  }
0x1: {  	s0 =	rddreg [dreg:$0x0]  }
0x2: {  	s3 =	rddreg [dreg:$0x1]  }
0x3: {  	s1 =	rddreg [dreg:$0x2]  }
0x4: {  	s2 =	simm.s32 $0x0;
	s4 =	srdreg.scid;
	s15 =	stileid.u32  }
0x5: {  	s16 =	simm.s32 $0x8000;
	s17 =	simm.s32 $0x9800;
	s18 =	simm.s32 $0x40  }
0x6: {  	s19 =	simm.s32 $0x8040;
	s20 =	simm.s32 $0x2000;
	s21 =	simm.s32 $0x8080  }
0x7: {  	s22 =	simm.s32 $0x4000;
	s23 =	simm.s32 $0x80C0;
	s28 =	simm.s32 $0x80  }
0x8: {  	s29 =	simm.s32 $0x2;
	s30 =	simm.s32 $0x0;
	[smem:$0x7FF] =	sst s2  }
0x9: {  	s5 =	sand.u32 $0x1, s4;
	s4 =	sadd.s32 $0xDA00, s0;
	s7 =	smul.u32 $0x50000, s15  }
0xa: {  	s12 =	sadd.s32 $0x2A00, s0;
	s8 =	sshll.u32 s15, $0x1;
	s31 =	smul.u32 $0x2800, s15  }
0xb: {  	s15 =	simm.s32 $0x3;
	s6 =	smul.u32 $0x28000, s5;
	s8 =	sor.u32 s5, s8  }
0xc: {  	_ =	strace $0x8000004A;
	s25 =	ssub.s32 $0x2, s5;
	s10 =	smul.u32 $0x2C00, s8  }
0xd: {  	s9 =	sshrl.u32 s25, $0x1;
	s26 =	sshrl.u32 s7, $0x2;
	s11 =	smul.u32 $0x580, s8  }
0xe: {  	s0 =	sadd.s32 s6, s0;
	s14 =	ssub.s32 s25, s9;
	s5 =	sadd.s32 s26, s1  }
0xf: {  	s25 =	simm.s32 $0x6000;
	s26 =	simm.s32 $0x1;
	s6 =	sadd.s32 $0x4000, s5  }
0x10: {  	s7 =	sadd.s32 $0x8000, s5;
	s8 =	sadd.s32 $0xC000, s5;
	s9 =	sadd.s32 $0x10000, s5  }
0x11: {  	s13 =	sshrl.u32 s10, $0x3;
	s10 =	sadd.s32 s12, s11;
	s11 =	sadd.s32 s3, s11  }
0x12: {  	s0 =	sadd.s32 $0x35A00, s0;
	s14 =	smax.u32 s14, $0x1;
	s13 =	sadd.s32 $0x300, s13  }
0x13: {  	v0 =	vimm.f32 $0.0e+00;
	s24 =	sadd.s32 s31, s0;
	s12 =	sadd.s32 s12, s13;
	s13 =	sadd.s32 s3, s13  }
.LBB2_1:
0x14: {  	s31 =	simm.s32 $0x0;
	s0 =	simm.s32 $0x200  }
.LBB2_2:
0x15: {  	p0 =	sne.s32 s0, $0xFE00;
	[tilespmem:s31+$0x70] =	vst v0  }
0x16: {  	[tilespmem:s31+$0x0] =	vst v0  }
0x17: {  	[tilespmem:s31+$0x10] =	vst v0  }
.Ltmp0:
0x18: {  	[tilespmem:s31+$0x20] =	vst v0;
	(pc) =	sbr.rel @p0 .LBB2_2-.Ltmp0, $4  }
0x19: {  	[tilespmem:s31+$0x30] =	vst v0  }
0x1a: {  	[tilespmem:s31+$0x40] =	vst v0  }
0x1b: {  	[tilespmem:s31+$0x50] =	vst v0  }
0x1c: {  	[tilespmem:s31+$0x60] =	vst v0;
	s31 =	sshra.s32 s0, $0x2;
	s0 =	sadd.s32 $0x200, s0  }
0x1d: {  	[tilespmem:s31+$0x70] =	vst v0  }
0x1e: {  	[tilespmem:s31+$0x0] =	vst v0  }
0x1f: {  	[tilespmem:s31+$0x10] =	vst v0  }
0x20: {  	[tilespmem:s31+$0x20] =	vst v0  }
0x21: {  	[tilespmem:s31+$0x30] =	vst v0  }
0x22: {  	[tilespmem:s31+$0x40] =	vst v0  }
0x23: {  	[tilespmem:s31+$0x50] =	vst v0  }
0x24: {  	[tilespmem:s31+$0x60] =	vst v0;
	s0 =	simm.s32 $0x0  }
0x25: {  	[spmem:s5] =	stream.linear.scatter [tilespmem:s0], [sflag:$0x3], $0x4000, $0x38;
	[tilespmem:$0x1F000] =	vst v63  }
0x26: {  	_ =	swait.ge [sflag:s15], $0x4000  }
0x27: {  	[sflag:s15] =	ssyncset.done $0x0  }
0x28: {  	[sflag:s15] =	ssyncadd.s32 $0xFFFFC000  }
0x29: {  	[spmem:s6] =	stream.linear.scatter [tilespmem:s0], [sflag:$0x3], $0x4000, $0x38;
	[tilespmem:$0x1F000] =	vst v63  }
0x2a: {  	_ =	swait.ge [sflag:s15], $0x4000  }
0x2b: {  	[sflag:s15] =	ssyncset.done $0x0  }
0x2c: {  	[sflag:s15] =	ssyncadd.s32 $0xFFFFC000  }
0x2d: {  	[spmem:s7] =	stream.linear.scatter [tilespmem:s0], [sflag:$0x3], $0x4000, $0x38;
	[tilespmem:$0x1F000] =	vst v63  }
0x2e: {  	_ =	swait.ge [sflag:s15], $0x4000  }
0x2f: {  	[sflag:s15] =	ssyncset.done $0x0  }
0x30: {  	[sflag:s15] =	ssyncadd.s32 $0xFFFFC000  }
0x31: {  	[spmem:s8] =	stream.linear.scatter [tilespmem:s0], [sflag:$0x3], $0x4000, $0x38;
	[tilespmem:$0x1F000] =	vst v63  }
0x32: {  	_ =	swait.ge [sflag:s15], $0x4000  }
0x33: {  	[sflag:s15] =	ssyncset.done $0x0  }
0x34: {  	[sflag:s15] =	ssyncadd.s32 $0xFFFFC000  }
0x35: {  	[spmem:s9] =	stream.linear.scatter [tilespmem:s0], [sflag:$0x3], $0x4000, $0x38;
	[tilespmem:$0x1F000] =	vst v63  }
0x36: {  	_ =	swait.ge [sflag:s15], $0x4000  }
0x37: {  	[sflag:s15] =	ssyncset.done $0x0  }
0x38: {  	[sflag:s15] =	ssyncadd.s32 $0xFFFFC000  }
0x39: {  	[tilespmem:s16], [sflag:$0x3] =	stream.linear.gather [hbm4b:s10+s0], $0x1800, $0x38;
	[tilespmem:$0x1F000] =	vst v63  }
0x3a: {  	_ =	swait.ge [sflag:s15], $0x1800  }
0x3b: {  	[sflag:s15] =	ssyncset.done $0x0  }
0x3c: {  	[sflag:s15] =	ssyncadd.s32 $0xFFFFE800  }
0x3d: {  	[tilespmem:s17], [sflag:$0x3] =	stream.linear.gather [hbm4b:s11+s0], $0x1800, $0x38;
	[tilespmem:$0x1F000] =	vst v63  }
0x3e: {  	_ =	swait.ge [sflag:s15], $0x1800  }
0x3f: {  	[sflag:s15] =	ssyncset.done $0x0  }
0x40: {  	[sflag:s15] =	ssyncadd.s32 $0xFFFFE800  }
0x41: {  	[tilespmem:s0], [sflag:$0x1] =	stream.indirect.gather [hbm4b:s4+s18], $0x80, s16, s18, $0xb8;
	[tilespmem:$0x1F000] =	vst v63  }
0x42: {  	_ = 	snop  }
0x43: {  	[tilespmem:s20], [sflag:$0x1] =	stream.indirect.gather [hbm4b:s4+s18], $0x80, s19, s18, $0xb8;
	[tilespmem:$0x1F000] =	vst v63  }
0x44: {  	_ = 	snop  }
0x45: {  	[tilespmem:s22], [sflag:$0x2] =	stream.indirect.gather [hbm4b:s4+s18], $0x80, s21, s18, $0xb8;
	[tilespmem:$0x1F000] =	vst v63  }
0x46: {  	_ = 	snop  }
0x47: {  	[tilespmem:s25], [sflag:$0x2] =	stream.indirect.gather [hbm4b:s4+s18], $0x80, s23, s18, $0xb8;
	[tilespmem:$0x1F000] =	vst v63  }
0x48: {  	[bflag:$0x0] =	sbarrier.arrive $0xFFFF  }
0x49: {  	_ =	swait.ge [sflag:s26], $0x4000  }
0x4a: {  	[sflag:s26] =	ssyncset.done $0x0  }
0x4b: {  	s3 =	simm.s32 $0x9800;
	[sflag:s26] =	ssyncadd.s32 $0xFFFFC000  }
0x4c: {  	[spmem:s1] =	stream.indirect.scatter.add.f32 [tilespmem:s2], [sflag:$0x3], $0x80, s3, s28, $0xb8;
	[tilespmem:$0x1F000] =	vst v63  }
0x4d: {  	_ =	swait.ge [sflag:s15], $0x4000  }
0x4e: {  	[sflag:s15] =	ssyncset.done $0x0  }
0x4f: {  	s3 =	simm.s32 $0x8100;
	[sflag:s15] =	ssyncadd.s32 $0xFFFFC000  }
0x50: {  	[tilespmem:s2], [sflag:$0x1] =	stream.indirect.gather [hbm4b:s4+s18], $0x80, s3, s18, $0xb8;
	[tilespmem:$0x1F000] =	vst v63  }
0x51: {  	s3 =	simm.s32 $0x8140  }
0x52: {  	[tilespmem:s20], [sflag:$0x1] =	stream.indirect.gather [hbm4b:s4+s18], $0x80, s3, s18, $0xb8;
	[tilespmem:$0x1F000] =	vst v63  }
0x53: {  	_ =	swait.ge [sflag:s29], $0x4000  }
0x54: {  	[sflag:s29] =	ssyncset.done $0x0  }
0x55: {  	s3 =	simm.s32 $0x9880;
	[sflag:s29] =	ssyncadd.s32 $0xFFFFC000  }
0x56: {  	[spmem:s1] =	stream.indirect.scatter.add.f32 [tilespmem:s22], [sflag:$0x3], $0x80, s3, s28, $0xb8;
	[tilespmem:$0x1F000] =	vst v63  }
0x57: {  	_ =	swait.ge [sflag:s15], $0x4000  }
0x58: {  	s31 =	simm.s32 $0x400;
	[sflag:s15] =	ssyncset.done $0x0  }
0x59: {  	s0 =	simm.s32 $0x81C0;
	s3 =	simm.s32 $0x8180;
	[sflag:s15] =	ssyncadd.s32 $0xFFFFC000  }
0x5a: {  	[tilespmem:s22], [sflag:$0x2] =	stream.indirect.gather [hbm4b:s4+s18], $0x80, s3, s18, $0xb8;
	[tilespmem:$0x1F000] =	vst v63  }
.LBB2_4:
0x5b: {  	[tilespmem:s25], [sflag:$0x2] =	stream.indirect.gather [hbm4b:s4+s18], $0x80, s0, s18, $0xb8;
	[tilespmem:$0x1F000] =	vst v63  }
0x5c: {  	s0 =	smov.u32 s31  }
0x5d: {  	p0 =	sne.s32 s31, $0x5800;
	s31 =	sadd.s32 $0x400, s31;
	_ =	swait.ge [sflag:s26], $0x4000  }
0x5e: {  	s0 =	sshra.s32 s0, $0x2;
	[sflag:s26] =	ssyncset.done $0x0  }
0x5f: {  	s3 =	sadd.s32 $0x9800, s0;
	[sflag:s26] =	ssyncadd.s32 $0xFFFFC000  }
0x60: {  	[spmem:s1] =	stream.indirect.scatter.add.f32 [tilespmem:s2], [sflag:$0x3], $0x80, s3, s28, $0xb8;
	[tilespmem:$0x1F000] =	vst v63  }
0x61: {  	_ =	swait.ge [sflag:s15], $0x4000  }
0x62: {  	[sflag:s15] =	ssyncset.done $0x0  }
0x63: {  	s3 =	sadd.s32 $0x8100, s0;
	[sflag:s15] =	ssyncadd.s32 $0xFFFFC000  }
0x64: {  	[tilespmem:s2], [sflag:$0x1] =	stream.indirect.gather [hbm4b:s4+s18], $0x80, s3, s18, $0xb8;
	[tilespmem:$0x1F000] =	vst v63  }
0x65: {  	s3 =	sadd.s32 $0x8140, s0  }
0x66: {  	[tilespmem:s20], [sflag:$0x1] =	stream.indirect.gather [hbm4b:s4+s18], $0x80, s3, s18, $0xb8;
	[tilespmem:$0x1F000] =	vst v63  }
0x67: {  	_ =	swait.ge [sflag:s29], $0x4000  }
0x68: {  	[sflag:s29] =	ssyncset.done $0x0  }
0x69: {  	s3 =	sadd.s32 $0x9880, s0;
	[sflag:s29] =	ssyncadd.s32 $0xFFFFC000  }
0x6a: {  	[spmem:s1] =	stream.indirect.scatter.add.f32 [tilespmem:s22], [sflag:$0x3], $0x80, s3, s28, $0xb8;
	[tilespmem:$0x1F000] =	vst v63  }
.Ltmp1:
0x6b: {  	_ =	swait.ge [sflag:s15], $0x4000;
	(pc) =	sbr.rel @p0 .LBB2_4-.Ltmp1, $4  }
0x6c: {  	[sflag:s15] =	ssyncset.done $0x0  }
0x6d: {  	s3 =	sadd.s32 $0x8180, s0;
	[sflag:s15] =	ssyncadd.s32 $0xFFFFC000  }
0x6e: {  	[tilespmem:s22], [sflag:$0x2] =	stream.indirect.gather [hbm4b:s4+s18], $0x80, s3, s18, $0xb8;
	[tilespmem:$0x1F000] =	vst v63  }
0x6f: {  	s0 =	sadd.s32 $0x81C0, s0  }
0x70: {  	[tilespmem:s25], [sflag:$0x2] =	stream.indirect.gather [hbm4b:s4+s18], $0x80, s0, s18, $0xb8;
	[tilespmem:$0x1F000] =	vst v63  }
0x71: {  	_ =	swait.ge [sflag:s26], $0x4000  }
0x72: {  	[sflag:s26] =	ssyncset.done $0x0  }
0x73: {  	s0 =	simm.s32 $0x0;
	s3 =	simm.s32 $0xAF00;
	[sflag:s26] =	ssyncadd.s32 $0xFFFFC000  }
0x74: {  	[spmem:s1] =	stream.indirect.scatter.add.f32 [tilespmem:s0], [sflag:$0x3], $0x80, s3, s28, $0xb8;
	[tilespmem:$0x1F000] =	vst v63  }
0x75: {  	_ =	swait.ge [sflag:s15], $0x4000  }
0x76: {  	[sflag:s15] =	ssyncset.done $0x0  }
0x77: {  	[sflag:s15] =	ssyncadd.s32 $0xFFFFC000  }
0x78: {  	_ =	swait.ge [sflag:s29], $0x4000  }
0x79: {  	[sflag:s29] =	ssyncset.done $0x0  }
0x7a: {  	s3 =	simm.s32 $0xAF80;
	[sflag:s29] =	ssyncadd.s32 $0xFFFFC000  }
0x7b: {  	[spmem:s1] =	stream.indirect.scatter.add.f32 [tilespmem:s22], [sflag:$0x3], $0x80, s3, s28, $0xb8;
	[tilespmem:$0x1F000] =	vst v63  }
0x7c: {  	_ =	swait.ge [sflag:s15], $0x4000  }
0x7d: {  	[sflag:s15] =	ssyncset.done $0x0  }
0x7e: {  	[sflag:s15] =	ssyncadd.s32 $0xFFFFC000  }
0x7f: {  	[tilespmem:s16], [sflag:$0x3] =	stream.linear.gather [hbm4b:s12+s0], $0x1400, $0x38;
	[tilespmem:$0x1F000] =	vst v63  }
0x80: {  	_ =	swait.ge [sflag:s15], $0x1400  }
0x81: {  	[sflag:s15] =	ssyncset.done $0x0  }
0x82: {  	[sflag:s15] =	ssyncadd.s32 $0xFFFFEC00  }
0x83: {  	[tilespmem:s17], [sflag:$0x3] =	stream.linear.gather [hbm4b:s13+s0], $0x1400, $0x38;
	[tilespmem:$0x1F000] =	vst v63  }
0x84: {  	_ =	swait.ge [sflag:s15], $0x1400  }
0x85: {  	[sflag:s15] =	ssyncset.done $0x0  }
0x86: {  	[sflag:s15] =	ssyncadd.s32 $0xFFFFEC00  }
0x87: {  	[tilespmem:s0], [sflag:$0x1] =	stream.indirect.gather [hbm4b:s4+s18], $0x80, s16, s18, $0xb8;
	[tilespmem:$0x1F000] =	vst v63  }
0x88: {  	_ = 	snop  }
0x89: {  	[tilespmem:s20], [sflag:$0x1] =	stream.indirect.gather [hbm4b:s4+s18], $0x80, s19, s18, $0xb8;
	[tilespmem:$0x1F000] =	vst v63  }
0x8a: {  	_ = 	snop  }
0x8b: {  	[tilespmem:s22], [sflag:$0x2] =	stream.indirect.gather [hbm4b:s4+s18], $0x80, s21, s18, $0xb8;
	[tilespmem:$0x1F000] =	vst v63  }
0x8c: {  	_ = 	snop  }
0x8d: {  	[tilespmem:s25], [sflag:$0x2] =	stream.indirect.gather [hbm4b:s4+s18], $0x80, s23, s18, $0xb8;
	[tilespmem:$0x1F000] =	vst v63  }
0x8e: {  	_ =	swait.ge [sflag:s26], $0x4000  }
0x8f: {  	[sflag:s26] =	ssyncset.done $0x0  }
0x90: {  	s3 =	simm.s32 $0x9800;
	[sflag:s26] =	ssyncadd.s32 $0xFFFFC000  }
0x91: {  	[spmem:s1] =	stream.indirect.scatter.add.f32 [tilespmem:s2], [sflag:$0x3], $0x80, s3, s28, $0xb8;
	[tilespmem:$0x1F000] =	vst v63  }
0x92: {  	_ =	swait.ge [sflag:s15], $0x4000  }
0x93: {  	[sflag:s15] =	ssyncset.done $0x0  }
0x94: {  	s3 =	simm.s32 $0x8100;
	[sflag:s15] =	ssyncadd.s32 $0xFFFFC000  }
0x95: {  	[tilespmem:s2], [sflag:$0x1] =	stream.indirect.gather [hbm4b:s4+s18], $0x80, s3, s18, $0xb8;
	[tilespmem:$0x1F000] =	vst v63  }
0x96: {  	s3 =	simm.s32 $0x8140  }
0x97: {  	[tilespmem:s20], [sflag:$0x1] =	stream.indirect.gather [hbm4b:s4+s18], $0x80, s3, s18, $0xb8;
	[tilespmem:$0x1F000] =	vst v63  }
0x98: {  	_ =	swait.ge [sflag:s29], $0x4000  }
0x99: {  	[sflag:s29] =	ssyncset.done $0x0  }
0x9a: {  	s3 =	simm.s32 $0x9880;
	[sflag:s29] =	ssyncadd.s32 $0xFFFFC000  }
0x9b: {  	[spmem:s1] =	stream.indirect.scatter.add.f32 [tilespmem:s22], [sflag:$0x3], $0x80, s3, s28, $0xb8;
	[tilespmem:$0x1F000] =	vst v63  }
0x9c: {  	_ =	swait.ge [sflag:s15], $0x4000  }
0x9d: {  	s31 =	simm.s32 $0x400;
	[sflag:s15] =	ssyncset.done $0x0  }
0x9e: {  	s0 =	simm.s32 $0x81C0;
	s3 =	simm.s32 $0x8180;
	[sflag:s15] =	ssyncadd.s32 $0xFFFFC000  }
0x9f: {  	[tilespmem:s22], [sflag:$0x2] =	stream.indirect.gather [hbm4b:s4+s18], $0x80, s3, s18, $0xb8;
	[tilespmem:$0x1F000] =	vst v63  }
.LBB2_6:
0xa0: {  	[tilespmem:s25], [sflag:$0x2] =	stream.indirect.gather [hbm4b:s4+s18], $0x80, s0, s18, $0xb8;
	[tilespmem:$0x1F000] =	vst v63  }
0xa1: {  	s0 =	smov.u32 s31  }
0xa2: {  	p0 =	sne.s32 s31, $0x3C00;
	s31 =	sadd.s32 $0x400, s31;
	_ =	swait.ge [sflag:s26], $0x4000  }
0xa3: {  	s0 =	sshra.s32 s0, $0x2;
	[sflag:s26] =	ssyncset.done $0x0  }
0xa4: {  	s3 =	sadd.s32 $0x9800, s0;
	[sflag:s26] =	ssyncadd.s32 $0xFFFFC000  }
0xa5: {  	[spmem:s1] =	stream.indirect.scatter.add.f32 [tilespmem:s2], [sflag:$0x3], $0x80, s3, s28, $0xb8;
	[tilespmem:$0x1F000] =	vst v63  }
0xa6: {  	_ =	swait.ge [sflag:s15], $0x4000  }
0xa7: {  	[sflag:s15] =	ssyncset.done $0x0  }
0xa8: {  	s3 =	sadd.s32 $0x8100, s0;
	[sflag:s15] =	ssyncadd.s32 $0xFFFFC000  }
0xa9: {  	[tilespmem:s2], [sflag:$0x1] =	stream.indirect.gather [hbm4b:s4+s18], $0x80, s3, s18, $0xb8;
	[tilespmem:$0x1F000] =	vst v63  }
0xaa: {  	s3 =	sadd.s32 $0x8140, s0  }
0xab: {  	[tilespmem:s20], [sflag:$0x1] =	stream.indirect.gather [hbm4b:s4+s18], $0x80, s3, s18, $0xb8;
	[tilespmem:$0x1F000] =	vst v63  }
0xac: {  	_ =	swait.ge [sflag:s29], $0x4000  }
0xad: {  	[sflag:s29] =	ssyncset.done $0x0  }
0xae: {  	s3 =	sadd.s32 $0x9880, s0;
	[sflag:s29] =	ssyncadd.s32 $0xFFFFC000  }
0xaf: {  	[spmem:s1] =	stream.indirect.scatter.add.f32 [tilespmem:s22], [sflag:$0x3], $0x80, s3, s28, $0xb8;
	[tilespmem:$0x1F000] =	vst v63  }
.Ltmp2:
0xb0: {  	_ =	swait.ge [sflag:s15], $0x4000;
	(pc) =	sbr.rel @p0 .LBB2_6-.Ltmp2, $4  }
0xb1: {  	[sflag:s15] =	ssyncset.done $0x0  }
0xb2: {  	s3 =	sadd.s32 $0x8180, s0;
	[sflag:s15] =	ssyncadd.s32 $0xFFFFC000  }
0xb3: {  	[tilespmem:s22], [sflag:$0x2] =	stream.indirect.gather [hbm4b:s4+s18], $0x80, s3, s18, $0xb8;
	[tilespmem:$0x1F000] =	vst v63  }
0xb4: {  	s0 =	sadd.s32 $0x81C0, s0  }
0xb5: {  	[tilespmem:s25], [sflag:$0x2] =	stream.indirect.gather [hbm4b:s4+s18], $0x80, s0, s18, $0xb8;
	[tilespmem:$0x1F000] =	vst v63  }
0xb6: {  	_ =	swait.ge [sflag:s26], $0x4000  }
0xb7: {  	[sflag:s26] =	ssyncset.done $0x0  }
0xb8: {  	s31 =	simm.s32 $0xA800;
	[sflag:s26] =	ssyncadd.s32 $0xFFFFC000  }
0xb9: {  	[spmem:s1] =	stream.indirect.scatter.add.f32 [tilespmem:s2], [sflag:$0x3], $0x80, s31, s28, $0xb8;
	[tilespmem:$0x1F000] =	vst v63  }
0xba: {  	_ =	swait.ge [sflag:s15], $0x4000  }
0xbb: {  	[sflag:s15] =	ssyncset.done $0x0  }
0xbc: {  	[sflag:s15] =	ssyncadd.s32 $0xFFFFC000  }
0xbd: {  	_ =	swait.ge [sflag:s29], $0x4000  }
0xbe: {  	[sflag:s29] =	ssyncset.done $0x0  }
0xbf: {  	s3 =	simm.s32 $0xA880;
	[sflag:s29] =	ssyncadd.s32 $0xFFFFC000  }
0xc0: {  	[spmem:s1] =	stream.indirect.scatter.add.f32 [tilespmem:s22], [sflag:$0x3], $0x80, s3, s28, $0xb8;
	[tilespmem:$0x1F000] =	vst v63  }
0xc1: {  	s31 =	stileid.u32;
	_ =	swait.ge [sflag:s15], $0x4000  }
0xc2: {  	s30 =	sadd.s32 $0x1, s30;
	s0 =	sshll.u32 s31, $0x6;
	[sflag:s15] =	ssyncset.done $0x0  }
0xc3: {  	p0 =	sne.s32 s30, s14;
	s0 =	sor.u32 $0x1C03, s0;
	[sflag:s15] =	ssyncadd.s32 $0xFFFFC000  }
.Ltmp3:
0xc4: {  	s3 =	sshrl.u32 s5, $0x3;
	[bflag:$0x0] =	sbarrier.arrive $0xFFFF;
	(pc) =	sbr.rel @p0 .LBB2_1-.Ltmp3, $4  }
0xc5: {  	[hbm:s24], [sflag:s0] =	dma.local [spmem:s3], $0x2800  }
0xc6: {  	_ =	swait.ge [sflag:s15], $0x2800  }
0xc7: {  	[sflag:s15] =	ssyncset.done $0x0  }
0xc8: {  	[sflag:s15] =	ssyncadd.s32 $0xFFFFD800  }
0xc9: {  	_ =	sfence.sel $0x180000  }
0xca: {  	[bflag:$0x0] =	sbarrier.arrive $0xFFFF  }
0xcb: {  	_ =	strace $0x9000004A  }
0xcc: {  	s0 =	stileid.u32;
	[bflag:$0x2] =	sbarrier.arrive $0xFFFF  }
0xcd: {  	p0 =	sne.s32 s0, $0x0;
	s0 =	rddreg [dreg:$0x3]  }
0xce: {  	s0 =	sadd.s32 @!p0 $0x100000, s0  }
0xcf: {  	[sflag:s0] =	ssyncadd.tile.s32 @!p0 $0x1;
	_ =	shalt  }
.Lfunc_end2:
_tile_overlayer_lowered:
.L_overlay_start_2:
0xd0: {  	(tag) =	ssettag $0x2  }
0xd1: {  	s0 =	rddreg [dreg:$0x0];
	s2 =	stileid.u32  }
0xd2: {  	s1 =	rddreg [dreg:$0x1];
	p0 =	sne.s32 s2, $0x0  }
0xd3: {  	s3 =	rddreg [dreg:$0x2];
	[bflag:$0x3] =	sbarrier.arrive $0xFFFF;
	s2 =	simm.s32 @!p0 $0x1C03  }
0xd4: {  	[timem:s3], [sflag:s2] =	dma.local @!p0 [hbm:s0], s1  }
0xd5: {  	s0 =	simm.s32 @!p0 $0x3  }
0xd6: {  	_ =	swait.ge @!p0 [sflag:s0], s1  }
0xd7: {  	s1 =	ssub.s32 @!p0 $0x0, s1;
	[sflag:s0] =	ssyncset.done @!p0 $0x0  }
0xd8: {  	[sflag:s0] =	ssyncadd.s32 @!p0 s1  }
0xd9: {  	[bflag:$0x3] =	sbarrier.arrive $0xFFFF  }
0xda: {  	_ =	shalt  }

// kernel: kernel.14.cloned.1.call-start
scs
__scs_entry_jumppad:
0x0: {  	(pc) =	sbr.rel $0x88, $3  }
0x1: {  	(tag) =	ssettag $0x0;
	lr =	simm.s32 $0x1  }
0x2: {  	[smem:$0x3F9B] =	sst lr;
	_ =	strace $0xD0000000  }
0x3: {  	_ = 	snop  }
0x4: {  	_ = 	snop  }
0x5: {  	_ = 	snop  }
0x6: {  	_ = 	snop  }
0x7: {  	_ = 	snop  }
__scs_overlays_trampoline_lowered:
0x8: {  	[smem:$0x3FAA] =	sst s0  }
0x9: {  	[smem:$0x3FAB] =	sst s1  }
0xa: {  	[smem:$0x3FAC] =	sst s2  }
0xb: {  	[smem:$0x3FAD] =	sst s3  }
0xc: {  	[smem:$0x3FAE] =	sst s4  }
0xd: {  	[smem:$0x3FAF] =	sst s5  }
0xe: {  	[smem:$0x3FB0] =	sst s6  }
0xf: {  	[smem:$0x3FB1] =	sst s7  }
0x10: {  	[smem:$0x3FB2] =	sst s8  }
0x11: {  	[smem:$0x3FB3] =	sst s9;
	s0 =	simm.s32 @!p0 $0x0  }
0x12: {  	s1 =	sld [smem:$0x3F99];
	s0 =	simm.s32 @p0 $0x1  }
0x13: {  	[smem:$0x3FB4] =	sst s0;
	s0 =	simm.s32 @!p1 $0x0  }
0x14: {  	s2 =	sld [smem:$0x3F98];
	s0 =	simm.s32 @p1 $0x1  }
0x15: {  	[smem:$0x3FB5] =	sst s0;
	s0 =	simm.s32 @!p2 $0x0  }
0x16: {  	s3 =	sld [smem:$0x3FDB];
	s0 =	simm.s32 @p2 $0x1  }
0x17: {  	s4 =	simm.s32 $0x1BF5;
	[smem:$0x3FB7] =	sst s0  }
0x18: {  	s0 =	sld [smem:$0x3F9A];
	_ =	swait.ge [sflag:s4], $0x0  }
0x19: {  	s7 =	sld [smem:$0x3F9B]  }
0x1a: {  	s8 =	sadd.s32 $0xFFFFE003, lr  }
0x1b: {  	s9 =	sadd.s32 $0xFFFFFEF7, lr;
	s5 =	simm.s32 $0xFFFFFFFF;
	p2 =	slt.u32 s8, $0xFFFFF086  }
0x1c: {  	p1 =	slt.u32 s9, $0xF7A;
	s5 =	simm.s32 @!p2 $0x0  }
0x1d: {  	s5 =	simm.s32 @p1 $0x1;
	p0 =	seq.s32 s7, s2  }
0x1e: {  	s7 =	smul.u32 @!p0 $0xF7A, s2;
	p2 =	seq.s32 @!p0 s5, $0x0  }
0x1f: {  	s9 =	smul.u32 $0xF7A, s1;
	s8 =	simm.s32 @!p0 $0x1BF5;
	p2 =	por !p2, p0  }
0x20: {  	[sflag:s8] =	ssyncset.s32 @!p0 $0xFFFFF086;
	s6 =	sadd.s32 @!p0 s3, s7;
	s7 =	simm.s32 @!p0 $0x108  }
0x21: {  	s3 =	sadd.s32 s3, s9;
	s6 =	sadd.s32 @!p0 $0x88, s6;
	s7 =	simm.s32 @p2 $0x1082  }
0x22: {  	[simem:s7], [sflag:s8] =	dma.local @!p0 [hbm:s6], $0xF7A  }
0x23: {  	s9 =	sor.u32 $0xD0000000, s2;
	s6 =	simm.s32 $0x108;
	_ =	swait.ge @!p0 [sflag:s8], $0x0  }
0x24: {  	s3 =	sadd.s32 $0x88, s3;
	s6 =	simm.s32 @!p1 $0x1082;
	[sflag:s4] =	ssyncset.s32 $0xFFFFF086  }
0x25: {  	[simem:s6], [sflag:s4] =	dma.local [hbm:s3], $0xF7A  }
0x26: {  	[smem:$0x3F9B] =	sst s1;
	(tag) =	ssettag s2;
	_ =	strace s9  }
0x27: {  	s1 =	sld [smem:$0x3FAB]  }
0x28: {  	s2 =	sld [smem:$0x3FAC]  }
0x29: {  	s4 =	sld [smem:$0x3FAE]  }
0x2a: {  	p0 =	seq.s32 s5, $0x0;
	s5 =	sld [smem:$0x3FAF]  }
0x2b: {  	s6 =	sld [smem:$0x3FB0]  }
0x2c: {  	s7 =	sld [smem:$0x3FB1]  }
0x2d: {  	s3 =	simm.s32 $0x108;
	s8 =	sld [smem:$0x3FB2]  }
0x2e: {  	s3 =	simm.s32 @!p0 $0x1082;
	s9 =	sld [smem:$0x3FB3]  }
0x2f: {  	lr =	sadd.s32 s0, s3;
	s0 =	sld [smem:$0x3FAA]  }
0x30: {  	s3 =	sld [smem:$0x3FAD]  }
0x31: {  	[smem:$0x3FB6] =	sst s10  }
0x32: {  	s10 =	sld [smem:$0x3FB4];
	_ =	sdelay $0x3  }
0x33: {  	p0 =	seq.s32 s10, $0x1;
	s10 =	sld [smem:$0x3FB6];
	_ =	sdelay $0x3  }
0x34: {  	[smem:$0x3FB6] =	sst s10  }
0x35: {  	s10 =	sld [smem:$0x3FB5];
	_ =	sdelay $0x3  }
0x36: {  	p1 =	seq.s32 s10, $0x1;
	s10 =	sld [smem:$0x3FB6];
	_ =	sdelay $0x3  }
0x37: {  	[smem:$0x3FB6] =	sst s10  }
0x38: {  	s10 =	sld [smem:$0x3FB7]  }
0x39: {  	_ = 	snop;
	(pc) =	sbr.ind lr, $3  }
0x3a: {  	_ = 	snop  }
0x3b: {  	_ = 	snop  }
0x3c: {  	p2 =	seq.s32 s10, $0x1;
	s10 =	sld [smem:$0x3FB6]  }
0x3d: {  	_ =	shalt  }
0x3e: {  	_ =	shalt  }
0x3f: {  	_ =	shalt  }
0x40: {  	_ =	shalt  }
0x41: {  	_ =	shalt  }
0x42: {  	_ =	shalt  }
0x43: {  	_ =	shalt  }
0x44: {  	_ =	shalt  }
0x45: {  	_ =	shalt  }
0x46: {  	_ =	shalt  }
0x47: {  	_ =	shalt  }
0x48: {  	_ =	shalt  }
0x49: {  	_ =	shalt  }
0x4a: {  	_ =	shalt  }
0x4b: {  	_ =	shalt  }
0x4c: {  	_ =	shalt  }
0x4d: {  	_ =	shalt  }
0x4e: {  	_ =	shalt  }
0x4f: {  	_ =	shalt  }
0x50: {  	_ =	shalt  }
0x51: {  	_ =	shalt  }
0x52: {  	_ =	shalt  }
0x53: {  	_ =	shalt  }
0x54: {  	_ =	shalt  }
0x55: {  	_ =	shalt  }
0x56: {  	_ =	shalt  }
0x57: {  	_ =	shalt  }
0x58: {  	_ =	shalt  }
0x59: {  	_ =	shalt  }
0x5a: {  	_ =	shalt  }
0x5b: {  	_ =	shalt  }
0x5c: {  	_ =	shalt  }
0x5d: {  	_ =	shalt  }
0x5e: {  	_ =	shalt  }
0x5f: {  	_ =	shalt  }
0x60: {  	_ =	shalt  }
0x61: {  	_ =	shalt  }
0x62: {  	_ =	shalt  }
0x63: {  	_ =	shalt  }
0x64: {  	_ =	shalt  }
0x65: {  	_ =	shalt  }
0x66: {  	_ =	shalt  }
0x67: {  	_ =	shalt  }
0x68: {  	_ =	shalt  }
0x69: {  	_ =	shalt  }
0x6a: {  	_ =	shalt  }
0x6b: {  	_ =	shalt  }
0x6c: {  	_ =	shalt  }
0x6d: {  	_ =	shalt  }
0x6e: {  	_ =	shalt  }
0x6f: {  	_ =	shalt  }
0x70: {  	_ =	shalt  }
0x71: {  	_ =	shalt  }
0x72: {  	_ =	shalt  }
0x73: {  	_ =	shalt  }
0x74: {  	_ =	shalt  }
0x75: {  	_ =	shalt  }
0x76: {  	_ =	shalt  }
0x77: {  	_ =	shalt  }
0x78: {  	_ =	shalt  }
0x79: {  	_ =	shalt  }
0x7a: {  	_ =	shalt  }
0x7b: {  	_ =	shalt  }
0x7c: {  	_ =	shalt  }
0x7d: {  	_ =	shalt  }
0x7e: {  	_ =	shalt  }
0x7f: {  	_ =	shalt  }
0x80: {  	_ =	shalt  }
0x81: {  	_ =	shalt  }
0x82: {  	_ =	shalt  }
0x83: {  	_ =	shalt  }
0x84: {  	_ =	shalt  }
0x85: {  	_ =	shalt  }
0x86: {  	_ =	shalt  }
0x87: {  	_ =	shalt  }
.Lfunc_end0:
.L_simem_size_0:
called_computation.2_lowered:
.L_overlay_start_0:
0x88: {  	s2 =	sld [smem:$0x3FD9]  }
0x89: {  	s3 =	sld [smem:$0x3FFE];
	_ =	sdelay $0x1  }
0x8a: {  	s1 =	srdreg.scid  }
0x8b: {  	s0 =	sand.u32 $0x1, s1  }
0x8c: {  	s17 =	sshll.u32 s0, $0xA;
	s2 =	sadd.s32 s3, s2  }
0x8d: {  	s2 =	sadd.s32 s2, s17  }
0x8e: {  	[smem:$0x3FC2] =	sst s2  }
0x8f: {  	_ = 	snop  }
0x90: {  	s2 =	sld [smem:$0x3FD0];
	(tm) =	ssettm $0x1  }
0x91: {  	s18 =	sld [smem:$0x3FFB];
	_ =	sdelay $0x3  }
0x92: {  	_ =	strace s18  }
0x93: {  	s3 =	sld [smem:$0x3FFC];
	_ =	sdelay $0x3  }
0x94: {  	_ =	strace s3  }
0x95: {  	s3 =	sld [smem:$0x3FFD];
	_ =	sdelay $0x3  }
0x96: {  	_ =	strace s3  }
0x97: {  	_ =	strace $0x8FFFFFFF  }
0x98: {  	s19 =	sld [smem:$0x3FDB];
	_ =	sdelay $0x1  }
0x99: {  	s4 =	simm.s32 $_scs_section_size  }
0x9a: {  	s5 =	simm.s32 $_size__tile_overlayer_lowered;
	s6 =	simm.s32 $_tile_overlayer_lowered  }
0x9b: {  	s22 =	simm.s32 $0x1BFF;
	s21 =	sshll.u32 s6, $0x1;
	s3 =	sadd.s32 s4, s19  }
0x9c: {  	s7 =	simm.s32 $0x0;
	s20 =	sshll.u32 s5, $0x1;
	s5 =	sadd.s32 s21, s3  }
0x9d: {  	[timem:s7], [sflag:s22] =	dma.local [hbm:s5], s20  }
0x9e: {  	_ =	swait.ge [sflag:s22], s20  }
0x9f: {  	s4 =	ssub.s32 $0x0, s20;
	[sflag:s22] =	ssyncset.done $0x0  }
0xa0: {  	[sflag:s22] =	ssyncadd.s32 s4;
	_ =	sdelay $0x1  }
0xa1: {  	s23 =	simm.s32 $0x1B8B  }
0xa2: {  	_ =	swait.ge [sflag:s23], $0x1  }
0xa3: {  	[sflag:s23] =	ssyncset.done $0x0  }
0xa4: {  	s25 =	simm.s32 $0x1B8E;
	s24 =	sld [smem:$0x3FFE];
	[sflag:s23] =	ssyncadd.s32 $0xFFFFFFFF  }
0xa5: {  	s26 =	simm.s32 $execute0_lowered;
	[smem:$0x3FD2] =	sst s25  }
0xa6: {  	s5 =	sshll.u32 s26, $0x1;
	_ =	strace $0x8000004C;
	[dreg:$0x1] =	wrdreg $0xFFFFFFFF  }
0xa7: {  	s28 =	simm.s32 $_size_execute0_lowered;
	s3 =	sadd.s32 s3, s5;
	[dreg:$0x0] =	wrdreg $0x0  }
0xa8: {  	s5 =	sshll.u32 s28, $0x1;
	[dreg:$0x2] =	wrdreg s3  }
0xa9: {  	[dreg:$0x3] =	wrdreg s5  }
0xaa: {  	[dreg:$0x4] =	wrdreg $0xC0  }
0xab: {  	_ =	task [dreg:s7], $0x5FFFF  }
0xac: {  	[dreg:$0x1] =	wrdreg $0xFFFFFFFF  }
0xad: {  	[dreg:$0x0] =	wrdreg $0x60  }
0xae: {  	[dreg:$0x2] =	wrdreg s24  }
0xaf: {  	[dreg:$0x3] =	wrdreg s2  }
0xb0: {  	[dreg:$0x4] =	wrdreg $0xB0000  }
0xb1: {  	[dreg:$0x5] =	wrdreg $0x9  }
0xb2: {  	_ =	task.clear_ibuf [dreg:s7], $0x6FFFF;
	_ =	strace $0x9000004C  }
0xb3: {  	s29 =	simm.s32 $0x9;
	_ =	strace $0x8000004E  }
0xb4: {  	_ =	swait.ge [sflag:s29], $0x1  }
0xb5: {  	[sflag:s29] =	ssyncadd.s32 $0xFFFFFFFF  }
0xb6: {  	_ =	strace $0x9000004E  }
0xb7: {  	_ =	sfence  }
0xb8: {  	s30 =	sld [smem:$0x0];
	_ =	sdelay $0x2  }
0xb9: {  	s31 =	sshll.u32 s1, $0xD;
	s1 =	sshrl.u32 s1, $0x2  }
0xba: {  	s3 =	sand.u32 $0x4000, s31;
	s1 =	sadd.s32 s1, s30  }
0xbb: {  	s0 =	sor.u32 s3, s0;
	s1 =	sshll.u32 s1, $0x11  }
0xbc: {  	s0 =	sor.u32 s1, s0  }
0xbd: {  	s0 =	sadd.s32 $0x8F2B, s0  }
0xbe: {  	[sflag:s0] =	ssyncadd.remote.s32 $0x1  }
0xbf: {  	_ =	sfence.sel $0xFFFF  }
0xc0: {  	[dreg:$0x0] =	wrdreg $0xFFFFFFFF;
	(pc) =	sbr.abs _section_cstart, $3  }
0xc1: {  	[dreg:$0x1] =	wrdreg $0xFFFFFFFF  }
0xc2: {  	_ =	task.clear_ibuf [dreg:s7], $0x2FFFF;
	_ =	strace $0x9FFFFFFF  }
0xc3: {  	(tm) =	ssettm $0x7FFFFFFF  }
tec
execute0_lowered:
.L_overlay_start_1:
0x0: {  	(tag) =	ssettag $0x1  }
0x1: {  	s0 =	rddreg [dreg:$0x0]  }
0x2: {  	s3 =	rddreg [dreg:$0x1]  }
0x3: {  	s1 =	rddreg [dreg:$0x2]  }
0x4: {  	s2 =	simm.s32 $0x0;
	s4 =	srdreg.scid;
	s15 =	stileid.u32  }
0x5: {  	s16 =	simm.s32 $0x8000;
	s17 =	simm.s32 $0x9800;
	s18 =	simm.s32 $0x40  }
0x6: {  	s19 =	simm.s32 $0x8040;
	s20 =	simm.s32 $0x2000;
	s21 =	simm.s32 $0x8080  }
0x7: {  	s22 =	simm.s32 $0x4000;
	s23 =	simm.s32 $0x80C0;
	s28 =	simm.s32 $0x80  }
0x8: {  	s29 =	simm.s32 $0x2;
	s30 =	simm.s32 $0x0;
	[smem:$0x7FF] =	sst s2  }
0x9: {  	s5 =	sand.u32 $0x1, s4;
	s4 =	sadd.s32 $0xDA00, s0;
	s7 =	smul.u32 $0x50000, s15  }
0xa: {  	s12 =	sadd.s32 $0x2A00, s0;
	s8 =	sshll.u32 s15, $0x1;
	s31 =	smul.u32 $0x2800, s15  }
0xb: {  	s15 =	simm.s32 $0x3;
	s6 =	smul.u32 $0x28000, s5;
	s8 =	sor.u32 s5, s8  }
0xc: {  	_ =	strace $0x8000004D;
	s25 =	ssub.s32 $0x2, s5;
	s10 =	smul.u32 $0x2C00, s8  }
0xd: {  	s9 =	sshrl.u32 s25, $0x1;
	s26 =	sshrl.u32 s7, $0x2;
	s11 =	smul.u32 $0x580, s8  }
0xe: {  	s0 =	sadd.s32 s6, s0;
	s14 =	ssub.s32 s25, s9;
	s5 =	sadd.s32 s26, s1  }
0xf: {  	s25 =	simm.s32 $0x6000;
	s26 =	simm.s32 $0x1;
	s6 =	sadd.s32 $0x4000, s5  }
0x10: {  	s7 =	sadd.s32 $0x8000, s5;
	s8 =	sadd.s32 $0xC000, s5;
	s9 =	sadd.s32 $0x10000, s5  }
0x11: {  	s13 =	sshrl.u32 s10, $0x3;
	s10 =	sadd.s32 s12, s11;
	s11 =	sadd.s32 s3, s11  }
0x12: {  	s0 =	sadd.s32 $0x35A00, s0;
	s14 =	smax.u32 s14, $0x1;
	s13 =	sadd.s32 $0x300, s13  }
0x13: {  	v0 =	vimm.f32 $0.0e+00;
	s24 =	sadd.s32 s31, s0;
	s12 =	sadd.s32 s12, s13;
	s13 =	sadd.s32 s3, s13  }
.LBB2_1:
0x14: {  	s31 =	simm.s32 $0x0;
	s0 =	simm.s32 $0x200  }
.LBB2_2:
0x15: {  	p0 =	sne.s32 s0, $0xFE00;
	[tilespmem:s31+$0x70] =	vst v0  }
0x16: {  	[tilespmem:s31+$0x0] =	vst v0  }
0x17: {  	[tilespmem:s31+$0x10] =	vst v0  }
.Ltmp0:
0x18: {  	[tilespmem:s31+$0x20] =	vst v0;
	(pc) =	sbr.rel @p0 .LBB2_2-.Ltmp0, $4  }
0x19: {  	[tilespmem:s31+$0x30] =	vst v0  }
0x1a: {  	[tilespmem:s31+$0x40] =	vst v0  }
0x1b: {  	[tilespmem:s31+$0x50] =	vst v0  }
0x1c: {  	[tilespmem:s31+$0x60] =	vst v0;
	s31 =	sshra.s32 s0, $0x2;
	s0 =	sadd.s32 $0x200, s0  }
0x1d: {  	[tilespmem:s31+$0x70] =	vst v0  }
0x1e: {  	[tilespmem:s31+$0x0] =	vst v0  }
0x1f: {  	[tilespmem:s31+$0x10] =	vst v0  }
0x20: {  	[tilespmem:s31+$0x20] =	vst v0  }
0x21: {  	[tilespmem:s31+$0x30] =	vst v0  }
0x22: {  	[tilespmem:s31+$0x40] =	vst v0  }
0x23: {  	[tilespmem:s31+$0x50] =	vst v0  }
0x24: {  	[tilespmem:s31+$0x60] =	vst v0;
	s0 =	simm.s32 $0x0  }
0x25: {  	[spmem:s5] =	stream.linear.scatter [tilespmem:s0], [sflag:$0x3], $0x4000, $0x38;
	[tilespmem:$0x1F000] =	vst v63  }
0x26: {  	_ =	swait.ge [sflag:s15], $0x4000  }
0x27: {  	[sflag:s15] =	ssyncset.done $0x0  }
0x28: {  	[sflag:s15] =	ssyncadd.s32 $0xFFFFC000  }
0x29: {  	[spmem:s6] =	stream.linear.scatter [tilespmem:s0], [sflag:$0x3], $0x4000, $0x38;
	[tilespmem:$0x1F000] =	vst v63  }
0x2a: {  	_ =	swait.ge [sflag:s15], $0x4000  }
0x2b: {  	[sflag:s15] =	ssyncset.done $0x0  }
0x2c: {  	[sflag:s15] =	ssyncadd.s32 $0xFFFFC000  }
0x2d: {  	[spmem:s7] =	stream.linear.scatter [tilespmem:s0], [sflag:$0x3], $0x4000, $0x38;
	[tilespmem:$0x1F000] =	vst v63  }
0x2e: {  	_ =	swait.ge [sflag:s15], $0x4000  }
0x2f: {  	[sflag:s15] =	ssyncset.done $0x0  }
0x30: {  	[sflag:s15] =	ssyncadd.s32 $0xFFFFC000  }
0x31: {  	[spmem:s8] =	stream.linear.scatter [tilespmem:s0], [sflag:$0x3], $0x4000, $0x38;
	[tilespmem:$0x1F000] =	vst v63  }
0x32: {  	_ =	swait.ge [sflag:s15], $0x4000  }
0x33: {  	[sflag:s15] =	ssyncset.done $0x0  }
0x34: {  	[sflag:s15] =	ssyncadd.s32 $0xFFFFC000  }
0x35: {  	[spmem:s9] =	stream.linear.scatter [tilespmem:s0], [sflag:$0x3], $0x4000, $0x38;
	[tilespmem:$0x1F000] =	vst v63  }
0x36: {  	_ =	swait.ge [sflag:s15], $0x4000  }
0x37: {  	[sflag:s15] =	ssyncset.done $0x0  }
0x38: {  	[sflag:s15] =	ssyncadd.s32 $0xFFFFC000  }
0x39: {  	[tilespmem:s16], [sflag:$0x3] =	stream.linear.gather [hbm4b:s10+s0], $0x1800, $0x38;
	[tilespmem:$0x1F000] =	vst v63  }
0x3a: {  	_ =	swait.ge [sflag:s15], $0x1800  }
0x3b: {  	[sflag:s15] =	ssyncset.done $0x0  }
0x3c: {  	[sflag:s15] =	ssyncadd.s32 $0xFFFFE800  }
0x3d: {  	[tilespmem:s17], [sflag:$0x3] =	stream.linear.gather [hbm4b:s11+s0], $0x1800, $0x38;
	[tilespmem:$0x1F000] =	vst v63  }
0x3e: {  	_ =	swait.ge [sflag:s15], $0x1800  }
0x3f: {  	[sflag:s15] =	ssyncset.done $0x0  }
0x40: {  	[sflag:s15] =	ssyncadd.s32 $0xFFFFE800  }
0x41: {  	[tilespmem:s0], [sflag:$0x1] =	stream.indirect.gather [hbm4b:s4+s18], $0x80, s16, s18, $0xb8;
	[tilespmem:$0x1F000] =	vst v63  }
0x42: {  	_ = 	snop  }
0x43: {  	[tilespmem:s20], [sflag:$0x1] =	stream.indirect.gather [hbm4b:s4+s18], $0x80, s19, s18, $0xb8;
	[tilespmem:$0x1F000] =	vst v63  }
0x44: {  	_ = 	snop  }
0x45: {  	[tilespmem:s22], [sflag:$0x2] =	stream.indirect.gather [hbm4b:s4+s18], $0x80, s21, s18, $0xb8;
	[tilespmem:$0x1F000] =	vst v63  }
0x46: {  	_ = 	snop  }
0x47: {  	[tilespmem:s25], [sflag:$0x2] =	stream.indirect.gather [hbm4b:s4+s18], $0x80, s23, s18, $0xb8;
	[tilespmem:$0x1F000] =	vst v63  }
0x48: {  	[bflag:$0x0] =	sbarrier.arrive $0xFFFF  }
0x49: {  	_ =	swait.ge [sflag:s26], $0x4000  }
0x4a: {  	[sflag:s26] =	ssyncset.done $0x0  }
0x4b: {  	s3 =	simm.s32 $0x9800;
	[sflag:s26] =	ssyncadd.s32 $0xFFFFC000  }
0x4c: {  	[spmem:s1] =	stream.indirect.scatter.add.f32 [tilespmem:s2], [sflag:$0x3], $0x80, s3, s28, $0xb8;
	[tilespmem:$0x1F000] =	vst v63  }
0x4d: {  	_ =	swait.ge [sflag:s15], $0x4000  }
0x4e: {  	[sflag:s15] =	ssyncset.done $0x0  }
0x4f: {  	s3 =	simm.s32 $0x8100;
	[sflag:s15] =	ssyncadd.s32 $0xFFFFC000  }
0x50: {  	[tilespmem:s2], [sflag:$0x1] =	stream.indirect.gather [hbm4b:s4+s18], $0x80, s3, s18, $0xb8;
	[tilespmem:$0x1F000] =	vst v63  }
0x51: {  	s3 =	simm.s32 $0x8140  }
0x52: {  	[tilespmem:s20], [sflag:$0x1] =	stream.indirect.gather [hbm4b:s4+s18], $0x80, s3, s18, $0xb8;
	[tilespmem:$0x1F000] =	vst v63  }
0x53: {  	_ =	swait.ge [sflag:s29], $0x4000  }
0x54: {  	[sflag:s29] =	ssyncset.done $0x0  }
0x55: {  	s3 =	simm.s32 $0x9880;
	[sflag:s29] =	ssyncadd.s32 $0xFFFFC000  }
0x56: {  	[spmem:s1] =	stream.indirect.scatter.add.f32 [tilespmem:s22], [sflag:$0x3], $0x80, s3, s28, $0xb8;
	[tilespmem:$0x1F000] =	vst v63  }
0x57: {  	_ =	swait.ge [sflag:s15], $0x4000  }
0x58: {  	s31 =	simm.s32 $0x400;
	[sflag:s15] =	ssyncset.done $0x0  }
0x59: {  	s0 =	simm.s32 $0x81C0;
	s3 =	simm.s32 $0x8180;
	[sflag:s15] =	ssyncadd.s32 $0xFFFFC000  }
0x5a: {  	[tilespmem:s22], [sflag:$0x2] =	stream.indirect.gather [hbm4b:s4+s18], $0x80, s3, s18, $0xb8;
	[tilespmem:$0x1F000] =	vst v63  }
.LBB2_4:
0x5b: {  	[tilespmem:s25], [sflag:$0x2] =	stream.indirect.gather [hbm4b:s4+s18], $0x80, s0, s18, $0xb8;
	[tilespmem:$0x1F000] =	vst v63  }
0x5c: {  	s0 =	smov.u32 s31  }
0x5d: {  	p0 =	sne.s32 s31, $0x5800;
	s31 =	sadd.s32 $0x400, s31;
	_ =	swait.ge [sflag:s26], $0x4000  }
0x5e: {  	s0 =	sshra.s32 s0, $0x2;
	[sflag:s26] =	ssyncset.done $0x0  }
0x5f: {  	s3 =	sadd.s32 $0x9800, s0;
	[sflag:s26] =	ssyncadd.s32 $0xFFFFC000  }
0x60: {  	[spmem:s1] =	stream.indirect.scatter.add.f32 [tilespmem:s2], [sflag:$0x3], $0x80, s3, s28, $0xb8;
	[tilespmem:$0x1F000] =	vst v63  }
0x61: {  	_ =	swait.ge [sflag:s15], $0x4000  }
0x62: {  	[sflag:s15] =	ssyncset.done $0x0  }
0x63: {  	s3 =	sadd.s32 $0x8100, s0;
	[sflag:s15] =	ssyncadd.s32 $0xFFFFC000  }
0x64: {  	[tilespmem:s2], [sflag:$0x1] =	stream.indirect.gather [hbm4b:s4+s18], $0x80, s3, s18, $0xb8;
	[tilespmem:$0x1F000] =	vst v63  }
0x65: {  	s3 =	sadd.s32 $0x8140, s0  }
0x66: {  	[tilespmem:s20], [sflag:$0x1] =	stream.indirect.gather [hbm4b:s4+s18], $0x80, s3, s18, $0xb8;
	[tilespmem:$0x1F000] =	vst v63  }
0x67: {  	_ =	swait.ge [sflag:s29], $0x4000  }
0x68: {  	[sflag:s29] =	ssyncset.done $0x0  }
0x69: {  	s3 =	sadd.s32 $0x9880, s0;
	[sflag:s29] =	ssyncadd.s32 $0xFFFFC000  }
0x6a: {  	[spmem:s1] =	stream.indirect.scatter.add.f32 [tilespmem:s22], [sflag:$0x3], $0x80, s3, s28, $0xb8;
	[tilespmem:$0x1F000] =	vst v63  }
.Ltmp1:
0x6b: {  	_ =	swait.ge [sflag:s15], $0x4000;
	(pc) =	sbr.rel @p0 .LBB2_4-.Ltmp1, $4  }
0x6c: {  	[sflag:s15] =	ssyncset.done $0x0  }
0x6d: {  	s3 =	sadd.s32 $0x8180, s0;
	[sflag:s15] =	ssyncadd.s32 $0xFFFFC000  }
0x6e: {  	[tilespmem:s22], [sflag:$0x2] =	stream.indirect.gather [hbm4b:s4+s18], $0x80, s3, s18, $0xb8;
	[tilespmem:$0x1F000] =	vst v63  }
0x6f: {  	s0 =	sadd.s32 $0x81C0, s0  }
0x70: {  	[tilespmem:s25], [sflag:$0x2] =	stream.indirect.gather [hbm4b:s4+s18], $0x80, s0, s18, $0xb8;
	[tilespmem:$0x1F000] =	vst v63  }
0x71: {  	_ =	swait.ge [sflag:s26], $0x4000  }
0x72: {  	[sflag:s26] =	ssyncset.done $0x0  }
0x73: {  	s0 =	simm.s32 $0x0;
	s3 =	simm.s32 $0xAF00;
	[sflag:s26] =	ssyncadd.s32 $0xFFFFC000  }
0x74: {  	[spmem:s1] =	stream.indirect.scatter.add.f32 [tilespmem:s0], [sflag:$0x3], $0x80, s3, s28, $0xb8;
	[tilespmem:$0x1F000] =	vst v63  }
0x75: {  	_ =	swait.ge [sflag:s15], $0x4000  }
0x76: {  	[sflag:s15] =	ssyncset.done $0x0  }
0x77: {  	[sflag:s15] =	ssyncadd.s32 $0xFFFFC000  }
0x78: {  	_ =	swait.ge [sflag:s29], $0x4000  }
0x79: {  	[sflag:s29] =	ssyncset.done $0x0  }
0x7a: {  	s3 =	simm.s32 $0xAF80;
	[sflag:s29] =	ssyncadd.s32 $0xFFFFC000  }
0x7b: {  	[spmem:s1] =	stream.indirect.scatter.add.f32 [tilespmem:s22], [sflag:$0x3], $0x80, s3, s28, $0xb8;
	[tilespmem:$0x1F000] =	vst v63  }
0x7c: {  	_ =	swait.ge [sflag:s15], $0x4000  }
0x7d: {  	[sflag:s15] =	ssyncset.done $0x0  }
0x7e: {  	[sflag:s15] =	ssyncadd.s32 $0xFFFFC000  }
0x7f: {  	[tilespmem:s16], [sflag:$0x3] =	stream.linear.gather [hbm4b:s12+s0], $0x1400, $0x38;
	[tilespmem:$0x1F000] =	vst v63  }
0x80: {  	_ =	swait.ge [sflag:s15], $0x1400  }
0x81: {  	[sflag:s15] =	ssyncset.done $0x0  }
0x82: {  	[sflag:s15] =	ssyncadd.s32 $0xFFFFEC00  }
0x83: {  	[tilespmem:s17], [sflag:$0x3] =	stream.linear.gather [hbm4b:s13+s0], $0x1400, $0x38;
	[tilespmem:$0x1F000] =	vst v63  }
0x84: {  	_ =	swait.ge [sflag:s15], $0x1400  }
0x85: {  	[sflag:s15] =	ssyncset.done $0x0  }
0x86: {  	[sflag:s15] =	ssyncadd.s32 $0xFFFFEC00  }
0x87: {  	[tilespmem:s0], [sflag:$0x1] =	stream.indirect.gather [hbm4b:s4+s18], $0x80, s16, s18, $0xb8;
	[tilespmem:$0x1F000] =	vst v63  }
0x88: {  	_ = 	snop  }
0x89: {  	[tilespmem:s20], [sflag:$0x1] =	stream.indirect.gather [hbm4b:s4+s18], $0x80, s19, s18, $0xb8;
	[tilespmem:$0x1F000] =	vst v63  }
0x8a: {  	_ = 	snop  }
0x8b: {  	[tilespmem:s22], [sflag:$0x2] =	stream.indirect.gather [hbm4b:s4+s18], $0x80, s21, s18, $0xb8;
	[tilespmem:$0x1F000] =	vst v63  }
0x8c: {  	_ = 	snop  }
0x8d: {  	[tilespmem:s25], [sflag:$0x2] =	stream.indirect.gather [hbm4b:s4+s18], $0x80, s23, s18, $0xb8;
	[tilespmem:$0x1F000] =	vst v63  }
0x8e: {  	_ =	swait.ge [sflag:s26], $0x4000  }
0x8f: {  	[sflag:s26] =	ssyncset.done $0x0  }
0x90: {  	s3 =	simm.s32 $0x9800;
	[sflag:s26] =	ssyncadd.s32 $0xFFFFC000  }
0x91: {  	[spmem:s1] =	stream.indirect.scatter.add.f32 [tilespmem:s2], [sflag:$0x3], $0x80, s3, s28, $0xb8;
	[tilespmem:$0x1F000] =	vst v63  }
0x92: {  	_ =	swait.ge [sflag:s15], $0x4000  }
0x93: {  	[sflag:s15] =	ssyncset.done $0x0  }
0x94: {  	s3 =	simm.s32 $0x8100;
	[sflag:s15] =	ssyncadd.s32 $0xFFFFC000  }
0x95: {  	[tilespmem:s2], [sflag:$0x1] =	stream.indirect.gather [hbm4b:s4+s18], $0x80, s3, s18, $0xb8;
	[tilespmem:$0x1F000] =	vst v63  }
0x96: {  	s3 =	simm.s32 $0x8140  }
0x97: {  	[tilespmem:s20], [sflag:$0x1] =	stream.indirect.gather [hbm4b:s4+s18], $0x80, s3, s18, $0xb8;
	[tilespmem:$0x1F000] =	vst v63  }
0x98: {  	_ =	swait.ge [sflag:s29], $0x4000  }
0x99: {  	[sflag:s29] =	ssyncset.done $0x0  }
0x9a: {  	s3 =	simm.s32 $0x9880;
	[sflag:s29] =	ssyncadd.s32 $0xFFFFC000  }
0x9b: {  	[spmem:s1] =	stream.indirect.scatter.add.f32 [tilespmem:s22], [sflag:$0x3], $0x80, s3, s28, $0xb8;
	[tilespmem:$0x1F000] =	vst v63  }
0x9c: {  	_ =	swait.ge [sflag:s15], $0x4000  }
0x9d: {  	s31 =	simm.s32 $0x400;
	[sflag:s15] =	ssyncset.done $0x0  }
0x9e: {  	s0 =	simm.s32 $0x81C0;
	s3 =	simm.s32 $0x8180;
	[sflag:s15] =	ssyncadd.s32 $0xFFFFC000  }
0x9f: {  	[tilespmem:s22], [sflag:$0x2] =	stream.indirect.gather [hbm4b:s4+s18], $0x80, s3, s18, $0xb8;
	[tilespmem:$0x1F000] =	vst v63  }
.LBB2_6:
0xa0: {  	[tilespmem:s25], [sflag:$0x2] =	stream.indirect.gather [hbm4b:s4+s18], $0x80, s0, s18, $0xb8;
	[tilespmem:$0x1F000] =	vst v63  }
0xa1: {  	s0 =	smov.u32 s31  }
0xa2: {  	p0 =	sne.s32 s31, $0x3C00;
	s31 =	sadd.s32 $0x400, s31;
	_ =	swait.ge [sflag:s26], $0x4000  }
0xa3: {  	s0 =	sshra.s32 s0, $0x2;
	[sflag:s26] =	ssyncset.done $0x0  }
0xa4: {  	s3 =	sadd.s32 $0x9800, s0;
	[sflag:s26] =	ssyncadd.s32 $0xFFFFC000  }
0xa5: {  	[spmem:s1] =	stream.indirect.scatter.add.f32 [tilespmem:s2], [sflag:$0x3], $0x80, s3, s28, $0xb8;
	[tilespmem:$0x1F000] =	vst v63  }
0xa6: {  	_ =	swait.ge [sflag:s15], $0x4000  }
0xa7: {  	[sflag:s15] =	ssyncset.done $0x0  }
0xa8: {  	s3 =	sadd.s32 $0x8100, s0;
	[sflag:s15] =	ssyncadd.s32 $0xFFFFC000  }
0xa9: {  	[tilespmem:s2], [sflag:$0x1] =	stream.indirect.gather [hbm4b:s4+s18], $0x80, s3, s18, $0xb8;
	[tilespmem:$0x1F000] =	vst v63  }
0xaa: {  	s3 =	sadd.s32 $0x8140, s0  }
0xab: {  	[tilespmem:s20], [sflag:$0x1] =	stream.indirect.gather [hbm4b:s4+s18], $0x80, s3, s18, $0xb8;
	[tilespmem:$0x1F000] =	vst v63  }
0xac: {  	_ =	swait.ge [sflag:s29], $0x4000  }
0xad: {  	[sflag:s29] =	ssyncset.done $0x0  }
0xae: {  	s3 =	sadd.s32 $0x9880, s0;
	[sflag:s29] =	ssyncadd.s32 $0xFFFFC000  }
0xaf: {  	[spmem:s1] =	stream.indirect.scatter.add.f32 [tilespmem:s22], [sflag:$0x3], $0x80, s3, s28, $0xb8;
	[tilespmem:$0x1F000] =	vst v63  }
.Ltmp2:
0xb0: {  	_ =	swait.ge [sflag:s15], $0x4000;
	(pc) =	sbr.rel @p0 .LBB2_6-.Ltmp2, $4  }
0xb1: {  	[sflag:s15] =	ssyncset.done $0x0  }
0xb2: {  	s3 =	sadd.s32 $0x8180, s0;
	[sflag:s15] =	ssyncadd.s32 $0xFFFFC000  }
0xb3: {  	[tilespmem:s22], [sflag:$0x2] =	stream.indirect.gather [hbm4b:s4+s18], $0x80, s3, s18, $0xb8;
	[tilespmem:$0x1F000] =	vst v63  }
0xb4: {  	s0 =	sadd.s32 $0x81C0, s0  }
0xb5: {  	[tilespmem:s25], [sflag:$0x2] =	stream.indirect.gather [hbm4b:s4+s18], $0x80, s0, s18, $0xb8;
	[tilespmem:$0x1F000] =	vst v63  }
0xb6: {  	_ =	swait.ge [sflag:s26], $0x4000  }
0xb7: {  	[sflag:s26] =	ssyncset.done $0x0  }
0xb8: {  	s31 =	simm.s32 $0xA800;
	[sflag:s26] =	ssyncadd.s32 $0xFFFFC000  }
0xb9: {  	[spmem:s1] =	stream.indirect.scatter.add.f32 [tilespmem:s2], [sflag:$0x3], $0x80, s31, s28, $0xb8;
	[tilespmem:$0x1F000] =	vst v63  }
0xba: {  	_ =	swait.ge [sflag:s15], $0x4000  }
0xbb: {  	[sflag:s15] =	ssyncset.done $0x0  }
0xbc: {  	[sflag:s15] =	ssyncadd.s32 $0xFFFFC000  }
0xbd: {  	_ =	swait.ge [sflag:s29], $0x4000  }
0xbe: {  	[sflag:s29] =	ssyncset.done $0x0  }
0xbf: {  	s3 =	simm.s32 $0xA880;
	[sflag:s29] =	ssyncadd.s32 $0xFFFFC000  }
0xc0: {  	[spmem:s1] =	stream.indirect.scatter.add.f32 [tilespmem:s22], [sflag:$0x3], $0x80, s3, s28, $0xb8;
	[tilespmem:$0x1F000] =	vst v63  }
0xc1: {  	s31 =	stileid.u32;
	_ =	swait.ge [sflag:s15], $0x4000  }
0xc2: {  	s30 =	sadd.s32 $0x1, s30;
	s0 =	sshll.u32 s31, $0x6;
	[sflag:s15] =	ssyncset.done $0x0  }
0xc3: {  	p0 =	sne.s32 s30, s14;
	s0 =	sor.u32 $0x1C03, s0;
	[sflag:s15] =	ssyncadd.s32 $0xFFFFC000  }
.Ltmp3:
0xc4: {  	s3 =	sshrl.u32 s5, $0x3;
	[bflag:$0x0] =	sbarrier.arrive $0xFFFF;
	(pc) =	sbr.rel @p0 .LBB2_1-.Ltmp3, $4  }
0xc5: {  	[hbm:s24], [sflag:s0] =	dma.local [spmem:s3], $0x2800  }
0xc6: {  	_ =	swait.ge [sflag:s15], $0x2800  }
0xc7: {  	[sflag:s15] =	ssyncset.done $0x0  }
0xc8: {  	[sflag:s15] =	ssyncadd.s32 $0xFFFFD800  }
0xc9: {  	_ =	sfence.sel $0x180000  }
0xca: {  	[bflag:$0x0] =	sbarrier.arrive $0xFFFF  }
0xcb: {  	_ =	strace $0x9000004D  }
0xcc: {  	s0 =	stileid.u32;
	[bflag:$0x2] =	sbarrier.arrive $0xFFFF  }
0xcd: {  	p0 =	sne.s32 s0, $0x0;
	s0 =	rddreg [dreg:$0x3]  }
0xce: {  	s0 =	sadd.s32 @!p0 $0x100000, s0  }
0xcf: {  	[sflag:s0] =	ssyncadd.tile.s32 @!p0 $0x1;
	_ =	shalt  }
.Lfunc_end2:
_tile_overlayer_lowered:
.L_overlay_start_2:
0xd0: {  	(tag) =	ssettag $0x2  }
0xd1: {  	s0 =	rddreg [dreg:$0x0];
	s2 =	stileid.u32  }
0xd2: {  	s1 =	rddreg [dreg:$0x1];
	p0 =	sne.s32 s2, $0x0  }
0xd3: {  	s3 =	rddreg [dreg:$0x2];
	[bflag:$0x3] =	sbarrier.arrive $0xFFFF;
	s2 =	simm.s32 @!p0 $0x1C03  }
0xd4: {  	[timem:s3], [sflag:s2] =	dma.local @!p0 [hbm:s0], s1  }
0xd5: {  	s0 =	simm.s32 @!p0 $0x3  }
0xd6: {  	_ =	swait.ge @!p0 [sflag:s0], s1  }
0xd7: {  	s1 =	ssub.s32 @!p0 $0x0, s1;
	[sflag:s0] =	ssyncset.done @!p0 $0x0  }
0xd8: {  	[sflag:s0] =	ssyncadd.s32 @!p0 s1  }
0xd9: {  	[bflag:$0x3] =	sbarrier.arrive $0xFFFF  }
0xda: {  	_ =	shalt  }

// kernel: kernel.8.cloned.1.call-start
scs
__scs_entry_jumppad:
0x0: {  	(pc) =	sbr.rel $0x88, $3  }
0x1: {  	(tag) =	ssettag $0x0;
	lr =	simm.s32 $0x1  }
0x2: {  	[smem:$0x3F9B] =	sst lr;
	_ =	strace $0xD0000000  }
0x3: {  	_ = 	snop  }
0x4: {  	_ = 	snop  }
0x5: {  	_ = 	snop  }
0x6: {  	_ = 	snop  }
0x7: {  	_ = 	snop  }
__scs_overlays_trampoline_lowered:
0x8: {  	[smem:$0x3FAA] =	sst s0  }
0x9: {  	[smem:$0x3FAB] =	sst s1  }
0xa: {  	[smem:$0x3FAC] =	sst s2  }
0xb: {  	[smem:$0x3FAD] =	sst s3  }
0xc: {  	[smem:$0x3FAE] =	sst s4  }
0xd: {  	[smem:$0x3FAF] =	sst s5  }
0xe: {  	[smem:$0x3FB0] =	sst s6  }
0xf: {  	[smem:$0x3FB1] =	sst s7  }
0x10: {  	[smem:$0x3FB2] =	sst s8  }
0x11: {  	[smem:$0x3FB3] =	sst s9;
	s0 =	simm.s32 @!p0 $0x0  }
0x12: {  	s1 =	sld [smem:$0x3F99];
	s0 =	simm.s32 @p0 $0x1  }
0x13: {  	[smem:$0x3FB4] =	sst s0;
	s0 =	simm.s32 @!p1 $0x0  }
0x14: {  	s2 =	sld [smem:$0x3F98];
	s0 =	simm.s32 @p1 $0x1  }
0x15: {  	[smem:$0x3FB5] =	sst s0;
	s0 =	simm.s32 @!p2 $0x0  }
0x16: {  	s3 =	sld [smem:$0x3FDB];
	s0 =	simm.s32 @p2 $0x1  }
0x17: {  	s4 =	simm.s32 $0x1BF5;
	[smem:$0x3FB7] =	sst s0  }
0x18: {  	s0 =	sld [smem:$0x3F9A];
	_ =	swait.ge [sflag:s4], $0x0  }
0x19: {  	s7 =	sld [smem:$0x3F9B]  }
0x1a: {  	s8 =	sadd.s32 $0xFFFFE003, lr  }
0x1b: {  	s9 =	sadd.s32 $0xFFFFFEF7, lr;
	s5 =	simm.s32 $0xFFFFFFFF;
	p2 =	slt.u32 s8, $0xFFFFF086  }
0x1c: {  	p1 =	slt.u32 s9, $0xF7A;
	s5 =	simm.s32 @!p2 $0x0  }
0x1d: {  	s5 =	simm.s32 @p1 $0x1;
	p0 =	seq.s32 s7, s2  }
0x1e: {  	s7 =	smul.u32 @!p0 $0xF7A, s2;
	p2 =	seq.s32 @!p0 s5, $0x0  }
0x1f: {  	s9 =	smul.u32 $0xF7A, s1;
	s8 =	simm.s32 @!p0 $0x1BF5;
	p2 =	por !p2, p0  }
0x20: {  	[sflag:s8] =	ssyncset.s32 @!p0 $0xFFFFF086;
	s6 =	sadd.s32 @!p0 s3, s7;
	s7 =	simm.s32 @!p0 $0x108  }
0x21: {  	s3 =	sadd.s32 s3, s9;
	s6 =	sadd.s32 @!p0 $0x88, s6;
	s7 =	simm.s32 @p2 $0x1082  }
0x22: {  	[simem:s7], [sflag:s8] =	dma.local @!p0 [hbm:s6], $0xF7A  }
0x23: {  	s9 =	sor.u32 $0xD0000000, s2;
	s6 =	simm.s32 $0x108;
	_ =	swait.ge @!p0 [sflag:s8], $0x0  }
0x24: {  	s3 =	sadd.s32 $0x88, s3;
	s6 =	simm.s32 @!p1 $0x1082;
	[sflag:s4] =	ssyncset.s32 $0xFFFFF086  }
0x25: {  	[simem:s6], [sflag:s4] =	dma.local [hbm:s3], $0xF7A  }
0x26: {  	[smem:$0x3F9B] =	sst s1;
	(tag) =	ssettag s2;
	_ =	strace s9  }
0x27: {  	s1 =	sld [smem:$0x3FAB]  }
0x28: {  	s2 =	sld [smem:$0x3FAC]  }
0x29: {  	s4 =	sld [smem:$0x3FAE]  }
0x2a: {  	p0 =	seq.s32 s5, $0x0;
	s5 =	sld [smem:$0x3FAF]  }
0x2b: {  	s6 =	sld [smem:$0x3FB0]  }
0x2c: {  	s7 =	sld [smem:$0x3FB1]  }
0x2d: {  	s3 =	simm.s32 $0x108;
	s8 =	sld [smem:$0x3FB2]  }
0x2e: {  	s3 =	simm.s32 @!p0 $0x1082;
	s9 =	sld [smem:$0x3FB3]  }
0x2f: {  	lr =	sadd.s32 s0, s3;
	s0 =	sld [smem:$0x3FAA]  }
0x30: {  	s3 =	sld [smem:$0x3FAD]  }
0x31: {  	[smem:$0x3FB6] =	sst s10  }
0x32: {  	s10 =	sld [smem:$0x3FB4];
	_ =	sdelay $0x3  }
0x33: {  	p0 =	seq.s32 s10, $0x1;
	s10 =	sld [smem:$0x3FB6];
	_ =	sdelay $0x3  }
0x34: {  	[smem:$0x3FB6] =	sst s10  }
0x35: {  	s10 =	sld [smem:$0x3FB5];
	_ =	sdelay $0x3  }
0x36: {  	p1 =	seq.s32 s10, $0x1;
	s10 =	sld [smem:$0x3FB6];
	_ =	sdelay $0x3  }
0x37: {  	[smem:$0x3FB6] =	sst s10  }
0x38: {  	s10 =	sld [smem:$0x3FB7]  }
0x39: {  	_ = 	snop;
	(pc) =	sbr.ind lr, $3  }
0x3a: {  	_ = 	snop  }
0x3b: {  	_ = 	snop  }
0x3c: {  	p2 =	seq.s32 s10, $0x1;
	s10 =	sld [smem:$0x3FB6]  }
0x3d: {  	_ =	shalt  }
0x3e: {  	_ =	shalt  }
0x3f: {  	_ =	shalt  }
0x40: {  	_ =	shalt  }
0x41: {  	_ =	shalt  }
0x42: {  	_ =	shalt  }
0x43: {  	_ =	shalt  }
0x44: {  	_ =	shalt  }
0x45: {  	_ =	shalt  }
0x46: {  	_ =	shalt  }
0x47: {  	_ =	shalt  }
0x48: {  	_ =	shalt  }
0x49: {  	_ =	shalt  }
0x4a: {  	_ =	shalt  }
0x4b: {  	_ =	shalt  }
0x4c: {  	_ =	shalt  }
0x4d: {  	_ =	shalt  }
0x4e: {  	_ =	shalt  }
0x4f: {  	_ =	shalt  }
0x50: {  	_ =	shalt  }
0x51: {  	_ =	shalt  }
0x52: {  	_ =	shalt  }
0x53: {  	_ =	shalt  }
0x54: {  	_ =	shalt  }
0x55: {  	_ =	shalt  }
0x56: {  	_ =	shalt  }
0x57: {  	_ =	shalt  }
0x58: {  	_ =	shalt  }
0x59: {  	_ =	shalt  }
0x5a: {  	_ =	shalt  }
0x5b: {  	_ =	shalt  }
0x5c: {  	_ =	shalt  }
0x5d: {  	_ =	shalt  }
0x5e: {  	_ =	shalt  }
0x5f: {  	_ =	shalt  }
0x60: {  	_ =	shalt  }
0x61: {  	_ =	shalt  }
0x62: {  	_ =	shalt  }
0x63: {  	_ =	shalt  }
0x64: {  	_ =	shalt  }
0x65: {  	_ =	shalt  }
0x66: {  	_ =	shalt  }
0x67: {  	_ =	shalt  }
0x68: {  	_ =	shalt  }
0x69: {  	_ =	shalt  }
0x6a: {  	_ =	shalt  }
0x6b: {  	_ =	shalt  }
0x6c: {  	_ =	shalt  }
0x6d: {  	_ =	shalt  }
0x6e: {  	_ =	shalt  }
0x6f: {  	_ =	shalt  }
0x70: {  	_ =	shalt  }
0x71: {  	_ =	shalt  }
0x72: {  	_ =	shalt  }
0x73: {  	_ =	shalt  }
0x74: {  	_ =	shalt  }
0x75: {  	_ =	shalt  }
0x76: {  	_ =	shalt  }
0x77: {  	_ =	shalt  }
0x78: {  	_ =	shalt  }
0x79: {  	_ =	shalt  }
0x7a: {  	_ =	shalt  }
0x7b: {  	_ =	shalt  }
0x7c: {  	_ =	shalt  }
0x7d: {  	_ =	shalt  }
0x7e: {  	_ =	shalt  }
0x7f: {  	_ =	shalt  }
0x80: {  	_ =	shalt  }
0x81: {  	_ =	shalt  }
0x82: {  	_ =	shalt  }
0x83: {  	_ =	shalt  }
0x84: {  	_ =	shalt  }
0x85: {  	_ =	shalt  }
0x86: {  	_ =	shalt  }
0x87: {  	_ =	shalt  }
.Lfunc_end0:
.L_simem_size_0:
called_computation_lowered:
.L_overlay_start_0:
0x88: {  	s2 =	sld [smem:$0x3FD9]  }
0x89: {  	s3 =	sld [smem:$0x3FFE];
	_ =	sdelay $0x1  }
0x8a: {  	s1 =	srdreg.scid  }
0x8b: {  	s0 =	sand.u32 $0x1, s1  }
0x8c: {  	s17 =	sshll.u32 s0, $0xA;
	s2 =	sadd.s32 s3, s2  }
0x8d: {  	s2 =	sadd.s32 s2, s17  }
0x8e: {  	[smem:$0x3FC2] =	sst s2  }
0x8f: {  	_ = 	snop  }
0x90: {  	s2 =	sld [smem:$0x3FD0];
	(tm) =	ssettm $0x1  }
0x91: {  	s18 =	sld [smem:$0x3FFB];
	_ =	sdelay $0x3  }
0x92: {  	_ =	strace s18  }
0x93: {  	s3 =	sld [smem:$0x3FFC];
	_ =	sdelay $0x3  }
0x94: {  	_ =	strace s3  }
0x95: {  	s3 =	sld [smem:$0x3FFD];
	_ =	sdelay $0x3  }
0x96: {  	_ =	strace s3  }
0x97: {  	_ =	strace $0x8FFFFFFF  }
0x98: {  	s19 =	sld [smem:$0x3FDB];
	_ =	sdelay $0x1  }
0x99: {  	s4 =	simm.s32 $_scs_section_size  }
0x9a: {  	s5 =	simm.s32 $_size__tile_overlayer_lowered;
	s6 =	simm.s32 $_tile_overlayer_lowered  }
0x9b: {  	s22 =	simm.s32 $0x1BFF;
	s21 =	sshll.u32 s6, $0x1;
	s3 =	sadd.s32 s4, s19  }
0x9c: {  	s7 =	simm.s32 $0x0;
	s20 =	sshll.u32 s5, $0x1;
	s5 =	sadd.s32 s21, s3  }
0x9d: {  	[timem:s7], [sflag:s22] =	dma.local [hbm:s5], s20  }
0x9e: {  	_ =	swait.ge [sflag:s22], s20  }
0x9f: {  	s4 =	ssub.s32 $0x0, s20;
	[sflag:s22] =	ssyncset.done $0x0  }
0xa0: {  	[sflag:s22] =	ssyncadd.s32 s4;
	_ =	sdelay $0x1  }
0xa1: {  	s23 =	simm.s32 $0x1B8B  }
0xa2: {  	_ =	swait.ge [sflag:s23], $0x1  }
0xa3: {  	[sflag:s23] =	ssyncset.done $0x0  }
0xa4: {  	s25 =	simm.s32 $0x1B8E;
	s24 =	sld [smem:$0x3FFE];
	[sflag:s23] =	ssyncadd.s32 $0xFFFFFFFF  }
0xa5: {  	s26 =	simm.s32 $execute0_lowered;
	[smem:$0x3FD2] =	sst s25  }
0xa6: {  	s5 =	sshll.u32 s26, $0x1;
	_ =	strace $0x80000046;
	[dreg:$0x1] =	wrdreg $0xFFFFFFFF  }
0xa7: {  	s28 =	simm.s32 $_size_execute0_lowered;
	s3 =	sadd.s32 s3, s5;
	[dreg:$0x0] =	wrdreg $0x0  }
0xa8: {  	s5 =	sshll.u32 s28, $0x1;
	[dreg:$0x2] =	wrdreg s3  }
0xa9: {  	[dreg:$0x3] =	wrdreg s5  }
0xaa: {  	[dreg:$0x4] =	wrdreg $0xC0  }
0xab: {  	_ =	task [dreg:s7], $0x5FFFF  }
0xac: {  	[dreg:$0x1] =	wrdreg $0xFFFFFFFF  }
0xad: {  	[dreg:$0x0] =	wrdreg $0x60  }
0xae: {  	[dreg:$0x2] =	wrdreg s2  }
0xaf: {  	[dreg:$0x3] =	wrdreg s24  }
0xb0: {  	[dreg:$0x4] =	wrdreg $0x2F000  }
0xb1: {  	[dreg:$0x5] =	wrdreg $0x9  }
0xb2: {  	_ =	task.clear_ibuf [dreg:s7], $0x6FFFF;
	_ =	strace $0x90000046  }
0xb3: {  	s29 =	simm.s32 $0x9;
	_ =	strace $0x80000048  }
0xb4: {  	_ =	swait.ge [sflag:s29], $0x1  }
0xb5: {  	[sflag:s29] =	ssyncadd.s32 $0xFFFFFFFF  }
0xb6: {  	_ =	strace $0x90000048  }
0xb7: {  	_ =	sfence  }
0xb8: {  	s30 =	sld [smem:$0x0];
	_ =	sdelay $0x2  }
0xb9: {  	s31 =	sshll.u32 s1, $0xD;
	s1 =	sshrl.u32 s1, $0x2  }
0xba: {  	s3 =	sand.u32 $0x4000, s31;
	s1 =	sadd.s32 s1, s30  }
0xbb: {  	s0 =	sor.u32 s3, s0;
	s1 =	sshll.u32 s1, $0x11  }
0xbc: {  	s0 =	sor.u32 s1, s0  }
0xbd: {  	s0 =	sadd.s32 $0x8F2B, s0  }
0xbe: {  	[sflag:s0] =	ssyncadd.remote.s32 $0x1  }
0xbf: {  	_ =	sfence.sel $0xFFFF  }
0xc0: {  	[dreg:$0x0] =	wrdreg $0xFFFFFFFF;
	(pc) =	sbr.abs _section_cstart, $3  }
0xc1: {  	[dreg:$0x1] =	wrdreg $0xFFFFFFFF  }
0xc2: {  	_ =	task.clear_ibuf [dreg:s7], $0x2FFFF;
	_ =	strace $0x9FFFFFFF  }
0xc3: {  	(tm) =	ssettm $0x7FFFFFFF  }
tec
execute0_lowered:
.L_overlay_start_1:
0x0: {  	(tag) =	ssettag $0x1  }
0x1: {  	s4 =	rddreg [dreg:$0x0]  }
0x2: {  	s5 =	rddreg [dreg:$0x1]  }
0x3: {  	s2 =	rddreg [dreg:$0x2];
	s3 =	srdreg.scid  }
0x4: {  	s1 =	stileid.u32;
	s0 =	rddreg [dreg:$0x3];
	s11 =	simm.s32 $0x2C00  }
0x5: {  	s12 =	simm.s32 $0x1;
	s15 =	simm.s32 $0x0;
	s6 =	sand.u32 $0x1, s3  }
0x6: {  	s7 =	smul.u32 $0x280, s1;
	s3 =	simm.s32 $0x0;
	s9 =	sshll.u32 s1, $0x1  }
0x7: {  	s13 =	sshll.u32 s1, $0x6;
	s8 =	smul.u32 $0x2800, s6;
	[smem:$0x7FF] =	sst s3  }
0x8: {  	s9 =	sor.u32 s6, s9;
	s6 =	ssub.s32 $0x2, s6;
	s13 =	sor.u32 $0x1C02, s13  }
0x9: {  	s9 =	smul.u32 $0x580, s9;
	s10 =	sshrl.u32 s6, $0x1;
	s8 =	sadd.s32 s7, s8  }
0xa: {  	_ =	strace $0x80000047;
	s10 =	ssub.s32 s6, s10;
	s8 =	sshrl.u32 s8, $0x3  }
0xb: {  	s4 =	sadd.s32 s4, s9;
	s9 =	simm.s32 $0x2C80;
	s8 =	sadd.s32 s8, s5  }
0xc: {  	s5 =	sadd.s32 s7, s2;
	s7 =	smax.u32 s10, $0x1;
	s10 =	simm.s32 $0x80  }
0xd: {  	v0 =	vimm.f32 $1.000000000e+00;
	v1 =	vimm.f32 $0.0e+00;
	s6 =	sadd.s32 $0x2000, s8;
	s8 =	simm.s32 $0x2;
	s14 =	sshrl.u32 s5, $0x3  }
.LBB2_1:
0xe: {  	[tilespmem:s3], [sflag:$0x2] =	stream.linear.gather [hbm4b:s4+s3], $0x2C00, $0x38;
	[tilespmem:$0x3180] =	vst v63  }
0xf: {  	_ =	swait.ge [sflag:s8], $0x2C00  }
0x10: {  	[sflag:s8] =	ssyncset.done $0x0  }
0x11: {  	[sflag:s8] =	ssyncadd.s32 $0xFFFFD400  }
0x12: {  	[tilespmem:$0x2C00] =	vst v0  }
0x13: {  	[tilespmem:$0x2C10] =	vst v0  }
0x14: {  	[tilespmem:$0x2C20] =	vst v0  }
0x15: {  	[tilespmem:$0x2C30] =	vst v0  }
0x16: {  	[tilespmem:$0x2C40] =	vst v0  }
0x17: {  	[tilespmem:$0x2C50] =	vst v0  }
0x18: {  	[tilespmem:$0x2C60] =	vst v0  }
0x19: {  	[tilespmem:$0x2C70] =	vst v0  }
0x1a: {  	[tilespmem:$0x2C80] =	vst v1  }
0x1b: {  	[tilespmem:$0x2C90] =	vst v1  }
0x1c: {  	[tilespmem:$0x2CA0] =	vst v1  }
0x1d: {  	[tilespmem:$0x2CB0] =	vst v1  }
0x1e: {  	[tilespmem:$0x2CC0] =	vst v1  }
0x1f: {  	[tilespmem:$0x2CD0] =	vst v1  }
0x20: {  	[tilespmem:$0x2CE0] =	vst v1  }
0x21: {  	[tilespmem:$0x2CF0] =	vst v1  }
0x22: {  	[tilespmem:$0x2D00] =	vst v1  }
0x23: {  	[tilespmem:$0x2D10] =	vst v1  }
0x24: {  	[tilespmem:$0x2D20] =	vst v1  }
0x25: {  	[tilespmem:$0x2D30] =	vst v1  }
0x26: {  	[tilespmem:$0x2D40] =	vst v1  }
0x27: {  	[tilespmem:$0x2D50] =	vst v1  }
0x28: {  	[tilespmem:$0x2D60] =	vst v1  }
0x29: {  	[tilespmem:$0x2D70] =	vst v1  }
0x2a: {  	[tilespmem:$0x2D80] =	vst v1  }
0x2b: {  	[tilespmem:$0x2D90] =	vst v1  }
0x2c: {  	[tilespmem:$0x2DA0] =	vst v1  }
0x2d: {  	[tilespmem:$0x2DB0] =	vst v1  }
0x2e: {  	[tilespmem:$0x2DC0] =	vst v1  }
0x2f: {  	[tilespmem:$0x2DD0] =	vst v1  }
0x30: {  	[tilespmem:$0x2DE0] =	vst v1  }
0x31: {  	[tilespmem:$0x2DF0] =	vst v1  }
0x32: {  	[tilespmem:$0x2E00] =	vst v1  }
0x33: {  	[tilespmem:$0x2E10] =	vst v1  }
0x34: {  	[tilespmem:$0x2E20] =	vst v1  }
0x35: {  	[tilespmem:$0x2E30] =	vst v1  }
0x36: {  	[tilespmem:$0x2E40] =	vst v1  }
0x37: {  	[tilespmem:$0x2E50] =	vst v1  }
0x38: {  	[tilespmem:$0x2E60] =	vst v1  }
0x39: {  	[tilespmem:$0x2E70] =	vst v1  }
0x3a: {  	[tilespmem:$0x2E80] =	vst v1  }
0x3b: {  	[tilespmem:$0x2E90] =	vst v1  }
0x3c: {  	[tilespmem:$0x2EA0] =	vst v1  }
0x3d: {  	[tilespmem:$0x2EB0] =	vst v1  }
0x3e: {  	[tilespmem:$0x2EC0] =	vst v1  }
0x3f: {  	[tilespmem:$0x2ED0] =	vst v1  }
0x40: {  	[tilespmem:$0x2EE0] =	vst v1  }
0x41: {  	[tilespmem:$0x2EF0] =	vst v1  }
0x42: {  	[spmem:s5] =	stream.linear.scatter [tilespmem:s9], [sflag:$0x2], $0x280, $0x38;
	[tilespmem:$0x3180] =	vst v63  }
0x43: {  	_ =	swait.ge [sflag:s8], $0x280  }
0x44: {  	[sflag:s8] =	ssyncset.done $0x0  }
0x45: {  	[sflag:s8] =	ssyncadd.s32 $0xFFFFFD80  }
0x46: {  	s16 =	simm.s32 $0x0;
	[bflag:$0x0] =	sbarrier.arrive $0xFFFF  }
.LBB2_2:
0x47: {  	p0 =	sne.s32 s16, $0xA200  }
.Ltmp0:
0x48: {  	_ = 	snop;
	(pc) =	sbr.rel @p0 .LBB2_2-.Ltmp0, $3  }
0x49: {  	_ =	sdelay $0x1  }
0x4a: {  	s17 =	sshra.s32 s16, $0x2;
	s16 =	sadd.s32 $0x200, s16  }
0x4b: {  	[spmem:s2] =	stream.indirect.scatter.add.f32 [tilespmem:s11], [sflag:$0x1], $0x1, s17, s10, $0xb8;
	[tilespmem:$0x3180] =	vst v63  }
0x4c: {  	_ =	swait.ge [sflag:s12], $0x80  }
0x4d: {  	s16 =	simm.s32 $0x51;
	[sflag:s12] =	ssyncset.done $0x0  }
.LBB2_4:
0x4e: {  	p0 =	sne.s32 s16, $0x1;
	s16 =	sadd.s32 $0xFFFFFFFF, s16;
	[sflag:s12] =	ssyncadd.s32 $0xFFFFFF80  }
.Ltmp1:
0x4f: {  	(pc) =	sbr.rel @p0 .LBB2_4-.Ltmp1, $3  }
0x50: {  	_ =	sdelay $0x1  }
0x51: {  	_ =	swait.ge [sflag:s12], $0x80  }
0x52: {  	[sflag:s12] =	ssyncset.done $0x0  }
0x53: {  	s15 =	sadd.s32 $0x1, s15  }
0x54: {  	[sflag:s12] =	ssyncadd.s32 $0xFFFFFF80;
	p0 =	sne.s32 s15, s7  }
.Ltmp2:
0x55: {  	[bflag:$0x0] =	sbarrier.arrive $0xFFFF;
	(pc) =	sbr.rel @p0 .LBB2_1-.Ltmp2, $4  }
0x56: {  	[hbm:s6], [sflag:s13] =	dma.local [spmem:s14], $0x50  }
0x57: {  	_ =	swait.ge [sflag:s8], $0x50  }
0x58: {  	[sflag:s8] =	ssyncset.done $0x0  }
0x59: {  	[sflag:s8] =	ssyncadd.s32 $0xFFFFFFB0  }
0x5a: {  	_ =	sfence.sel $0x180000  }
0x5b: {  	[bflag:$0x0] =	sbarrier.arrive $0xFFFF  }
0x5c: {  	p0 =	sne.s32 s1, $0x0;
	_ =	strace $0x90000047  }
0x5d: {  	s0 =	sadd.s32 @!p0 $0x100000, s0;
	[bflag:$0x2] =	sbarrier.arrive $0xFFFF  }
0x5e: {  	[sflag:s0] =	ssyncadd.tile.s32 @!p0 $0x1;
	_ =	shalt  }
.Lfunc_end2:
_tile_overlayer_lowered:
.L_overlay_start_2:
0x5f: {  	(tag) =	ssettag $0x2  }
0x60: {  	s0 =	rddreg [dreg:$0x0];
	s2 =	stileid.u32  }
0x61: {  	s1 =	rddreg [dreg:$0x1];
	p0 =	sne.s32 s2, $0x0  }
0x62: {  	s3 =	rddreg [dreg:$0x2];
	[bflag:$0x3] =	sbarrier.arrive $0xFFFF;
	s2 =	simm.s32 @!p0 $0x1C02  }
0x63: {  	[timem:s3], [sflag:s2] =	dma.local @!p0 [hbm:s0], s1  }
0x64: {  	s0 =	simm.s32 @!p0 $0x2  }
0x65: {  	_ =	swait.ge @!p0 [sflag:s0], s1  }
0x66: {  	s1 =	ssub.s32 @!p0 $0x0, s1;
	[sflag:s0] =	ssyncset.done @!p0 $0x0  }
0x67: {  	[sflag:s0] =	ssyncadd.s32 @!p0 s1  }
0x68: {  	[bflag:$0x3] =	sbarrier.arrive $0xFFFF  }
0x69: {  	_ =	shalt  }

</sc_bundles>
